<compile_context>
chip_gen: v7x
topology: tpu7x:2x2x1
jax: 0.10.2.dev20260603
libtpu: 0.0.44.dev20260713+nightly
codegen_flags: <defaults>
</compile_context>

<pallas_src>
import jax
import jax.numpy as jnp
from jax import lax
from jax.experimental import pallas as pl
from jax.experimental.pallas import tpu as pltpu
from jax.experimental.pallas import tpu_sc as plsc

B = 4096
L = 200
D = 64
DP = 128
LANES = 16
NC = 2
NS = 16
NW = NC * NS
BPW = B // NW
NSLOT = 4
SKEW = DP + 1


def _emb_body(idx_hbm, pos_hbm, tok_hbm, out_hbm, pos_v, sr_pad,
              i0, i1, i2, i3, g0, g1, g2, g3, s0, s1, s2, s3,
              gs0, gs1, gs2, gs3, ss0, ss1, ss2, ss3,
              is0, is1, is2, is3):
    wid = lax.axis_index("s") * NC + lax.axis_index("c")
    w_b = wid * BPW

    idx_b = (i0, i1, i2, i3)
    grows = (g0, g1, g2, g3)
    srows = (s0, s1, s2, s3)
    gsem = (gs0, gs1, gs2, gs3)
    ssem = (ss0, ss1, ss2, ss3)
    isem = (is0, is1, is2, is3)

    def fire_idx(c, b):
        pltpu.async_copy(idx_hbm.at[c, pl.ds(w_b, BPW)], idx_b[b], isem[b])

    def wait_idx(b):
        pltpu.make_async_copy(
            idx_hbm.at[0, pl.ds(0, BPW)], idx_b[b], isem[b]).wait()

    def fire_gather(b):
        pltpu.async_copy(tok_hbm.at[idx_b[b]], grows[b], gsem[b])

    def wait_gather(b):
        pltpu.make_async_copy(tok_hbm.at[idx_b[b]], grows[b], gsem[b]).wait()

    def fire_store(c, b):
        pltpu.async_copy(
            srows[b], out_hbm.at[c, :, pl.ds(wid, 1)], ssem[b])

    def wait_store(b):
        pltpu.make_async_copy(
            srows[b], out_hbm.at[0, :, pl.ds(0, 1)], ssem[b]).wait()

    pltpu.sync_copy(pos_hbm, pos_v)

    rowv = [(lax.iota(jnp.int32, LANES) + j * LANES) * SKEW
            for j in range(D // LANES)]

    fire_idx(0, 0)
    fire_idx(1, 1)
    fire_idx(2, 2)
    wait_idx(0)
    fire_gather(0)
    wait_idx(1)
    fire_gather(1)

    def outer(t, _):
        for b in range(NSLOT):
            c = t * NSLOT + b
            wait_gather(b)
            gr = grows[b]
            sr = srows[b]
            p = [pos_v[pl.ds(c * D + j * LANES, LANES)]
                 for j in range(D // LANES)]

            @plsc.parallel_loop(0, BPW, unroll=2)
            def _add(tk):
                for j in range(D // LANES):
                    x = gr[tk, pl.ds(j * LANES, LANES)] + p[j]
                    plsc.store_scatter(sr_pad, [rowv[j] + tk], x)

            @plsc.parallel_loop(0, D, unroll=2)
            def _compact(d):
                dt = lax.div(d, 8)
                ds = lax.rem(d, 8)
                for j2 in range(DP // LANES):
                    sr[dt, 0, ds, pl.ds(j2 * LANES, LANES)] = (
                        sr_pad[pl.ds(d * SKEW + j2 * LANES, LANES)])

            fire_store(c, b)

            bn = (b + 2) % NSLOT

            @pl.when(c + 2 < L)
            def _():
                @pl.when(c >= 2)
                def _():
                    wait_store(bn)
                wait_idx(bn)
                fire_gather(bn)

            @pl.when(c + 3 < L)
            def _():
                fire_idx(c + 3, (b + 3) % NSLOT)
        return 0

    lax.fori_loop(0, L // NSLOT, outer, 0, unroll=False)

    for b in range(NSLOT):
        wait_store(b)


@jax.jit
def _emb(idx_t, pos_flat, token_table):
    mesh = plsc.VectorSubcoreMesh(core_axis_name="c", subcore_axis_name="s")
    return pl.kernel(
        _emb_body,
        mesh=mesh,
        compiler_params=pltpu.CompilerParams(
            use_tc_tiling_on_sc=False, needs_layout_passes=False),
        out_type=jax.ShapeDtypeStruct((L, D // 8, NW, 8, DP), jnp.float32),
        scratch_types=[
            pltpu.VMEM((L * D,), jnp.float32),
            pltpu.VMEM((D * SKEW,), jnp.float32),
        ]
        + [pltpu.VMEM((BPW,), jnp.int32)] * NSLOT
        + [pltpu.VMEM((BPW, D), jnp.float32)] * NSLOT
        + [pltpu.VMEM((D // 8, 1, 8, DP), jnp.float32)] * NSLOT
        + [pltpu.SemaphoreType.DMA] * (3 * NSLOT),
    )(idx_t, pos_flat, token_table)


def kernel(inputs, token_table, position_table):
    idx_t = jnp.asarray(inputs, jnp.int32).T
    pos_flat = position_table.reshape(L * D)
    out5 = _emb(idx_t, pos_flat, token_table)
    out = jnp.transpose(out5, (2, 4, 0, 1, 3))
    return out.reshape(B, L, D)

# --- scband reference (transcript-rebuilt; emitter-appended) ---
"""Pipeline reference for scband-positional-embedding-24575802868403 (READ-ONLY COPY).

The authoritative reference and input builder live on the scoring server;
editing this copy changes nothing except your own understanding.
"""

import jax, jax.numpy as jnp
import numpy as np

VOCAB = 100000
SEQ_LEN = 200
EMBED_DIM = 64
BATCH = 4096


def setup_inputs(seed: int = 0) -> dict:
    key = jax.random.key(seed)
    k_idx, k_tok, k_pos = jax.random.split(key, 3)
    inputs = jax.random.randint(k_idx, (BATCH, SEQ_LEN), 0, VOCAB, dtype=jnp.int64 if jax.config.jax_enable_x64 else jnp.int32)
    token_table = jax.random.normal(k_tok, (VOCAB, EMBED_DIM), dtype=jnp.float32) * 0.02
    position_table = jax.random.normal(k_pos, (SEQ_LEN, EMBED_DIM), dtype=jnp.float32) * 0.02
    return {"inputs": inputs, "token_table": token_table, "position_table": position_table}


def reference(inputs, token_table, position_table):
    length = inputs.shape[-1]
    positions = jnp.arange(0, length)
    embedded_tokens = jnp.take(token_table, inputs, axis=0)          # [B, L, D]
    embedded_positions = jnp.take(position_table, positions, axis=0)  # [L, D]
    return embedded_tokens + embedded_positions[None, :, :]

if __name__ == "__main__":
    import jax
    _d = setup_inputs()
    print(jax.jit(kernel)(*tuple(_d.values())))

</pallas_src>

<mosaic_0001>
#map = affine_map<(d0, d1) -> (0, 0)>
#map1 = affine_map<(d0, d1) -> (0)>
#map2 = affine_map<(d0, d1) -> (0, 0, 0, 0, 0)>
module attributes {stable_mosaic.version = 14 : i64} {
  func.func @_emb_body(%arg0: i32, %arg1: i32, %arg2: memref<200x4096xi32, #tpu.memory_space<hbm>>, %arg3: memref<12800xf32, #tpu.memory_space<hbm>>, %arg4: memref<100000x64xf32, #tpu.memory_space<hbm>>, %arg5: memref<200x8x32x8x128xf32, #tpu.memory_space<hbm>>, %arg6: memref<12800xf32, #tpu.memory_space<vmem>>, %arg7: memref<8256xf32, #tpu.memory_space<vmem>>, %arg8: memref<128xi32, #tpu.memory_space<vmem>>, %arg9: memref<128xi32, #tpu.memory_space<vmem>>, %arg10: memref<128xi32, #tpu.memory_space<vmem>>, %arg11: memref<128xi32, #tpu.memory_space<vmem>>, %arg12: memref<128x64xf32, #tpu.memory_space<vmem>>, %arg13: memref<128x64xf32, #tpu.memory_space<vmem>>, %arg14: memref<128x64xf32, #tpu.memory_space<vmem>>, %arg15: memref<128x64xf32, #tpu.memory_space<vmem>>, %arg16: memref<8x1x8x128xf32, #tpu.memory_space<vmem>>, %arg17: memref<8x1x8x128xf32, #tpu.memory_space<vmem>>, %arg18: memref<8x1x8x128xf32, #tpu.memory_space<vmem>>, %arg19: memref<8x1x8x128xf32, #tpu.memory_space<vmem>>, %arg20: memref<!tpu.dma_semaphore, #tpu.memory_space<semaphore_mem>>, %arg21: memref<!tpu.dma_semaphore, #tpu.memory_space<semaphore_mem>>, %arg22: memref<!tpu.dma_semaphore, #tpu.memory_space<semaphore_mem>>, %arg23: memref<!tpu.dma_semaphore, #tpu.memory_space<semaphore_mem>>, %arg24: memref<!tpu.dma_semaphore, #tpu.memory_space<semaphore_mem>>, %arg25: memref<!tpu.dma_semaphore, #tpu.memory_space<semaphore_mem>>, %arg26: memref<!tpu.dma_semaphore, #tpu.memory_space<semaphore_mem>>, %arg27: memref<!tpu.dma_semaphore, #tpu.memory_space<semaphore_mem>>, %arg28: memref<!tpu.dma_semaphore, #tpu.memory_space<semaphore_mem>>, %arg29: memref<!tpu.dma_semaphore, #tpu.memory_space<semaphore_mem>>, %arg30: memref<!tpu.dma_semaphore, #tpu.memory_space<semaphore_mem>>, %arg31: memref<!tpu.dma_semaphore, #tpu.memory_space<semaphore_mem>>) attributes {dimension_semantics = [#tpu.dimension_semantics<core_parallel>, #tpu.dimension_semantics<subcore_parallel>], iteration_bounds = array<i64: 2, 16>, scalar_prefetch = 0 : i64, scratch_operands = 26 : i64, tpu.core_type = #tpu.core_type<sc_vector_subcore>, window_params = [{transform_indices = #map}, {transform_indices = #map1}, {transform_indices = #map}, {transform_indices = #map2}]} {
    %mul3A = arith.constant 2 : i32
    %mul3A_0 = arith.muli %arg1, %mul3A : i32
    %add3A = arith.addi %mul3A_0, %arg0 : i32
    %mul3A_1 = arith.constant 128 : i32
    %mul3A_2 = arith.muli %add3A, %mul3A_1 : i32
    "tpu.region"() ({
      %run_scoped3A = tpu.sem_alloc : memref<!tpu.dma_semaphore, #tpu.memory_space<semaphore_mem>>
      tpu.enqueue_dma source(%arg3 : memref<12800xf32, #tpu.memory_space<hbm>>) target(%arg6 : memref<12800xf32, #tpu.memory_space<vmem>>) target_semaphore(%run_scoped3A : memref<!tpu.dma_semaphore, #tpu.memory_space<semaphore_mem>>)
      tpu.wait_dma2 semaphore(%run_scoped3A : memref<!tpu.dma_semaphore, #tpu.memory_space<semaphore_mem>>) src(%arg3 : memref<12800xf32, #tpu.memory_space<hbm>>) dst(%arg6 : memref<12800xf32, #tpu.memory_space<vmem>>)
      tpu.yield
    }) : () -> ()
    %iota3A = tpu.iota {dimensions = array<i32: 0>} : vector<16xi32>
    %add3A_3 = arith.constant 0 : i32
    %add3A_4 = vector.broadcast %add3A_3 : i32 to vector<16xi32>
    %add3A_5 = arith.addi %iota3A, %add3A_4 : vector<16xi32>
    %mul3A_6 = arith.constant 129 : i32
    %mul3A_7 = vector.broadcast %mul3A_6 : i32 to vector<16xi32>
    %mul3A_8 = arith.muli %add3A_5, %mul3A_7 : vector<16xi32>
    %iota3A_9 = tpu.iota {dimensions = array<i32: 0>} : vector<16xi32>
    %add3A_10 = arith.constant 16 : i32
    %add3A_11 = vector.broadcast %add3A_10 : i32 to vector<16xi32>
    %add3A_12 = arith.addi %iota3A_9, %add3A_11 : vector<16xi32>
    %mul3A_13 = arith.constant 129 : i32
    %mul3A_14 = vector.broadcast %mul3A_13 : i32 to vector<16xi32>
    %mul3A_15 = arith.muli %add3A_12, %mul3A_14 : vector<16xi32>
    %iota3A_16 = tpu.iota {dimensions = array<i32: 0>} : vector<16xi32>
    %add3A_17 = arith.constant 32 : i32
    %add3A_18 = vector.broadcast %add3A_17 : i32 to vector<16xi32>
    %add3A_19 = arith.addi %iota3A_16, %add3A_18 : vector<16xi32>
    %mul3A_20 = arith.constant 129 : i32
    %mul3A_21 = vector.broadcast %mul3A_20 : i32 to vector<16xi32>
    %mul3A_22 = arith.muli %add3A_19, %mul3A_21 : vector<16xi32>
    %iota3A_23 = tpu.iota {dimensions = array<i32: 0>} : vector<16xi32>
    %add3A_24 = arith.constant 48 : i32
    %add3A_25 = vector.broadcast %add3A_24 : i32 to vector<16xi32>
    %add3A_26 = arith.addi %iota3A_23, %add3A_25 : vector<16xi32>
    %mul3A_27 = arith.constant 129 : i32
    %mul3A_28 = vector.broadcast %mul3A_27 : i32 to vector<16xi32>
    %mul3A_29 = arith.muli %add3A_26, %mul3A_28 : vector<16xi32>
    %dma_start3A = arith.constant 0 : i32
    %dma_start3A_30 = tpu.memref_slice %arg2[%dma_start3A, %mul3A_2] : memref<200x4096xi32, #tpu.memory_space<hbm>> -> memref<1x128xi32, #tpu.memory_space<hbm>>
    %dma_start3A_31 = tpu.memref_squeeze %dma_start3A_30 : memref<1x128xi32, #tpu.memory_space<hbm>> -> memref<128xi32, #tpu.memory_space<hbm>>
    %dma_start3A_32 = tpu.memref_slice %arg2[%dma_start3A, %mul3A_2] : memref<200x4096xi32, #tpu.memory_space<hbm>> -> memref<1x128xi32, #tpu.memory_space<hbm>>
    %dma_start3A_33 = tpu.memref_squeeze %dma_start3A_32 : memref<1x128xi32, #tpu.memory_space<hbm>> -> memref<128xi32, #tpu.memory_space<hbm>>
    tpu.enqueue_dma source(%dma_start3A_33 : memref<128xi32, #tpu.memory_space<hbm>>) target(%arg8 : memref<128xi32, #tpu.memory_space<vmem>>) target_semaphore(%arg28 : memref<!tpu.dma_semaphore, #tpu.memory_space<semaphore_mem>>)
    %dma_start3A_34 = arith.constant 1 : i32
    %dma_start3A_35 = tpu.memref_slice %arg2[%dma_start3A_34, %mul3A_2] : memref<200x4096xi32, #tpu.memory_space<hbm>> -> memref<1x128xi32, #tpu.memory_space<hbm>>
    %dma_start3A_36 = tpu.memref_squeeze %dma_start3A_35 : memref<1x128xi32, #tpu.memory_space<hbm>> -> memref<128xi32, #tpu.memory_space<hbm>>
    %dma_start3A_37 = tpu.memref_slice %arg2[%dma_start3A_34, %mul3A_2] : memref<200x4096xi32, #tpu.memory_space<hbm>> -> memref<1x128xi32, #tpu.memory_space<hbm>>
    %dma_start3A_38 = tpu.memref_squeeze %dma_start3A_37 : memref<1x128xi32, #tpu.memory_space<hbm>> -> memref<128xi32, #tpu.memory_space<hbm>>
    tpu.enqueue_dma source(%dma_start3A_38 : memref<128xi32, #tpu.memory_space<hbm>>) target(%arg9 : memref<128xi32, #tpu.memory_space<vmem>>) target_semaphore(%arg29 : memref<!tpu.dma_semaphore, #tpu.memory_space<semaphore_mem>>)
    %dma_start3A_39 = arith.constant 2 : i32
    %dma_start3A_40 = tpu.memref_slice %arg2[%dma_start3A_39, %mul3A_2] : memref<200x4096xi32, #tpu.memory_space<hbm>> -> memref<1x128xi32, #tpu.memory_space<hbm>>
    %dma_start3A_41 = tpu.memref_squeeze %dma_start3A_40 : memref<1x128xi32, #tpu.memory_space<hbm>> -> memref<128xi32, #tpu.memory_space<hbm>>
    %dma_start3A_42 = tpu.memref_slice %arg2[%dma_start3A_39, %mul3A_2] : memref<200x4096xi32, #tpu.memory_space<hbm>> -> memref<1x128xi32, #tpu.memory_space<hbm>>
    %dma_start3A_43 = tpu.memref_squeeze %dma_start3A_42 : memref<1x128xi32, #tpu.memory_space<hbm>> -> memref<128xi32, #tpu.memory_space<hbm>>
    tpu.enqueue_dma source(%dma_start3A_43 : memref<128xi32, #tpu.memory_space<hbm>>) target(%arg10 : memref<128xi32, #tpu.memory_space<vmem>>) target_semaphore(%arg30 : memref<!tpu.dma_semaphore, #tpu.memory_space<semaphore_mem>>)
    %dma_wait3A = arith.constant 0 : i32
    %dma_wait3A_44 = arith.constant 0 : i32
    %dma_wait3A_45 = tpu.memref_slice %arg2[%dma_wait3A, %dma_wait3A_44] : memref<200x4096xi32, #tpu.memory_space<hbm>> -> memref<1x128xi32, #tpu.memory_space<hbm>>
    %dma_wait3A_46 = tpu.memref_squeeze %dma_wait3A_45 : memref<1x128xi32, #tpu.memory_space<hbm>> -> memref<128xi32, #tpu.memory_space<hbm>>
    %dma_wait3A_47 = arith.constant 0 : i32
    %dma_wait3A_48 = tpu.memref_slice %arg2[%dma_wait3A, %dma_wait3A_47] : memref<200x4096xi32, #tpu.memory_space<hbm>> -> memref<1x128xi32, #tpu.memory_space<hbm>>
    %dma_wait3A_49 = tpu.memref_squeeze %dma_wait3A_48 : memref<1x128xi32, #tpu.memory_space<hbm>> -> memref<128xi32, #tpu.memory_space<hbm>>
    tpu.wait_dma2 semaphore(%arg28 : memref<!tpu.dma_semaphore, #tpu.memory_space<semaphore_mem>>) src(%dma_wait3A_49 : memref<128xi32, #tpu.memory_space<hbm>>) dst(%arg8 : memref<128xi32, #tpu.memory_space<vmem>>)
    %dma_start3A_50 = arith.constant 0 : i32
    %dma_start3A_51 = arith.constant 0 : i32
    %dma_start3A_52 = tpu.memref_slice %arg4[%dma_start3A_50, %dma_start3A_51] : memref<100000x64xf32, #tpu.memory_space<hbm>> -> memref<100000x64xf32, #tpu.memory_space<hbm>>
    tpu.enqueue_indirect_dma source(%dma_start3A_52 : memref<100000x64xf32, #tpu.memory_space<hbm>>) target(%arg12 : memref<128x64xf32, #tpu.memory_space<vmem>>) offsets(%arg8 : memref<128xi32, #tpu.memory_space<vmem>>) semaphore(%arg20 : memref<!tpu.dma_semaphore, #tpu.memory_space<semaphore_mem>>)
    %dma_wait3A_53 = arith.constant 0 : i32
    %dma_wait3A_54 = arith.constant 0 : i32
    %dma_wait3A_55 = tpu.memref_slice %arg2[%dma_wait3A_53, %dma_wait3A_54] : memref<200x4096xi32, #tpu.memory_space<hbm>> -> memref<1x128xi32, #tpu.memory_space<hbm>>
    %dma_wait3A_56 = tpu.memref_squeeze %dma_wait3A_55 : memref<1x128xi32, #tpu.memory_space<hbm>> -> memref<128xi32, #tpu.memory_space<hbm>>
    %dma_wait3A_57 = arith.constant 0 : i32
    %dma_wait3A_58 = tpu.memref_slice %arg2[%dma_wait3A_53, %dma_wait3A_57] : memref<200x4096xi32, #tpu.memory_space<hbm>> -> memref<1x128xi32, #tpu.memory_space<hbm>>
    %dma_wait3A_59 = tpu.memref_squeeze %dma_wait3A_58 : memref<1x128xi32, #tpu.memory_space<hbm>> -> memref<128xi32, #tpu.memory_space<hbm>>
    tpu.wait_dma2 semaphore(%arg29 : memref<!tpu.dma_semaphore, #tpu.memory_space<semaphore_mem>>) src(%dma_wait3A_59 : memref<128xi32, #tpu.memory_space<hbm>>) dst(%arg9 : memref<128xi32, #tpu.memory_space<vmem>>)
    %dma_start3A_60 = arith.constant 0 : i32
    %dma_start3A_61 = arith.constant 0 : i32
    %dma_start3A_62 = tpu.memref_slice %arg4[%dma_start3A_60, %dma_start3A_61] : memref<100000x64xf32, #tpu.memory_space<hbm>> -> memref<100000x64xf32, #tpu.memory_space<hbm>>
    tpu.enqueue_indirect_dma source(%dma_start3A_62 : memref<100000x64xf32, #tpu.memory_space<hbm>>) target(%arg13 : memref<128x64xf32, #tpu.memory_space<vmem>>) offsets(%arg9 : memref<128xi32, #tpu.memory_space<vmem>>) semaphore(%arg21 : memref<!tpu.dma_semaphore, #tpu.memory_space<semaphore_mem>>)
    %scan3A = arith.constant 0 : i32
    %scan3A_63 = arith.constant 0 : i32
    %scan3A_64 = arith.constant 50 : i32
    %scan3A_65 = arith.addi %scan3A_63, %scan3A_64 : i32
    %scan3A_66 = arith.constant 1 : i32
    %scan3A_67 = scf.for %scan3A_121 = %scan3A_63 to %scan3A_65 step %scan3A_66 iter_args(%scan3A_122 = %scan3A) -> (i32)  : i32 {
      %mul3A_123 = arith.constant 4 : i32
      %mul3A_124 = arith.muli %scan3A_121, %mul3A_123 : i32
      %add3A_125 = arith.constant 0 : i32
      %add3A_126 = arith.addi %mul3A_124, %add3A_125 : i32
      %dma_wait3A_127 = arith.constant 0 : i32
      %dma_wait3A_128 = arith.constant 0 : i32
      %dma_wait3A_129 = tpu.memref_slice %arg4[%dma_wait3A_127, %dma_wait3A_128] : memref<100000x64xf32, #tpu.memory_space<hbm>> -> memref<100000x64xf32, #tpu.memory_space<hbm>>
      tpu.wait_indirect_dma semaphore(%arg20 : memref<!tpu.dma_semaphore, #tpu.memory_space<semaphore_mem>>) src(%dma_wait3A_129 : memref<100000x64xf32, #tpu.memory_space<hbm>>) dst(%arg12 : memref<128x64xf32, #tpu.memory_space<vmem>>)
      %mul3A_130 = arith.constant 64 : i32
      %mul3A_131 = arith.muli %add3A_126, %mul3A_130 : i32
      %add3A_132 = arith.constant 0 : i32
      %add3A_133 = arith.addi %mul3A_131, %add3A_132 : i32
      %get3A = arith.index_cast %add3A_133 : i32 to index
      %get3A_134 = tpu.vector_load %arg6[%get3A] {strides = array<i32>} : memref<12800xf32, #tpu.memory_space<vmem>>, vector<16xf32>,
      %mul3A_135 = arith.constant 64 : i32
      %mul3A_136 = arith.muli %add3A_126, %mul3A_135 : i32
      %add3A_137 = arith.constant 16 : i32
      %add3A_138 = arith.addi %mul3A_136, %add3A_137 : i32
      %get3A_139 = arith.index_cast %add3A_138 : i32 to index
      %get3A_140 = tpu.vector_load %arg6[%get3A_139] {strides = array<i32>} : memref<12800xf32, #tpu.memory_space<vmem>>, vector<16xf32>,
      %mul3A_141 = arith.constant 64 : i32
      %mul3A_142 = arith.muli %add3A_126, %mul3A_141 : i32
      %add3A_143 = arith.constant 32 : i32
      %add3A_144 = arith.addi %mul3A_142, %add3A_143 : i32
      %get3A_145 = arith.index_cast %add3A_144 : i32 to index
      %get3A_146 = tpu.vector_load %arg6[%get3A_145] {strides = array<i32>} : memref<12800xf32, #tpu.memory_space<vmem>>, vector<16xf32>,
      %mul3A_147 = arith.constant 64 : i32
      %mul3A_148 = arith.muli %add3A_126, %mul3A_147 : i32
      %add3A_149 = arith.constant 48 : i32
      %add3A_150 = arith.addi %mul3A_148, %add3A_149 : i32
      %get3A_151 = arith.index_cast %add3A_150 : i32 to index
      %get3A_152 = tpu.vector_load %arg6[%get3A_151] {strides = array<i32>} : memref<12800xf32, #tpu.memory_space<vmem>>, vector<16xf32>,
      %parallel_loop3A = arith.constant 0 : i32
      %parallel_loop3A_153 = arith.constant 128 : i32
      %parallel_loop3A_154 = arith.constant 1 : i32
      scf.for %parallel_loop3A_363 = %parallel_loop3A to %parallel_loop3A_153 step %parallel_loop3A_154  : i32 {
        %parallel_loop3A_364 = arith.index_cast %parallel_loop3A_363 : i32 to index
        %parallel_loop3A_365 = arith.constant 0 : index
        %parallel_loop3A_366 = tpu.vector_load %arg12[%parallel_loop3A_364, %parallel_loop3A_365] {strides = array<i32>} : memref<128x64xf32, #tpu.memory_space<vmem>>, vector<16xf32>,
        %parallel_loop3A_367 = arith.addf %parallel_loop3A_366, %get3A_134 : vector<16xf32>
        %parallel_loop3A_368 = vector.broadcast %parallel_loop3A_363 : i32 to vector<16xi32>
        %parallel_loop3A_369 = arith.addi %mul3A_8, %parallel_loop3A_368 : vector<16xi32>
        tpu.vector_store_idx %arg7[%parallel_loop3A_369], %parallel_loop3A_367 : memref<8256xf32, #tpu.memory_space<vmem>>[vector<16xi32>], vector<16xf32>,
        %parallel_loop3A_370 = arith.index_cast %parallel_loop3A_363 : i32 to index
        %parallel_loop3A_371 = arith.constant 16 : index
        %parallel_loop3A_372 = tpu.vector_load %arg12[%parallel_loop3A_370, %parallel_loop3A_371] {strides = array<i32>} : memref<128x64xf32, #tpu.memory_space<vmem>>, vector<16xf32>,
        %parallel_loop3A_373 = arith.addf %parallel_loop3A_372, %get3A_140 : vector<16xf32>
        %parallel_loop3A_374 = vector.broadcast %parallel_loop3A_363 : i32 to vector<16xi32>
        %parallel_loop3A_375 = arith.addi %mul3A_15, %parallel_loop3A_374 : vector<16xi32>
        tpu.vector_store_idx %arg7[%parallel_loop3A_375], %parallel_loop3A_373 : memref<8256xf32, #tpu.memory_space<vmem>>[vector<16xi32>], vector<16xf32>,
        %parallel_loop3A_376 = arith.index_cast %parallel_loop3A_363 : i32 to index
        %parallel_loop3A_377 = arith.constant 32 : index
        %parallel_loop3A_378 = tpu.vector_load %arg12[%parallel_loop3A_376, %parallel_loop3A_377] {strides = array<i32>} : memref<128x64xf32, #tpu.memory_space<vmem>>, vector<16xf32>,
        %parallel_loop3A_379 = arith.addf %parallel_loop3A_378, %get3A_146 : vector<16xf32>
        %parallel_loop3A_380 = vector.broadcast %parallel_loop3A_363 : i32 to vector<16xi32>
        %parallel_loop3A_381 = arith.addi %mul3A_22, %parallel_loop3A_380 : vector<16xi32>
        tpu.vector_store_idx %arg7[%parallel_loop3A_381], %parallel_loop3A_379 : memref<8256xf32, #tpu.memory_space<vmem>>[vector<16xi32>], vector<16xf32>,
        %parallel_loop3A_382 = arith.index_cast %parallel_loop3A_363 : i32 to index
        %parallel_loop3A_383 = arith.constant 48 : index
        %parallel_loop3A_384 = tpu.vector_load %arg12[%parallel_loop3A_382, %parallel_loop3A_383] {strides = array<i32>} : memref<128x64xf32, #tpu.memory_space<vmem>>, vector<16xf32>,
        %parallel_loop3A_385 = arith.addf %parallel_loop3A_384, %get3A_152 : vector<16xf32>
        %parallel_loop3A_386 = vector.broadcast %parallel_loop3A_363 : i32 to vector<16xi32>
        %parallel_loop3A_387 = arith.addi %mul3A_29, %parallel_loop3A_386 : vector<16xi32>
        tpu.vector_store_idx %arg7[%parallel_loop3A_387], %parallel_loop3A_385 : memref<8256xf32, #tpu.memory_space<vmem>>[vector<16xi32>], vector<16xf32>,
      } {sc.loop_unroll_factor = 2 : i64, sc.parallel_access}
      %parallel_loop3A_155 = arith.constant 0 : i32
      %parallel_loop3A_156 = arith.constant 64 : i32
      %parallel_loop3A_157 = arith.constant 1 : i32
      scf.for %parallel_loop3A_363 = %parallel_loop3A_155 to %parallel_loop3A_156 step %parallel_loop3A_157  : i32 {
        %parallel_loop3A_364 = arith.constant 8 : i32
        %parallel_loop3A_365 = arith.divsi %parallel_loop3A_363, %parallel_loop3A_364 : i32
        %parallel_loop3A_366 = arith.constant 8 : i32
        %parallel_loop3A_367 = arith.remsi %parallel_loop3A_363, %parallel_loop3A_366 : i32
        %parallel_loop3A_368 = arith.constant 129 : i32
        %parallel_loop3A_369 = arith.muli %parallel_loop3A_363, %parallel_loop3A_368 : i32
        %parallel_loop3A_370 = arith.constant 0 : i32
        %parallel_loop3A_371 = arith.addi %parallel_loop3A_369, %parallel_loop3A_370 : i32
        %parallel_loop3A_372 = arith.index_cast %parallel_loop3A_371 : i32 to index
        %parallel_loop3A_373 = tpu.vector_load %arg7[%parallel_loop3A_372] {strides = array<i32>} : memref<8256xf32, #tpu.memory_space<vmem>>, vector<16xf32>,
        %parallel_loop3A_374 = arith.constant 0 : i32
        %parallel_loop3A_375 = arith.index_cast %parallel_loop3A_365 : i32 to index
        %parallel_loop3A_376 = arith.index_cast %parallel_loop3A_374 : i32 to index
        %parallel_loop3A_377 = arith.index_cast %parallel_loop3A_367 : i32 to index
        %parallel_loop3A_378 = arith.constant 0 : index
        %parallel_loop3A_379 = tpu.vector_load %arg16[%parallel_loop3A_375, %parallel_loop3A_376, %parallel_loop3A_377, %parallel_loop3A_378] {strides = array<i32>} : memref<8x1x8x128xf32, #tpu.memory_space<vmem>>, vector<16xf32>,
        tpu.vector_store %arg16[%parallel_loop3A_375, %parallel_loop3A_376, %parallel_loop3A_377, %parallel_loop3A_378], %parallel_loop3A_373 {strides = array<i32>} : memref<8x1x8x128xf32, #tpu.memory_space<vmem>>, vector<16xf32>,
        %parallel_loop3A_380 = arith.constant 129 : i32
        %parallel_loop3A_381 = arith.muli %parallel_loop3A_363, %parallel_loop3A_380 : i32
        %parallel_loop3A_382 = arith.constant 16 : i32
        %parallel_loop3A_383 = arith.addi %parallel_loop3A_381, %parallel_loop3A_382 : i32
        %parallel_loop3A_384 = arith.index_cast %parallel_loop3A_383 : i32 to index
        %parallel_loop3A_385 = tpu.vector_load %arg7[%parallel_loop3A_384] {strides = array<i32>} : memref<8256xf32, #tpu.memory_space<vmem>>, vector<16xf32>,
        %parallel_loop3A_386 = arith.constant 0 : i32
        %parallel_loop3A_387 = arith.index_cast %parallel_loop3A_365 : i32 to index
        %parallel_loop3A_388 = arith.index_cast %parallel_loop3A_386 : i32 to index
        %parallel_loop3A_389 = arith.index_cast %parallel_loop3A_367 : i32 to index
        %parallel_loop3A_390 = arith.constant 16 : index
        %parallel_loop3A_391 = tpu.vector_load %arg16[%parallel_loop3A_387, %parallel_loop3A_388, %parallel_loop3A_389, %parallel_loop3A_390] {strides = array<i32>} : memref<8x1x8x128xf32, #tpu.memory_space<vmem>>, vector<16xf32>,
        tpu.vector_store %arg16[%parallel_loop3A_387, %parallel_loop3A_388, %parallel_loop3A_389, %parallel_loop3A_390], %parallel_loop3A_385 {strides = array<i32>} : memref<8x1x8x128xf32, #tpu.memory_space<vmem>>, vector<16xf32>,
        %parallel_loop3A_392 = arith.constant 129 : i32
        %parallel_loop3A_393 = arith.muli %parallel_loop3A_363, %parallel_loop3A_392 : i32
        %parallel_loop3A_394 = arith.constant 32 : i32
        %parallel_loop3A_395 = arith.addi %parallel_loop3A_393, %parallel_loop3A_394 : i32
        %parallel_loop3A_396 = arith.index_cast %parallel_loop3A_395 : i32 to index
        %parallel_loop3A_397 = tpu.vector_load %arg7[%parallel_loop3A_396] {strides = array<i32>} : memref<8256xf32, #tpu.memory_space<vmem>>, vector<16xf32>,
        %parallel_loop3A_398 = arith.constant 0 : i32
        %parallel_loop3A_399 = arith.index_cast %parallel_loop3A_365 : i32 to index
        %parallel_loop3A_400 = arith.index_cast %parallel_loop3A_398 : i32 to index
        %parallel_loop3A_401 = arith.index_cast %parallel_loop3A_367 : i32 to index
        %parallel_loop3A_402 = arith.constant 32 : index
        %parallel_loop3A_403 = tpu.vector_load %arg16[%parallel_loop3A_399, %parallel_loop3A_400, %parallel_loop3A_401, %parallel_loop3A_402] {strides = array<i32>} : memref<8x1x8x128xf32, #tpu.memory_space<vmem>>, vector<16xf32>,
        tpu.vector_store %arg16[%parallel_loop3A_399, %parallel_loop3A_400, %parallel_loop3A_401, %parallel_loop3A_402], %parallel_loop3A_397 {strides = array<i32>} : memref<8x1x8x128xf32, #tpu.memory_space<vmem>>, vector<16xf32>,
        %parallel_loop3A_404 = arith.constant 129 : i32
        %parallel_loop3A_405 = arith.muli %parallel_loop3A_363, %parallel_loop3A_404 : i32
        %parallel_loop3A_406 = arith.constant 48 : i32
        %parallel_loop3A_407 = arith.addi %parallel_loop3A_405, %parallel_loop3A_406 : i32
        %parallel_loop3A_408 = arith.index_cast %parallel_loop3A_407 : i32 to index
        %parallel_loop3A_409 = tpu.vector_load %arg7[%parallel_loop3A_408] {strides = array<i32>} : memref<8256xf32, #tpu.memory_space<vmem>>, vector<16xf32>,
        %parallel_loop3A_410 = arith.constant 0 : i32
        %parallel_loop3A_411 = arith.index_cast %parallel_loop3A_365 : i32 to index
        %parallel_loop3A_412 = arith.index_cast %parallel_loop3A_410 : i32 to index
        %parallel_loop3A_413 = arith.index_cast %parallel_loop3A_367 : i32 to index
        %parallel_loop3A_414 = arith.constant 48 : index
        %parallel_loop3A_415 = tpu.vector_load %arg16[%parallel_loop3A_411, %parallel_loop3A_412, %parallel_loop3A_413, %parallel_loop3A_414] {strides = array<i32>} : memref<8x1x8x128xf32, #tpu.memory_space<vmem>>, vector<16xf32>,
        tpu.vector_store %arg16[%parallel_loop3A_411, %parallel_loop3A_412, %parallel_loop3A_413, %parallel_loop3A_414], %parallel_loop3A_409 {strides = array<i32>} : memref<8x1x8x128xf32, #tpu.memory_space<vmem>>, vector<16xf32>,
        %parallel_loop3A_416 = arith.constant 129 : i32
        %parallel_loop3A_417 = arith.muli %parallel_loop3A_363, %parallel_loop3A_416 : i32
        %parallel_loop3A_418 = arith.constant 64 : i32
        %parallel_loop3A_419 = arith.addi %parallel_loop3A_417, %parallel_loop3A_418 : i32
        %parallel_loop3A_420 = arith.index_cast %parallel_loop3A_419 : i32 to index
        %parallel_loop3A_421 = tpu.vector_load %arg7[%parallel_loop3A_420] {strides = array<i32>} : memref<8256xf32, #tpu.memory_space<vmem>>, vector<16xf32>,
        %parallel_loop3A_422 = arith.constant 0 : i32
        %parallel_loop3A_423 = arith.index_cast %parallel_loop3A_365 : i32 to index
        %parallel_loop3A_424 = arith.index_cast %parallel_loop3A_422 : i32 to index
        %parallel_loop3A_425 = arith.index_cast %parallel_loop3A_367 : i32 to index
        %parallel_loop3A_426 = arith.constant 64 : index
        %parallel_loop3A_427 = tpu.vector_load %arg16[%parallel_loop3A_423, %parallel_loop3A_424, %parallel_loop3A_425, %parallel_loop3A_426] {strides = array<i32>} : memref<8x1x8x128xf32, #tpu.memory_space<vmem>>, vector<16xf32>,
        tpu.vector_store %arg16[%parallel_loop3A_423, %parallel_loop3A_424, %parallel_loop3A_425, %parallel_loop3A_426], %parallel_loop3A_421 {strides = array<i32>} : memref<8x1x8x128xf32, #tpu.memory_space<vmem>>, vector<16xf32>,
        %parallel_loop3A_428 = arith.constant 129 : i32
        %parallel_loop3A_429 = arith.muli %parallel_loop3A_363, %parallel_loop3A_428 : i32
        %parallel_loop3A_430 = arith.constant 80 : i32
        %parallel_loop3A_431 = arith.addi %parallel_loop3A_429, %parallel_loop3A_430 : i32
        %parallel_loop3A_432 = arith.index_cast %parallel_loop3A_431 : i32 to index
        %parallel_loop3A_433 = tpu.vector_load %arg7[%parallel_loop3A_432] {strides = array<i32>} : memref<8256xf32, #tpu.memory_space<vmem>>, vector<16xf32>,
        %parallel_loop3A_434 = arith.constant 0 : i32
        %parallel_loop3A_435 = arith.index_cast %parallel_loop3A_365 : i32 to index
        %parallel_loop3A_436 = arith.index_cast %parallel_loop3A_434 : i32 to index
        %parallel_loop3A_437 = arith.index_cast %parallel_loop3A_367 : i32 to index
        %parallel_loop3A_438 = arith.constant 80 : index
        %parallel_loop3A_439 = tpu.vector_load %arg16[%parallel_loop3A_435, %parallel_loop3A_436, %parallel_loop3A_437, %parallel_loop3A_438] {strides = array<i32>} : memref<8x1x8x128xf32, #tpu.memory_space<vmem>>, vector<16xf32>,
        tpu.vector_store %arg16[%parallel_loop3A_435, %parallel_loop3A_436, %parallel_loop3A_437, %parallel_loop3A_438], %parallel_loop3A_433 {strides = array<i32>} : memref<8x1x8x128xf32, #tpu.memory_space<vmem>>, vector<16xf32>,
        %parallel_loop3A_440 = arith.constant 129 : i32
        %parallel_loop3A_441 = arith.muli %parallel_loop3A_363, %parallel_loop3A_440 : i32
        %parallel_loop3A_442 = arith.constant 96 : i32
        %parallel_loop3A_443 = arith.addi %parallel_loop3A_441, %parallel_loop3A_442 : i32
        %parallel_loop3A_444 = arith.index_cast %parallel_loop3A_443 : i32 to index
        %parallel_loop3A_445 = tpu.vector_load %arg7[%parallel_loop3A_444] {strides = array<i32>} : memref<8256xf32, #tpu.memory_space<vmem>>, vector<16xf32>,
        %parallel_loop3A_446 = arith.constant 0 : i32
        %parallel_loop3A_447 = arith.index_cast %parallel_loop3A_365 : i32 to index
        %parallel_loop3A_448 = arith.index_cast %parallel_loop3A_446 : i32 to index
        %parallel_loop3A_449 = arith.index_cast %parallel_loop3A_367 : i32 to index
        %parallel_loop3A_450 = arith.constant 96 : index
        %parallel_loop3A_451 = tpu.vector_load %arg16[%parallel_loop3A_447, %parallel_loop3A_448, %parallel_loop3A_449, %parallel_loop3A_450] {strides = array<i32>} : memref<8x1x8x128xf32, #tpu.memory_space<vmem>>, vector<16xf32>,
        tpu.vector_store %arg16[%parallel_loop3A_447, %parallel_loop3A_448, %parallel_loop3A_449, %parallel_loop3A_450], %parallel_loop3A_445 {strides = array<i32>} : memref<8x1x8x128xf32, #tpu.memory_space<vmem>>, vector<16xf32>,
        %parallel_loop3A_452 = arith.constant 129 : i32
        %parallel_loop3A_453 = arith.muli %parallel_loop3A_363, %parallel_loop3A_452 : i32
        %parallel_loop3A_454 = arith.constant 112 : i32
        %parallel_loop3A_455 = arith.addi %parallel_loop3A_453, %parallel_loop3A_454 : i32
        %parallel_loop3A_456 = arith.index_cast %parallel_loop3A_455 : i32 to index
        %parallel_loop3A_457 = tpu.vector_load %arg7[%parallel_loop3A_456] {strides = array<i32>} : memref<8256xf32, #tpu.memory_space<vmem>>, vector<16xf32>,
        %parallel_loop3A_458 = arith.constant 0 : i32
        %parallel_loop3A_459 = arith.index_cast %parallel_loop3A_365 : i32 to index
        %parallel_loop3A_460 = arith.index_cast %parallel_loop3A_458 : i32 to index
        %parallel_loop3A_461 = arith.index_cast %parallel_loop3A_367 : i32 to index
        %parallel_loop3A_462 = arith.constant 112 : index
        %parallel_loop3A_463 = tpu.vector_load %arg16[%parallel_loop3A_459, %parallel_loop3A_460, %parallel_loop3A_461, %parallel_loop3A_462] {strides = array<i32>} : memref<8x1x8x128xf32, #tpu.memory_space<vmem>>, vector<16xf32>,
        tpu.vector_store %arg16[%parallel_loop3A_459, %parallel_loop3A_460, %parallel_loop3A_461, %parallel_loop3A_462], %parallel_loop3A_457 {strides = array<i32>} : memref<8x1x8x128xf32, #tpu.memory_space<vmem>>, vector<16xf32>,
      } {sc.loop_unroll_factor = 2 : i64, sc.parallel_access}
      %dma_start3A_158 = arith.constant 0 : i32
      %dma_start3A_159 = arith.constant 0 : i32
      %dma_start3A_160 = arith.constant 0 : i32
      %dma_start3A_161 = tpu.memref_slice %arg5[%add3A_126, %dma_start3A_158, %add3A, %dma_start3A_159, %dma_start3A_160] : memref<200x8x32x8x128xf32, #tpu.memory_space<hbm>> -> memref<1x8x1x8x128xf32, #tpu.memory_space<hbm>>
      %dma_start3A_162 = tpu.memref_squeeze %dma_start3A_161 : memref<1x8x1x8x128xf32, #tpu.memory_space<hbm>> -> memref<8x1x8x128xf32, #tpu.memory_space<hbm>>
      %dma_start3A_163 = arith.constant 0 : i32
      %dma_start3A_164 = arith.constant 0 : i32
      %dma_start3A_165 = arith.constant 0 : i32
      %dma_start3A_166 = tpu.memref_slice %arg5[%add3A_126, %dma_start3A_163, %add3A, %dma_start3A_164, %dma_start3A_165] : memref<200x8x32x8x128xf32, #tpu.memory_space<hbm>> -> memref<1x8x1x8x128xf32, #tpu.memory_space<hbm>>
      %dma_start3A_167 = tpu.memref_squeeze %dma_start3A_166 : memref<1x8x1x8x128xf32, #tpu.memory_space<hbm>> -> memref<8x1x8x128xf32, #tpu.memory_space<hbm>>
      tpu.enqueue_dma source(%arg16 : memref<8x1x8x128xf32, #tpu.memory_space<vmem>>) target(%dma_start3A_167 : memref<8x1x8x128xf32, #tpu.memory_space<hbm>>) target_semaphore(%arg24 : memref<!tpu.dma_semaphore, #tpu.memory_space<semaphore_mem>>)
      %add3A_168 = arith.constant 2 : i32
      %add3A_169 = arith.addi %add3A_126, %add3A_168 : i32
      %lt3A = arith.constant 200 : i32
      %lt3A_170 = arith.cmpi slt, %add3A_169, %lt3A : i32
      %convert_element_type3A = arith.extui %lt3A_170 : i1 to i32
      %cond3A = arith.constant 0 : i32
      %cond3A_171 = arith.cmpi ne, %convert_element_type3A, %cond3A : i32
      scf.if %cond3A_171 {
        %ge3A = arith.constant 2 : i32
        %ge3A_363 = arith.cmpi sge, %add3A_126, %ge3A : i32
        %convert_element_type3A_364 = arith.extui %ge3A_363 : i1 to i32
        %cond3A_365 = arith.constant 0 : i32
        %cond3A_366 = arith.cmpi ne, %convert_element_type3A_364, %cond3A_365 : i32
        scf.if %cond3A_366 {
          %dma_wait3A_377 = arith.constant 0 : i32
          %dma_wait3A_378 = arith.constant 0 : i32
          %dma_wait3A_379 = arith.constant 0 : i32
          %dma_wait3A_380 = arith.constant 0 : i32
          %dma_wait3A_381 = arith.constant 0 : i32
          %dma_wait3A_382 = tpu.memref_slice %arg5[%dma_wait3A_377, %dma_wait3A_378, %dma_wait3A_379, %dma_wait3A_380, %dma_wait3A_381] : memref<200x8x32x8x128xf32, #tpu.memory_space<hbm>> -> memref<1x8x1x8x128xf32, #tpu.memory_space<hbm>>
          %dma_wait3A_383 = tpu.memref_squeeze %dma_wait3A_382 : memref<1x8x1x8x128xf32, #tpu.memory_space<hbm>> -> memref<8x1x8x128xf32, #tpu.memory_space<hbm>>
          %dma_wait3A_384 = arith.constant 0 : i32
          %dma_wait3A_385 = arith.constant 0 : i32
          %dma_wait3A_386 = arith.constant 0 : i32
          %dma_wait3A_387 = arith.constant 0 : i32
          %dma_wait3A_388 = tpu.memref_slice %arg5[%dma_wait3A_377, %dma_wait3A_384, %dma_wait3A_385, %dma_wait3A_386, %dma_wait3A_387] : memref<200x8x32x8x128xf32, #tpu.memory_space<hbm>> -> memref<1x8x1x8x128xf32, #tpu.memory_space<hbm>>
          %dma_wait3A_389 = tpu.memref_squeeze %dma_wait3A_388 : memref<1x8x1x8x128xf32, #tpu.memory_space<hbm>> -> memref<8x1x8x128xf32, #tpu.memory_space<hbm>>
          tpu.wait_dma2 semaphore(%arg26 : memref<!tpu.dma_semaphore, #tpu.memory_space<semaphore_mem>>) src(%arg18 : memref<8x1x8x128xf32, #tpu.memory_space<vmem>>) dst(%dma_wait3A_389 : memref<8x1x8x128xf32, #tpu.memory_space<hbm>>)
        } else {
        }
        %dma_wait3A_367 = arith.constant 0 : i32
        %dma_wait3A_368 = arith.constant 0 : i32
        %dma_wait3A_369 = tpu.memref_slice %arg2[%dma_wait3A_367, %dma_wait3A_368] : memref<200x4096xi32, #tpu.memory_space<hbm>> -> memref<1x128xi32, #tpu.memory_space<hbm>>
        %dma_wait3A_370 = tpu.memref_squeeze %dma_wait3A_369 : memref<1x128xi32, #tpu.memory_space<hbm>> -> memref<128xi32, #tpu.memory_space<hbm>>
        %dma_wait3A_371 = arith.constant 0 : i32
        %dma_wait3A_372 = tpu.memref_slice %arg2[%dma_wait3A_367, %dma_wait3A_371] : memref<200x4096xi32, #tpu.memory_space<hbm>> -> memref<1x128xi32, #tpu.memory_space<hbm>>
        %dma_wait3A_373 = tpu.memref_squeeze %dma_wait3A_372 : memref<1x128xi32, #tpu.memory_space<hbm>> -> memref<128xi32, #tpu.memory_space<hbm>>
        tpu.wait_dma2 semaphore(%arg30 : memref<!tpu.dma_semaphore, #tpu.memory_space<semaphore_mem>>) src(%dma_wait3A_373 : memref<128xi32, #tpu.memory_space<hbm>>) dst(%arg10 : memref<128xi32, #tpu.memory_space<vmem>>)
        %dma_start3A_374 = arith.constant 0 : i32
        %dma_start3A_375 = arith.constant 0 : i32
        %dma_start3A_376 = tpu.memref_slice %arg4[%dma_start3A_374, %dma_start3A_375] : memref<100000x64xf32, #tpu.memory_space<hbm>> -> memref<100000x64xf32, #tpu.memory_space<hbm>>
        tpu.enqueue_indirect_dma source(%dma_start3A_376 : memref<100000x64xf32, #tpu.memory_space<hbm>>) target(%arg14 : memref<128x64xf32, #tpu.memory_space<vmem>>) offsets(%arg10 : memref<128xi32, #tpu.memory_space<vmem>>) semaphore(%arg22 : memref<!tpu.dma_semaphore, #tpu.memory_space<semaphore_mem>>)
      } else {
      }
      %add3A_172 = arith.constant 3 : i32
      %add3A_173 = arith.addi %add3A_126, %add3A_172 : i32
      %lt3A_174 = arith.constant 200 : i32
      %lt3A_175 = arith.cmpi slt, %add3A_173, %lt3A_174 : i32
      %convert_element_type3A_176 = arith.extui %lt3A_175 : i1 to i32
      %cond3A_177 = arith.constant 0 : i32
      %cond3A_178 = arith.cmpi ne, %convert_element_type3A_176, %cond3A_177 : i32
      scf.if %cond3A_178 {
        %add3A_363 = arith.constant 3 : i32
        %add3A_364 = arith.addi %add3A_126, %add3A_363 : i32
        %dma_start3A_365 = tpu.memref_slice %arg2[%add3A_364, %mul3A_2] : memref<200x4096xi32, #tpu.memory_space<hbm>> -> memref<1x128xi32, #tpu.memory_space<hbm>>
        %dma_start3A_366 = tpu.memref_squeeze %dma_start3A_365 : memref<1x128xi32, #tpu.memory_space<hbm>> -> memref<128xi32, #tpu.memory_space<hbm>>
        %dma_start3A_367 = tpu.memref_slice %arg2[%add3A_364, %mul3A_2] : memref<200x4096xi32, #tpu.memory_space<hbm>> -> memref<1x128xi32, #tpu.memory_space<hbm>>
        %dma_start3A_368 = tpu.memref_squeeze %dma_start3A_367 : memref<1x128xi32, #tpu.memory_space<hbm>> -> memref<128xi32, #tpu.memory_space<hbm>>
        tpu.enqueue_dma source(%dma_start3A_368 : memref<128xi32, #tpu.memory_space<hbm>>) target(%arg11 : memref<128xi32, #tpu.memory_space<vmem>>) target_semaphore(%arg31 : memref<!tpu.dma_semaphore, #tpu.memory_space<semaphore_mem>>)
      } else {
      }
      %mul3A_179 = arith.constant 4 : i32
      %mul3A_180 = arith.muli %scan3A_121, %mul3A_179 : i32
      %add3A_181 = arith.constant 1 : i32
      %add3A_182 = arith.addi %mul3A_180, %add3A_181 : i32
      %dma_wait3A_183 = arith.constant 0 : i32
      %dma_wait3A_184 = arith.constant 0 : i32
      %dma_wait3A_185 = tpu.memref_slice %arg4[%dma_wait3A_183, %dma_wait3A_184] : memref<100000x64xf32, #tpu.memory_space<hbm>> -> memref<100000x64xf32, #tpu.memory_space<hbm>>
      tpu.wait_indirect_dma semaphore(%arg21 : memref<!tpu.dma_semaphore, #tpu.memory_space<semaphore_mem>>) src(%dma_wait3A_185 : memref<100000x64xf32, #tpu.memory_space<hbm>>) dst(%arg13 : memref<128x64xf32, #tpu.memory_space<vmem>>)
      %mul3A_186 = arith.constant 64 : i32
      %mul3A_187 = arith.muli %add3A_182, %mul3A_186 : i32
      %add3A_188 = arith.constant 0 : i32
      %add3A_189 = arith.addi %mul3A_187, %add3A_188 : i32
      %get3A_190 = arith.index_cast %add3A_189 : i32 to index
      %get3A_191 = tpu.vector_load %arg6[%get3A_190] {strides = array<i32>} : memref<12800xf32, #tpu.memory_space<vmem>>, vector<16xf32>,
      %mul3A_192 = arith.constant 64 : i32
      %mul3A_193 = arith.muli %add3A_182, %mul3A_192 : i32
      %add3A_194 = arith.constant 16 : i32
      %add3A_195 = arith.addi %mul3A_193, %add3A_194 : i32
      %get3A_196 = arith.index_cast %add3A_195 : i32 to index
      %get3A_197 = tpu.vector_load %arg6[%get3A_196] {strides = array<i32>} : memref<12800xf32, #tpu.memory_space<vmem>>, vector<16xf32>,
      %mul3A_198 = arith.constant 64 : i32
      %mul3A_199 = arith.muli %add3A_182, %mul3A_198 : i32
      %add3A_200 = arith.constant 32 : i32
      %add3A_201 = arith.addi %mul3A_199, %add3A_200 : i32
      %get3A_202 = arith.index_cast %add3A_201 : i32 to index
      %get3A_203 = tpu.vector_load %arg6[%get3A_202] {strides = array<i32>} : memref<12800xf32, #tpu.memory_space<vmem>>, vector<16xf32>,
      %mul3A_204 = arith.constant 64 : i32
      %mul3A_205 = arith.muli %add3A_182, %mul3A_204 : i32
      %add3A_206 = arith.constant 48 : i32
      %add3A_207 = arith.addi %mul3A_205, %add3A_206 : i32
      %get3A_208 = arith.index_cast %add3A_207 : i32 to index
      %get3A_209 = tpu.vector_load %arg6[%get3A_208] {strides = array<i32>} : memref<12800xf32, #tpu.memory_space<vmem>>, vector<16xf32>,
      %parallel_loop3A_210 = arith.constant 0 : i32
      %parallel_loop3A_211 = arith.constant 128 : i32
      %parallel_loop3A_212 = arith.constant 1 : i32
      scf.for %parallel_loop3A_363 = %parallel_loop3A_210 to %parallel_loop3A_211 step %parallel_loop3A_212  : i32 {
        %parallel_loop3A_364 = arith.index_cast %parallel_loop3A_363 : i32 to index
        %parallel_loop3A_365 = arith.constant 0 : index
        %parallel_loop3A_366 = tpu.vector_load %arg13[%parallel_loop3A_364, %parallel_loop3A_365] {strides = array<i32>} : memref<128x64xf32, #tpu.memory_space<vmem>>, vector<16xf32>,
        %parallel_loop3A_367 = arith.addf %parallel_loop3A_366, %get3A_191 : vector<16xf32>
        %parallel_loop3A_368 = vector.broadcast %parallel_loop3A_363 : i32 to vector<16xi32>
        %parallel_loop3A_369 = arith.addi %mul3A_8, %parallel_loop3A_368 : vector<16xi32>
        tpu.vector_store_idx %arg7[%parallel_loop3A_369], %parallel_loop3A_367 : memref<8256xf32, #tpu.memory_space<vmem>>[vector<16xi32>], vector<16xf32>,
        %parallel_loop3A_370 = arith.index_cast %parallel_loop3A_363 : i32 to index
        %parallel_loop3A_371 = arith.constant 16 : index
        %parallel_loop3A_372 = tpu.vector_load %arg13[%parallel_loop3A_370, %parallel_loop3A_371] {strides = array<i32>} : memref<128x64xf32, #tpu.memory_space<vmem>>, vector<16xf32>,
        %parallel_loop3A_373 = arith.addf %parallel_loop3A_372, %get3A_197 : vector<16xf32>
        %parallel_loop3A_374 = vector.broadcast %parallel_loop3A_363 : i32 to vector<16xi32>
        %parallel_loop3A_375 = arith.addi %mul3A_15, %parallel_loop3A_374 : vector<16xi32>
        tpu.vector_store_idx %arg7[%parallel_loop3A_375], %parallel_loop3A_373 : memref<8256xf32, #tpu.memory_space<vmem>>[vector<16xi32>], vector<16xf32>,
        %parallel_loop3A_376 = arith.index_cast %parallel_loop3A_363 : i32 to index
        %parallel_loop3A_377 = arith.constant 32 : index
        %parallel_loop3A_378 = tpu.vector_load %arg13[%parallel_loop3A_376, %parallel_loop3A_377] {strides = array<i32>} : memref<128x64xf32, #tpu.memory_space<vmem>>, vector<16xf32>,
        %parallel_loop3A_379 = arith.addf %parallel_loop3A_378, %get3A_203 : vector<16xf32>
        %parallel_loop3A_380 = vector.broadcast %parallel_loop3A_363 : i32 to vector<16xi32>
        %parallel_loop3A_381 = arith.addi %mul3A_22, %parallel_loop3A_380 : vector<16xi32>
        tpu.vector_store_idx %arg7[%parallel_loop3A_381], %parallel_loop3A_379 : memref<8256xf32, #tpu.memory_space<vmem>>[vector<16xi32>], vector<16xf32>,
        %parallel_loop3A_382 = arith.index_cast %parallel_loop3A_363 : i32 to index
        %parallel_loop3A_383 = arith.constant 48 : index
        %parallel_loop3A_384 = tpu.vector_load %arg13[%parallel_loop3A_382, %parallel_loop3A_383] {strides = array<i32>} : memref<128x64xf32, #tpu.memory_space<vmem>>, vector<16xf32>,
        %parallel_loop3A_385 = arith.addf %parallel_loop3A_384, %get3A_209 : vector<16xf32>
        %parallel_loop3A_386 = vector.broadcast %parallel_loop3A_363 : i32 to vector<16xi32>
        %parallel_loop3A_387 = arith.addi %mul3A_29, %parallel_loop3A_386 : vector<16xi32>
        tpu.vector_store_idx %arg7[%parallel_loop3A_387], %parallel_loop3A_385 : memref<8256xf32, #tpu.memory_space<vmem>>[vector<16xi32>], vector<16xf32>,
      } {sc.loop_unroll_factor = 2 : i64, sc.parallel_access}
      %parallel_loop3A_213 = arith.constant 0 : i32
      %parallel_loop3A_214 = arith.constant 64 : i32
      %parallel_loop3A_215 = arith.constant 1 : i32
      scf.for %parallel_loop3A_363 = %parallel_loop3A_213 to %parallel_loop3A_214 step %parallel_loop3A_215  : i32 {
        %parallel_loop3A_364 = arith.constant 8 : i32
        %parallel_loop3A_365 = arith.divsi %parallel_loop3A_363, %parallel_loop3A_364 : i32
        %parallel_loop3A_366 = arith.constant 8 : i32
        %parallel_loop3A_367 = arith.remsi %parallel_loop3A_363, %parallel_loop3A_366 : i32
        %parallel_loop3A_368 = arith.constant 129 : i32
        %parallel_loop3A_369 = arith.muli %parallel_loop3A_363, %parallel_loop3A_368 : i32
        %parallel_loop3A_370 = arith.constant 0 : i32
        %parallel_loop3A_371 = arith.addi %parallel_loop3A_369, %parallel_loop3A_370 : i32
        %parallel_loop3A_372 = arith.index_cast %parallel_loop3A_371 : i32 to index
        %parallel_loop3A_373 = tpu.vector_load %arg7[%parallel_loop3A_372] {strides = array<i32>} : memref<8256xf32, #tpu.memory_space<vmem>>, vector<16xf32>,
        %parallel_loop3A_374 = arith.constant 0 : i32
        %parallel_loop3A_375 = arith.index_cast %parallel_loop3A_365 : i32 to index
        %parallel_loop3A_376 = arith.index_cast %parallel_loop3A_374 : i32 to index
        %parallel_loop3A_377 = arith.index_cast %parallel_loop3A_367 : i32 to index
        %parallel_loop3A_378 = arith.constant 0 : index
        %parallel_loop3A_379 = tpu.vector_load %arg17[%parallel_loop3A_375, %parallel_loop3A_376, %parallel_loop3A_377, %parallel_loop3A_378] {strides = array<i32>} : memref<8x1x8x128xf32, #tpu.memory_space<vmem>>, vector<16xf32>,
        tpu.vector_store %arg17[%parallel_loop3A_375, %parallel_loop3A_376, %parallel_loop3A_377, %parallel_loop3A_378], %parallel_loop3A_373 {strides = array<i32>} : memref<8x1x8x128xf32, #tpu.memory_space<vmem>>, vector<16xf32>,
        %parallel_loop3A_380 = arith.constant 129 : i32
        %parallel_loop3A_381 = arith.muli %parallel_loop3A_363, %parallel_loop3A_380 : i32
        %parallel_loop3A_382 = arith.constant 16 : i32
        %parallel_loop3A_383 = arith.addi %parallel_loop3A_381, %parallel_loop3A_382 : i32
        %parallel_loop3A_384 = arith.index_cast %parallel_loop3A_383 : i32 to index
        %parallel_loop3A_385 = tpu.vector_load %arg7[%parallel_loop3A_384] {strides = array<i32>} : memref<8256xf32, #tpu.memory_space<vmem>>, vector<16xf32>,
        %parallel_loop3A_386 = arith.constant 0 : i32
        %parallel_loop3A_387 = arith.index_cast %parallel_loop3A_365 : i32 to index
        %parallel_loop3A_388 = arith.index_cast %parallel_loop3A_386 : i32 to index
        %parallel_loop3A_389 = arith.index_cast %parallel_loop3A_367 : i32 to index
        %parallel_loop3A_390 = arith.constant 16 : index
        %parallel_loop3A_391 = tpu.vector_load %arg17[%parallel_loop3A_387, %parallel_loop3A_388, %parallel_loop3A_389, %parallel_loop3A_390] {strides = array<i32>} : memref<8x1x8x128xf32, #tpu.memory_space<vmem>>, vector<16xf32>,
        tpu.vector_store %arg17[%parallel_loop3A_387, %parallel_loop3A_388, %parallel_loop3A_389, %parallel_loop3A_390], %parallel_loop3A_385 {strides = array<i32>} : memref<8x1x8x128xf32, #tpu.memory_space<vmem>>, vector<16xf32>,
        %parallel_loop3A_392 = arith.constant 129 : i32
        %parallel_loop3A_393 = arith.muli %parallel_loop3A_363, %parallel_loop3A_392 : i32
        %parallel_loop3A_394 = arith.constant 32 : i32
        %parallel_loop3A_395 = arith.addi %parallel_loop3A_393, %parallel_loop3A_394 : i32
        %parallel_loop3A_396 = arith.index_cast %parallel_loop3A_395 : i32 to index
        %parallel_loop3A_397 = tpu.vector_load %arg7[%parallel_loop3A_396] {strides = array<i32>} : memref<8256xf32, #tpu.memory_space<vmem>>, vector<16xf32>,
        %parallel_loop3A_398 = arith.constant 0 : i32
        %parallel_loop3A_399 = arith.index_cast %parallel_loop3A_365 : i32 to index
        %parallel_loop3A_400 = arith.index_cast %parallel_loop3A_398 : i32 to index
        %parallel_loop3A_401 = arith.index_cast %parallel_loop3A_367 : i32 to index
        %parallel_loop3A_402 = arith.constant 32 : index
        %parallel_loop3A_403 = tpu.vector_load %arg17[%parallel_loop3A_399, %parallel_loop3A_400, %parallel_loop3A_401, %parallel_loop3A_402] {strides = array<i32>} : memref<8x1x8x128xf32, #tpu.memory_space<vmem>>, vector<16xf32>,
        tpu.vector_store %arg17[%parallel_loop3A_399, %parallel_loop3A_400, %parallel_loop3A_401, %parallel_loop3A_402], %parallel_loop3A_397 {strides = array<i32>} : memref<8x1x8x128xf32, #tpu.memory_space<vmem>>, vector<16xf32>,
        %parallel_loop3A_404 = arith.constant 129 : i32
        %parallel_loop3A_405 = arith.muli %parallel_loop3A_363, %parallel_loop3A_404 : i32
        %parallel_loop3A_406 = arith.constant 48 : i32
        %parallel_loop3A_407 = arith.addi %parallel_loop3A_405, %parallel_loop3A_406 : i32
        %parallel_loop3A_408 = arith.index_cast %parallel_loop3A_407 : i32 to index
        %parallel_loop3A_409 = tpu.vector_load %arg7[%parallel_loop3A_408] {strides = array<i32>} : memref<8256xf32, #tpu.memory_space<vmem>>, vector<16xf32>,
        %parallel_loop3A_410 = arith.constant 0 : i32
        %parallel_loop3A_411 = arith.index_cast %parallel_loop3A_365 : i32 to index
        %parallel_loop3A_412 = arith.index_cast %parallel_loop3A_410 : i32 to index
        %parallel_loop3A_413 = arith.index_cast %parallel_loop3A_367 : i32 to index
        %parallel_loop3A_414 = arith.constant 48 : index
        %parallel_loop3A_415 = tpu.vector_load %arg17[%parallel_loop3A_411, %parallel_loop3A_412, %parallel_loop3A_413, %parallel_loop3A_414] {strides = array<i32>} : memref<8x1x8x128xf32, #tpu.memory_space<vmem>>, vector<16xf32>,
        tpu.vector_store %arg17[%parallel_loop3A_411, %parallel_loop3A_412, %parallel_loop3A_413, %parallel_loop3A_414], %parallel_loop3A_409 {strides = array<i32>} : memref<8x1x8x128xf32, #tpu.memory_space<vmem>>, vector<16xf32>,
        %parallel_loop3A_416 = arith.constant 129 : i32
        %parallel_loop3A_417 = arith.muli %parallel_loop3A_363, %parallel_loop3A_416 : i32
        %parallel_loop3A_418 = arith.constant 64 : i32
        %parallel_loop3A_419 = arith.addi %parallel_loop3A_417, %parallel_loop3A_418 : i32
        %parallel_loop3A_420 = arith.index_cast %parallel_loop3A_419 : i32 to index
        %parallel_loop3A_421 = tpu.vector_load %arg7[%parallel_loop3A_420] {strides = array<i32>} : memref<8256xf32, #tpu.memory_space<vmem>>, vector<16xf32>,
        %parallel_loop3A_422 = arith.constant 0 : i32
        %parallel_loop3A_423 = arith.index_cast %parallel_loop3A_365 : i32 to index
        %parallel_loop3A_424 = arith.index_cast %parallel_loop3A_422 : i32 to index
        %parallel_loop3A_425 = arith.index_cast %parallel_loop3A_367 : i32 to index
        %parallel_loop3A_426 = arith.constant 64 : index
        %parallel_loop3A_427 = tpu.vector_load %arg17[%parallel_loop3A_423, %parallel_loop3A_424, %parallel_loop3A_425, %parallel_loop3A_426] {strides = array<i32>} : memref<8x1x8x128xf32, #tpu.memory_space<vmem>>, vector<16xf32>,
        tpu.vector_store %arg17[%parallel_loop3A_423, %parallel_loop3A_424, %parallel_loop3A_425, %parallel_loop3A_426], %parallel_loop3A_421 {strides = array<i32>} : memref<8x1x8x128xf32, #tpu.memory_space<vmem>>, vector<16xf32>,
        %parallel_loop3A_428 = arith.constant 129 : i32
        %parallel_loop3A_429 = arith.muli %parallel_loop3A_363, %parallel_loop3A_428 : i32
        %parallel_loop3A_430 = arith.constant 80 : i32
        %parallel_loop3A_431 = arith.addi %parallel_loop3A_429, %parallel_loop3A_430 : i32
        %parallel_loop3A_432 = arith.index_cast %parallel_loop3A_431 : i32 to index
        %parallel_loop3A_433 = tpu.vector_load %arg7[%parallel_loop3A_432] {strides = array<i32>} : memref<8256xf32, #tpu.memory_space<vmem>>, vector<16xf32>,
        %parallel_loop3A_434 = arith.constant 0 : i32
        %parallel_loop3A_435 = arith.index_cast %parallel_loop3A_365 : i32 to index
        %parallel_loop3A_436 = arith.index_cast %parallel_loop3A_434 : i32 to index
        %parallel_loop3A_437 = arith.index_cast %parallel_loop3A_367 : i32 to index
        %parallel_loop3A_438 = arith.constant 80 : index
        %parallel_loop3A_439 = tpu.vector_load %arg17[%parallel_loop3A_435, %parallel_loop3A_436, %parallel_loop3A_437, %parallel_loop3A_438] {strides = array<i32>} : memref<8x1x8x128xf32, #tpu.memory_space<vmem>>, vector<16xf32>,
        tpu.vector_store %arg17[%parallel_loop3A_435, %parallel_loop3A_436, %parallel_loop3A_437, %parallel_loop3A_438], %parallel_loop3A_433 {strides = array<i32>} : memref<8x1x8x128xf32, #tpu.memory_space<vmem>>, vector<16xf32>,
        %parallel_loop3A_440 = arith.constant 129 : i32
        %parallel_loop3A_441 = arith.muli %parallel_loop3A_363, %parallel_loop3A_440 : i32
        %parallel_loop3A_442 = arith.constant 96 : i32
        %parallel_loop3A_443 = arith.addi %parallel_loop3A_441, %parallel_loop3A_442 : i32
        %parallel_loop3A_444 = arith.index_cast %parallel_loop3A_443 : i32 to index
        %parallel_loop3A_445 = tpu.vector_load %arg7[%parallel_loop3A_444] {strides = array<i32>} : memref<8256xf32, #tpu.memory_space<vmem>>, vector<16xf32>,
        %parallel_loop3A_446 = arith.constant 0 : i32
        %parallel_loop3A_447 = arith.index_cast %parallel_loop3A_365 : i32 to index
        %parallel_loop3A_448 = arith.index_cast %parallel_loop3A_446 : i32 to index
        %parallel_loop3A_449 = arith.index_cast %parallel_loop3A_367 : i32 to index
        %parallel_loop3A_450 = arith.constant 96 : index
        %parallel_loop3A_451 = tpu.vector_load %arg17[%parallel_loop3A_447, %parallel_loop3A_448, %parallel_loop3A_449, %parallel_loop3A_450] {strides = array<i32>} : memref<8x1x8x128xf32, #tpu.memory_space<vmem>>, vector<16xf32>,
        tpu.vector_store %arg17[%parallel_loop3A_447, %parallel_loop3A_448, %parallel_loop3A_449, %parallel_loop3A_450], %parallel_loop3A_445 {strides = array<i32>} : memref<8x1x8x128xf32, #tpu.memory_space<vmem>>, vector<16xf32>,
        %parallel_loop3A_452 = arith.constant 129 : i32
        %parallel_loop3A_453 = arith.muli %parallel_loop3A_363, %parallel_loop3A_452 : i32
        %parallel_loop3A_454 = arith.constant 112 : i32
        %parallel_loop3A_455 = arith.addi %parallel_loop3A_453, %parallel_loop3A_454 : i32
        %parallel_loop3A_456 = arith.index_cast %parallel_loop3A_455 : i32 to index
        %parallel_loop3A_457 = tpu.vector_load %arg7[%parallel_loop3A_456] {strides = array<i32>} : memref<8256xf32, #tpu.memory_space<vmem>>, vector<16xf32>,
        %parallel_loop3A_458 = arith.constant 0 : i32
        %parallel_loop3A_459 = arith.index_cast %parallel_loop3A_365 : i32 to index
        %parallel_loop3A_460 = arith.index_cast %parallel_loop3A_458 : i32 to index
        %parallel_loop3A_461 = arith.index_cast %parallel_loop3A_367 : i32 to index
        %parallel_loop3A_462 = arith.constant 112 : index
        %parallel_loop3A_463 = tpu.vector_load %arg17[%parallel_loop3A_459, %parallel_loop3A_460, %parallel_loop3A_461, %parallel_loop3A_462] {strides = array<i32>} : memref<8x1x8x128xf32, #tpu.memory_space<vmem>>, vector<16xf32>,
        tpu.vector_store %arg17[%parallel_loop3A_459, %parallel_loop3A_460, %parallel_loop3A_461, %parallel_loop3A_462], %parallel_loop3A_457 {strides = array<i32>} : memref<8x1x8x128xf32, #tpu.memory_space<vmem>>, vector<16xf32>,
      } {sc.loop_unroll_factor = 2 : i64, sc.parallel_access}
      %dma_start3A_216 = arith.constant 0 : i32
      %dma_start3A_217 = arith.constant 0 : i32
      %dma_start3A_218 = arith.constant 0 : i32
      %dma_start3A_219 = tpu.memref_slice %arg5[%add3A_182, %dma_start3A_216, %add3A, %dma_start3A_217, %dma_start3A_218] : memref<200x8x32x8x128xf32, #tpu.memory_space<hbm>> -> memref<1x8x1x8x128xf32, #tpu.memory_space<hbm>>
      %dma_start3A_220 = tpu.memref_squeeze %dma_start3A_219 : memref<1x8x1x8x128xf32, #tpu.memory_space<hbm>> -> memref<8x1x8x128xf32, #tpu.memory_space<hbm>>
      %dma_start3A_221 = arith.constant 0 : i32
      %dma_start3A_222 = arith.constant 0 : i32
      %dma_start3A_223 = arith.constant 0 : i32
      %dma_start3A_224 = tpu.memref_slice %arg5[%add3A_182, %dma_start3A_221, %add3A, %dma_start3A_222, %dma_start3A_223] : memref<200x8x32x8x128xf32, #tpu.memory_space<hbm>> -> memref<1x8x1x8x128xf32, #tpu.memory_space<hbm>>
      %dma_start3A_225 = tpu.memref_squeeze %dma_start3A_224 : memref<1x8x1x8x128xf32, #tpu.memory_space<hbm>> -> memref<8x1x8x128xf32, #tpu.memory_space<hbm>>
      tpu.enqueue_dma source(%arg17 : memref<8x1x8x128xf32, #tpu.memory_space<vmem>>) target(%dma_start3A_225 : memref<8x1x8x128xf32, #tpu.memory_space<hbm>>) target_semaphore(%arg25 : memref<!tpu.dma_semaphore, #tpu.memory_space<semaphore_mem>>)
      %add3A_226 = arith.constant 2 : i32
      %add3A_227 = arith.addi %add3A_182, %add3A_226 : i32
      %lt3A_228 = arith.constant 200 : i32
      %lt3A_229 = arith.cmpi slt, %add3A_227, %lt3A_228 : i32
      %convert_element_type3A_230 = arith.extui %lt3A_229 : i1 to i32
      %cond3A_231 = arith.constant 0 : i32
      %cond3A_232 = arith.cmpi ne, %convert_element_type3A_230, %cond3A_231 : i32
      scf.if %cond3A_232 {
        %ge3A = arith.constant 2 : i32
        %ge3A_363 = arith.cmpi sge, %add3A_182, %ge3A : i32
        %convert_element_type3A_364 = arith.extui %ge3A_363 : i1 to i32
        %cond3A_365 = arith.constant 0 : i32
        %cond3A_366 = arith.cmpi ne, %convert_element_type3A_364, %cond3A_365 : i32
        scf.if %cond3A_366 {
          %dma_wait3A_377 = arith.constant 0 : i32
          %dma_wait3A_378 = arith.constant 0 : i32
          %dma_wait3A_379 = arith.constant 0 : i32
          %dma_wait3A_380 = arith.constant 0 : i32
          %dma_wait3A_381 = arith.constant 0 : i32
          %dma_wait3A_382 = tpu.memref_slice %arg5[%dma_wait3A_377, %dma_wait3A_378, %dma_wait3A_379, %dma_wait3A_380, %dma_wait3A_381] : memref<200x8x32x8x128xf32, #tpu.memory_space<hbm>> -> memref<1x8x1x8x128xf32, #tpu.memory_space<hbm>>
          %dma_wait3A_383 = tpu.memref_squeeze %dma_wait3A_382 : memref<1x8x1x8x128xf32, #tpu.memory_space<hbm>> -> memref<8x1x8x128xf32, #tpu.memory_space<hbm>>
          %dma_wait3A_384 = arith.constant 0 : i32
          %dma_wait3A_385 = arith.constant 0 : i32
          %dma_wait3A_386 = arith.constant 0 : i32
          %dma_wait3A_387 = arith.constant 0 : i32
          %dma_wait3A_388 = tpu.memref_slice %arg5[%dma_wait3A_377, %dma_wait3A_384, %dma_wait3A_385, %dma_wait3A_386, %dma_wait3A_387] : memref<200x8x32x8x128xf32, #tpu.memory_space<hbm>> -> memref<1x8x1x8x128xf32, #tpu.memory_space<hbm>>
          %dma_wait3A_389 = tpu.memref_squeeze %dma_wait3A_388 : memref<1x8x1x8x128xf32, #tpu.memory_space<hbm>> -> memref<8x1x8x128xf32, #tpu.memory_space<hbm>>
          tpu.wait_dma2 semaphore(%arg27 : memref<!tpu.dma_semaphore, #tpu.memory_space<semaphore_mem>>) src(%arg19 : memref<8x1x8x128xf32, #tpu.memory_space<vmem>>) dst(%dma_wait3A_389 : memref<8x1x8x128xf32, #tpu.memory_space<hbm>>)
        } else {
        }
        %dma_wait3A_367 = arith.constant 0 : i32
        %dma_wait3A_368 = arith.constant 0 : i32
        %dma_wait3A_369 = tpu.memref_slice %arg2[%dma_wait3A_367, %dma_wait3A_368] : memref<200x4096xi32, #tpu.memory_space<hbm>> -> memref<1x128xi32, #tpu.memory_space<hbm>>
        %dma_wait3A_370 = tpu.memref_squeeze %dma_wait3A_369 : memref<1x128xi32, #tpu.memory_space<hbm>> -> memref<128xi32, #tpu.memory_space<hbm>>
        %dma_wait3A_371 = arith.constant 0 : i32
        %dma_wait3A_372 = tpu.memref_slice %arg2[%dma_wait3A_367, %dma_wait3A_371] : memref<200x4096xi32, #tpu.memory_space<hbm>> -> memref<1x128xi32, #tpu.memory_space<hbm>>
        %dma_wait3A_373 = tpu.memref_squeeze %dma_wait3A_372 : memref<1x128xi32, #tpu.memory_space<hbm>> -> memref<128xi32, #tpu.memory_space<hbm>>
        tpu.wait_dma2 semaphore(%arg31 : memref<!tpu.dma_semaphore, #tpu.memory_space<semaphore_mem>>) src(%dma_wait3A_373 : memref<128xi32, #tpu.memory_space<hbm>>) dst(%arg11 : memref<128xi32, #tpu.memory_space<vmem>>)
        %dma_start3A_374 = arith.constant 0 : i32
        %dma_start3A_375 = arith.constant 0 : i32
        %dma_start3A_376 = tpu.memref_slice %arg4[%dma_start3A_374, %dma_start3A_375] : memref<100000x64xf32, #tpu.memory_space<hbm>> -> memref<100000x64xf32, #tpu.memory_space<hbm>>
        tpu.enqueue_indirect_dma source(%dma_start3A_376 : memref<100000x64xf32, #tpu.memory_space<hbm>>) target(%arg15 : memref<128x64xf32, #tpu.memory_space<vmem>>) offsets(%arg11 : memref<128xi32, #tpu.memory_space<vmem>>) semaphore(%arg23 : memref<!tpu.dma_semaphore, #tpu.memory_space<semaphore_mem>>)
      } else {
      }
      %add3A_233 = arith.constant 3 : i32
      %add3A_234 = arith.addi %add3A_182, %add3A_233 : i32
      %lt3A_235 = arith.constant 200 : i32
      %lt3A_236 = arith.cmpi slt, %add3A_234, %lt3A_235 : i32
      %convert_element_type3A_237 = arith.extui %lt3A_236 : i1 to i32
      %cond3A_238 = arith.constant 0 : i32
      %cond3A_239 = arith.cmpi ne, %convert_element_type3A_237, %cond3A_238 : i32
      scf.if %cond3A_239 {
        %add3A_363 = arith.constant 3 : i32
        %add3A_364 = arith.addi %add3A_182, %add3A_363 : i32
        %dma_start3A_365 = tpu.memref_slice %arg2[%add3A_364, %mul3A_2] : memref<200x4096xi32, #tpu.memory_space<hbm>> -> memref<1x128xi32, #tpu.memory_space<hbm>>
        %dma_start3A_366 = tpu.memref_squeeze %dma_start3A_365 : memref<1x128xi32, #tpu.memory_space<hbm>> -> memref<128xi32, #tpu.memory_space<hbm>>
        %dma_start3A_367 = tpu.memref_slice %arg2[%add3A_364, %mul3A_2] : memref<200x4096xi32, #tpu.memory_space<hbm>> -> memref<1x128xi32, #tpu.memory_space<hbm>>
        %dma_start3A_368 = tpu.memref_squeeze %dma_start3A_367 : memref<1x128xi32, #tpu.memory_space<hbm>> -> memref<128xi32, #tpu.memory_space<hbm>>
        tpu.enqueue_dma source(%dma_start3A_368 : memref<128xi32, #tpu.memory_space<hbm>>) target(%arg8 : memref<128xi32, #tpu.memory_space<vmem>>) target_semaphore(%arg28 : memref<!tpu.dma_semaphore, #tpu.memory_space<semaphore_mem>>)
      } else {
      }
      %mul3A_240 = arith.constant 4 : i32
      %mul3A_241 = arith.muli %scan3A_121, %mul3A_240 : i32
      %add3A_242 = arith.constant 2 : i32
      %add3A_243 = arith.addi %mul3A_241, %add3A_242 : i32
      %dma_wait3A_244 = arith.constant 0 : i32
      %dma_wait3A_245 = arith.constant 0 : i32
      %dma_wait3A_246 = tpu.memref_slice %arg4[%dma_wait3A_244, %dma_wait3A_245] : memref<100000x64xf32, #tpu.memory_space<hbm>> -> memref<100000x64xf32, #tpu.memory_space<hbm>>
      tpu.wait_indirect_dma semaphore(%arg22 : memref<!tpu.dma_semaphore, #tpu.memory_space<semaphore_mem>>) src(%dma_wait3A_246 : memref<100000x64xf32, #tpu.memory_space<hbm>>) dst(%arg14 : memref<128x64xf32, #tpu.memory_space<vmem>>)
      %mul3A_247 = arith.constant 64 : i32
      %mul3A_248 = arith.muli %add3A_243, %mul3A_247 : i32
      %add3A_249 = arith.constant 0 : i32
      %add3A_250 = arith.addi %mul3A_248, %add3A_249 : i32
      %get3A_251 = arith.index_cast %add3A_250 : i32 to index
      %get3A_252 = tpu.vector_load %arg6[%get3A_251] {strides = array<i32>} : memref<12800xf32, #tpu.memory_space<vmem>>, vector<16xf32>,
      %mul3A_253 = arith.constant 64 : i32
      %mul3A_254 = arith.muli %add3A_243, %mul3A_253 : i32
      %add3A_255 = arith.constant 16 : i32
      %add3A_256 = arith.addi %mul3A_254, %add3A_255 : i32
      %get3A_257 = arith.index_cast %add3A_256 : i32 to index
      %get3A_258 = tpu.vector_load %arg6[%get3A_257] {strides = array<i32>} : memref<12800xf32, #tpu.memory_space<vmem>>, vector<16xf32>,
      %mul3A_259 = arith.constant 64 : i32
      %mul3A_260 = arith.muli %add3A_243, %mul3A_259 : i32
      %add3A_261 = arith.constant 32 : i32
      %add3A_262 = arith.addi %mul3A_260, %add3A_261 : i32
      %get3A_263 = arith.index_cast %add3A_262 : i32 to index
      %get3A_264 = tpu.vector_load %arg6[%get3A_263] {strides = array<i32>} : memref<12800xf32, #tpu.memory_space<vmem>>, vector<16xf32>,
      %mul3A_265 = arith.constant 64 : i32
      %mul3A_266 = arith.muli %add3A_243, %mul3A_265 : i32
      %add3A_267 = arith.constant 48 : i32
      %add3A_268 = arith.addi %mul3A_266, %add3A_267 : i32
      %get3A_269 = arith.index_cast %add3A_268 : i32 to index
      %get3A_270 = tpu.vector_load %arg6[%get3A_269] {strides = array<i32>} : memref<12800xf32, #tpu.memory_space<vmem>>, vector<16xf32>,
      %parallel_loop3A_271 = arith.constant 0 : i32
      %parallel_loop3A_272 = arith.constant 128 : i32
      %parallel_loop3A_273 = arith.constant 1 : i32
      scf.for %parallel_loop3A_363 = %parallel_loop3A_271 to %parallel_loop3A_272 step %parallel_loop3A_273  : i32 {
        %parallel_loop3A_364 = arith.index_cast %parallel_loop3A_363 : i32 to index
        %parallel_loop3A_365 = arith.constant 0 : index
        %parallel_loop3A_366 = tpu.vector_load %arg14[%parallel_loop3A_364, %parallel_loop3A_365] {strides = array<i32>} : memref<128x64xf32, #tpu.memory_space<vmem>>, vector<16xf32>,
        %parallel_loop3A_367 = arith.addf %parallel_loop3A_366, %get3A_252 : vector<16xf32>
        %parallel_loop3A_368 = vector.broadcast %parallel_loop3A_363 : i32 to vector<16xi32>
        %parallel_loop3A_369 = arith.addi %mul3A_8, %parallel_loop3A_368 : vector<16xi32>
        tpu.vector_store_idx %arg7[%parallel_loop3A_369], %parallel_loop3A_367 : memref<8256xf32, #tpu.memory_space<vmem>>[vector<16xi32>], vector<16xf32>,
        %parallel_loop3A_370 = arith.index_cast %parallel_loop3A_363 : i32 to index
        %parallel_loop3A_371 = arith.constant 16 : index
        %parallel_loop3A_372 = tpu.vector_load %arg14[%parallel_loop3A_370, %parallel_loop3A_371] {strides = array<i32>} : memref<128x64xf32, #tpu.memory_space<vmem>>, vector<16xf32>,
        %parallel_loop3A_373 = arith.addf %parallel_loop3A_372, %get3A_258 : vector<16xf32>
        %parallel_loop3A_374 = vector.broadcast %parallel_loop3A_363 : i32 to vector<16xi32>
        %parallel_loop3A_375 = arith.addi %mul3A_15, %parallel_loop3A_374 : vector<16xi32>
        tpu.vector_store_idx %arg7[%parallel_loop3A_375], %parallel_loop3A_373 : memref<8256xf32, #tpu.memory_space<vmem>>[vector<16xi32>], vector<16xf32>,
        %parallel_loop3A_376 = arith.index_cast %parallel_loop3A_363 : i32 to index
        %parallel_loop3A_377 = arith.constant 32 : index
        %parallel_loop3A_378 = tpu.vector_load %arg14[%parallel_loop3A_376, %parallel_loop3A_377] {strides = array<i32>} : memref<128x64xf32, #tpu.memory_space<vmem>>, vector<16xf32>,
        %parallel_loop3A_379 = arith.addf %parallel_loop3A_378, %get3A_264 : vector<16xf32>
        %parallel_loop3A_380 = vector.broadcast %parallel_loop3A_363 : i32 to vector<16xi32>
        %parallel_loop3A_381 = arith.addi %mul3A_22, %parallel_loop3A_380 : vector<16xi32>
        tpu.vector_store_idx %arg7[%parallel_loop3A_381], %parallel_loop3A_379 : memref<8256xf32, #tpu.memory_space<vmem>>[vector<16xi32>], vector<16xf32>,
        %parallel_loop3A_382 = arith.index_cast %parallel_loop3A_363 : i32 to index
        %parallel_loop3A_383 = arith.constant 48 : index
        %parallel_loop3A_384 = tpu.vector_load %arg14[%parallel_loop3A_382, %parallel_loop3A_383] {strides = array<i32>} : memref<128x64xf32, #tpu.memory_space<vmem>>, vector<16xf32>,
        %parallel_loop3A_385 = arith.addf %parallel_loop3A_384, %get3A_270 : vector<16xf32>
        %parallel_loop3A_386 = vector.broadcast %parallel_loop3A_363 : i32 to vector<16xi32>
        %parallel_loop3A_387 = arith.addi %mul3A_29, %parallel_loop3A_386 : vector<16xi32>
        tpu.vector_store_idx %arg7[%parallel_loop3A_387], %parallel_loop3A_385 : memref<8256xf32, #tpu.memory_space<vmem>>[vector<16xi32>], vector<16xf32>,
      } {sc.loop_unroll_factor = 2 : i64, sc.parallel_access}
      %parallel_loop3A_274 = arith.constant 0 : i32
      %parallel_loop3A_275 = arith.constant 64 : i32
      %parallel_loop3A_276 = arith.constant 1 : i32
      scf.for %parallel_loop3A_363 = %parallel_loop3A_274 to %parallel_loop3A_275 step %parallel_loop3A_276  : i32 {
        %parallel_loop3A_364 = arith.constant 8 : i32
        %parallel_loop3A_365 = arith.divsi %parallel_loop3A_363, %parallel_loop3A_364 : i32
        %parallel_loop3A_366 = arith.constant 8 : i32
        %parallel_loop3A_367 = arith.remsi %parallel_loop3A_363, %parallel_loop3A_366 : i32
        %parallel_loop3A_368 = arith.constant 129 : i32
        %parallel_loop3A_369 = arith.muli %parallel_loop3A_363, %parallel_loop3A_368 : i32
        %parallel_loop3A_370 = arith.constant 0 : i32
        %parallel_loop3A_371 = arith.addi %parallel_loop3A_369, %parallel_loop3A_370 : i32
        %parallel_loop3A_372 = arith.index_cast %parallel_loop3A_371 : i32 to index
        %parallel_loop3A_373 = tpu.vector_load %arg7[%parallel_loop3A_372] {strides = array<i32>} : memref<8256xf32, #tpu.memory_space<vmem>>, vector<16xf32>,
        %parallel_loop3A_374 = arith.constant 0 : i32
        %parallel_loop3A_375 = arith.index_cast %parallel_loop3A_365 : i32 to index
        %parallel_loop3A_376 = arith.index_cast %parallel_loop3A_374 : i32 to index
        %parallel_loop3A_377 = arith.index_cast %parallel_loop3A_367 : i32 to index
        %parallel_loop3A_378 = arith.constant 0 : index
        %parallel_loop3A_379 = tpu.vector_load %arg18[%parallel_loop3A_375, %parallel_loop3A_376, %parallel_loop3A_377, %parallel_loop3A_378] {strides = array<i32>} : memref<8x1x8x128xf32, #tpu.memory_space<vmem>>, vector<16xf32>,
        tpu.vector_store %arg18[%parallel_loop3A_375, %parallel_loop3A_376, %parallel_loop3A_377, %parallel_loop3A_378], %parallel_loop3A_373 {strides = array<i32>} : memref<8x1x8x128xf32, #tpu.memory_space<vmem>>, vector<16xf32>,
        %parallel_loop3A_380 = arith.constant 129 : i32
        %parallel_loop3A_381 = arith.muli %parallel_loop3A_363, %parallel_loop3A_380 : i32
        %parallel_loop3A_382 = arith.constant 16 : i32
        %parallel_loop3A_383 = arith.addi %parallel_loop3A_381, %parallel_loop3A_382 : i32
        %parallel_loop3A_384 = arith.index_cast %parallel_loop3A_383 : i32 to index
        %parallel_loop3A_385 = tpu.vector_load %arg7[%parallel_loop3A_384] {strides = array<i32>} : memref<8256xf32, #tpu.memory_space<vmem>>, vector<16xf32>,
        %parallel_loop3A_386 = arith.constant 0 : i32
        %parallel_loop3A_387 = arith.index_cast %parallel_loop3A_365 : i32 to index
        %parallel_loop3A_388 = arith.index_cast %parallel_loop3A_386 : i32 to index
        %parallel_loop3A_389 = arith.index_cast %parallel_loop3A_367 : i32 to index
        %parallel_loop3A_390 = arith.constant 16 : index
        %parallel_loop3A_391 = tpu.vector_load %arg18[%parallel_loop3A_387, %parallel_loop3A_388, %parallel_loop3A_389, %parallel_loop3A_390] {strides = array<i32>} : memref<8x1x8x128xf32, #tpu.memory_space<vmem>>, vector<16xf32>,
        tpu.vector_store %arg18[%parallel_loop3A_387, %parallel_loop3A_388, %parallel_loop3A_389, %parallel_loop3A_390], %parallel_loop3A_385 {strides = array<i32>} : memref<8x1x8x128xf32, #tpu.memory_space<vmem>>, vector<16xf32>,
        %parallel_loop3A_392 = arith.constant 129 : i32
        %parallel_loop3A_393 = arith.muli %parallel_loop3A_363, %parallel_loop3A_392 : i32
        %parallel_loop3A_394 = arith.constant 32 : i32
        %parallel_loop3A_395 = arith.addi %parallel_loop3A_393, %parallel_loop3A_394 : i32
        %parallel_loop3A_396 = arith.index_cast %parallel_loop3A_395 : i32 to index
        %parallel_loop3A_397 = tpu.vector_load %arg7[%parallel_loop3A_396] {strides = array<i32>} : memref<8256xf32, #tpu.memory_space<vmem>>, vector<16xf32>,
        %parallel_loop3A_398 = arith.constant 0 : i32
        %parallel_loop3A_399 = arith.index_cast %parallel_loop3A_365 : i32 to index
        %parallel_loop3A_400 = arith.index_cast %parallel_loop3A_398 : i32 to index
        %parallel_loop3A_401 = arith.index_cast %parallel_loop3A_367 : i32 to index
        %parallel_loop3A_402 = arith.constant 32 : index
        %parallel_loop3A_403 = tpu.vector_load %arg18[%parallel_loop3A_399, %parallel_loop3A_400, %parallel_loop3A_401, %parallel_loop3A_402] {strides = array<i32>} : memref<8x1x8x128xf32, #tpu.memory_space<vmem>>, vector<16xf32>,
        tpu.vector_store %arg18[%parallel_loop3A_399, %parallel_loop3A_400, %parallel_loop3A_401, %parallel_loop3A_402], %parallel_loop3A_397 {strides = array<i32>} : memref<8x1x8x128xf32, #tpu.memory_space<vmem>>, vector<16xf32>,
        %parallel_loop3A_404 = arith.constant 129 : i32
        %parallel_loop3A_405 = arith.muli %parallel_loop3A_363, %parallel_loop3A_404 : i32
        %parallel_loop3A_406 = arith.constant 48 : i32
        %parallel_loop3A_407 = arith.addi %parallel_loop3A_405, %parallel_loop3A_406 : i32
        %parallel_loop3A_408 = arith.index_cast %parallel_loop3A_407 : i32 to index
        %parallel_loop3A_409 = tpu.vector_load %arg7[%parallel_loop3A_408] {strides = array<i32>} : memref<8256xf32, #tpu.memory_space<vmem>>, vector<16xf32>,
        %parallel_loop3A_410 = arith.constant 0 : i32
        %parallel_loop3A_411 = arith.index_cast %parallel_loop3A_365 : i32 to index
        %parallel_loop3A_412 = arith.index_cast %parallel_loop3A_410 : i32 to index
        %parallel_loop3A_413 = arith.index_cast %parallel_loop3A_367 : i32 to index
        %parallel_loop3A_414 = arith.constant 48 : index
        %parallel_loop3A_415 = tpu.vector_load %arg18[%parallel_loop3A_411, %parallel_loop3A_412, %parallel_loop3A_413, %parallel_loop3A_414] {strides = array<i32>} : memref<8x1x8x128xf32, #tpu.memory_space<vmem>>, vector<16xf32>,
        tpu.vector_store %arg18[%parallel_loop3A_411, %parallel_loop3A_412, %parallel_loop3A_413, %parallel_loop3A_414], %parallel_loop3A_409 {strides = array<i32>} : memref<8x1x8x128xf32, #tpu.memory_space<vmem>>, vector<16xf32>,
        %parallel_loop3A_416 = arith.constant 129 : i32
        %parallel_loop3A_417 = arith.muli %parallel_loop3A_363, %parallel_loop3A_416 : i32
        %parallel_loop3A_418 = arith.constant 64 : i32
        %parallel_loop3A_419 = arith.addi %parallel_loop3A_417, %parallel_loop3A_418 : i32
        %parallel_loop3A_420 = arith.index_cast %parallel_loop3A_419 : i32 to index
        %parallel_loop3A_421 = tpu.vector_load %arg7[%parallel_loop3A_420] {strides = array<i32>} : memref<8256xf32, #tpu.memory_space<vmem>>, vector<16xf32>,
        %parallel_loop3A_422 = arith.constant 0 : i32
        %parallel_loop3A_423 = arith.index_cast %parallel_loop3A_365 : i32 to index
        %parallel_loop3A_424 = arith.index_cast %parallel_loop3A_422 : i32 to index
        %parallel_loop3A_425 = arith.index_cast %parallel_loop3A_367 : i32 to index
        %parallel_loop3A_426 = arith.constant 64 : index
        %parallel_loop3A_427 = tpu.vector_load %arg18[%parallel_loop3A_423, %parallel_loop3A_424, %parallel_loop3A_425, %parallel_loop3A_426] {strides = array<i32>} : memref<8x1x8x128xf32, #tpu.memory_space<vmem>>, vector<16xf32>,
        tpu.vector_store %arg18[%parallel_loop3A_423, %parallel_loop3A_424, %parallel_loop3A_425, %parallel_loop3A_426], %parallel_loop3A_421 {strides = array<i32>} : memref<8x1x8x128xf32, #tpu.memory_space<vmem>>, vector<16xf32>,
        %parallel_loop3A_428 = arith.constant 129 : i32
        %parallel_loop3A_429 = arith.muli %parallel_loop3A_363, %parallel_loop3A_428 : i32
        %parallel_loop3A_430 = arith.constant 80 : i32
        %parallel_loop3A_431 = arith.addi %parallel_loop3A_429, %parallel_loop3A_430 : i32
        %parallel_loop3A_432 = arith.index_cast %parallel_loop3A_431 : i32 to index
        %parallel_loop3A_433 = tpu.vector_load %arg7[%parallel_loop3A_432] {strides = array<i32>} : memref<8256xf32, #tpu.memory_space<vmem>>, vector<16xf32>,
        %parallel_loop3A_434 = arith.constant 0 : i32
        %parallel_loop3A_435 = arith.index_cast %parallel_loop3A_365 : i32 to index
        %parallel_loop3A_436 = arith.index_cast %parallel_loop3A_434 : i32 to index
        %parallel_loop3A_437 = arith.index_cast %parallel_loop3A_367 : i32 to index
        %parallel_loop3A_438 = arith.constant 80 : index
        %parallel_loop3A_439 = tpu.vector_load %arg18[%parallel_loop3A_435, %parallel_loop3A_436, %parallel_loop3A_437, %parallel_loop3A_438] {strides = array<i32>} : memref<8x1x8x128xf32, #tpu.memory_space<vmem>>, vector<16xf32>,
        tpu.vector_store %arg18[%parallel_loop3A_435, %parallel_loop3A_436, %parallel_loop3A_437, %parallel_loop3A_438], %parallel_loop3A_433 {strides = array<i32>} : memref<8x1x8x128xf32, #tpu.memory_space<vmem>>, vector<16xf32>,
        %parallel_loop3A_440 = arith.constant 129 : i32
        %parallel_loop3A_441 = arith.muli %parallel_loop3A_363, %parallel_loop3A_440 : i32
        %parallel_loop3A_442 = arith.constant 96 : i32
        %parallel_loop3A_443 = arith.addi %parallel_loop3A_441, %parallel_loop3A_442 : i32
        %parallel_loop3A_444 = arith.index_cast %parallel_loop3A_443 : i32 to index
        %parallel_loop3A_445 = tpu.vector_load %arg7[%parallel_loop3A_444] {strides = array<i32>} : memref<8256xf32, #tpu.memory_space<vmem>>, vector<16xf32>,
        %parallel_loop3A_446 = arith.constant 0 : i32
        %parallel_loop3A_447 = arith.index_cast %parallel_loop3A_365 : i32 to index
        %parallel_loop3A_448 = arith.index_cast %parallel_loop3A_446 : i32 to index
        %parallel_loop3A_449 = arith.index_cast %parallel_loop3A_367 : i32 to index
        %parallel_loop3A_450 = arith.constant 96 : index
        %parallel_loop3A_451 = tpu.vector_load %arg18[%parallel_loop3A_447, %parallel_loop3A_448, %parallel_loop3A_449, %parallel_loop3A_450] {strides = array<i32>} : memref<8x1x8x128xf32, #tpu.memory_space<vmem>>, vector<16xf32>,
        tpu.vector_store %arg18[%parallel_loop3A_447, %parallel_loop3A_448, %parallel_loop3A_449, %parallel_loop3A_450], %parallel_loop3A_445 {strides = array<i32>} : memref<8x1x8x128xf32, #tpu.memory_space<vmem>>, vector<16xf32>,
        %parallel_loop3A_452 = arith.constant 129 : i32
        %parallel_loop3A_453 = arith.muli %parallel_loop3A_363, %parallel_loop3A_452 : i32
        %parallel_loop3A_454 = arith.constant 112 : i32
        %parallel_loop3A_455 = arith.addi %parallel_loop3A_453, %parallel_loop3A_454 : i32
        %parallel_loop3A_456 = arith.index_cast %parallel_loop3A_455 : i32 to index
        %parallel_loop3A_457 = tpu.vector_load %arg7[%parallel_loop3A_456] {strides = array<i32>} : memref<8256xf32, #tpu.memory_space<vmem>>, vector<16xf32>,
        %parallel_loop3A_458 = arith.constant 0 : i32
        %parallel_loop3A_459 = arith.index_cast %parallel_loop3A_365 : i32 to index
        %parallel_loop3A_460 = arith.index_cast %parallel_loop3A_458 : i32 to index
        %parallel_loop3A_461 = arith.index_cast %parallel_loop3A_367 : i32 to index
        %parallel_loop3A_462 = arith.constant 112 : index
        %parallel_loop3A_463 = tpu.vector_load %arg18[%parallel_loop3A_459, %parallel_loop3A_460, %parallel_loop3A_461, %parallel_loop3A_462] {strides = array<i32>} : memref<8x1x8x128xf32, #tpu.memory_space<vmem>>, vector<16xf32>,
        tpu.vector_store %arg18[%parallel_loop3A_459, %parallel_loop3A_460, %parallel_loop3A_461, %parallel_loop3A_462], %parallel_loop3A_457 {strides = array<i32>} : memref<8x1x8x128xf32, #tpu.memory_space<vmem>>, vector<16xf32>,
      } {sc.loop_unroll_factor = 2 : i64, sc.parallel_access}
      %dma_start3A_277 = arith.constant 0 : i32
      %dma_start3A_278 = arith.constant 0 : i32
      %dma_start3A_279 = arith.constant 0 : i32
      %dma_start3A_280 = tpu.memref_slice %arg5[%add3A_243, %dma_start3A_277, %add3A, %dma_start3A_278, %dma_start3A_279] : memref<200x8x32x8x128xf32, #tpu.memory_space<hbm>> -> memref<1x8x1x8x128xf32, #tpu.memory_space<hbm>>
      %dma_start3A_281 = tpu.memref_squeeze %dma_start3A_280 : memref<1x8x1x8x128xf32, #tpu.memory_space<hbm>> -> memref<8x1x8x128xf32, #tpu.memory_space<hbm>>
      %dma_start3A_282 = arith.constant 0 : i32
      %dma_start3A_283 = arith.constant 0 : i32
      %dma_start3A_284 = arith.constant 0 : i32
      %dma_start3A_285 = tpu.memref_slice %arg5[%add3A_243, %dma_start3A_282, %add3A, %dma_start3A_283, %dma_start3A_284] : memref<200x8x32x8x128xf32, #tpu.memory_space<hbm>> -> memref<1x8x1x8x128xf32, #tpu.memory_space<hbm>>
      %dma_start3A_286 = tpu.memref_squeeze %dma_start3A_285 : memref<1x8x1x8x128xf32, #tpu.memory_space<hbm>> -> memref<8x1x8x128xf32, #tpu.memory_space<hbm>>
      tpu.enqueue_dma source(%arg18 : memref<8x1x8x128xf32, #tpu.memory_space<vmem>>) target(%dma_start3A_286 : memref<8x1x8x128xf32, #tpu.memory_space<hbm>>) target_semaphore(%arg26 : memref<!tpu.dma_semaphore, #tpu.memory_space<semaphore_mem>>)
      %add3A_287 = arith.constant 2 : i32
      %add3A_288 = arith.addi %add3A_243, %add3A_287 : i32
      %lt3A_289 = arith.constant 200 : i32
      %lt3A_290 = arith.cmpi slt, %add3A_288, %lt3A_289 : i32
      %convert_element_type3A_291 = arith.extui %lt3A_290 : i1 to i32
      %cond3A_292 = arith.constant 0 : i32
      %cond3A_293 = arith.cmpi ne, %convert_element_type3A_291, %cond3A_292 : i32
      scf.if %cond3A_293 {
        %ge3A = arith.constant 2 : i32
        %ge3A_363 = arith.cmpi sge, %add3A_243, %ge3A : i32
        %convert_element_type3A_364 = arith.extui %ge3A_363 : i1 to i32
        %cond3A_365 = arith.constant 0 : i32
        %cond3A_366 = arith.cmpi ne, %convert_element_type3A_364, %cond3A_365 : i32
        scf.if %cond3A_366 {
          %dma_wait3A_377 = arith.constant 0 : i32
          %dma_wait3A_378 = arith.constant 0 : i32
          %dma_wait3A_379 = arith.constant 0 : i32
          %dma_wait3A_380 = arith.constant 0 : i32
          %dma_wait3A_381 = arith.constant 0 : i32
          %dma_wait3A_382 = tpu.memref_slice %arg5[%dma_wait3A_377, %dma_wait3A_378, %dma_wait3A_379, %dma_wait3A_380, %dma_wait3A_381] : memref<200x8x32x8x128xf32, #tpu.memory_space<hbm>> -> memref<1x8x1x8x128xf32, #tpu.memory_space<hbm>>
          %dma_wait3A_383 = tpu.memref_squeeze %dma_wait3A_382 : memref<1x8x1x8x128xf32, #tpu.memory_space<hbm>> -> memref<8x1x8x128xf32, #tpu.memory_space<hbm>>
          %dma_wait3A_384 = arith.constant 0 : i32
          %dma_wait3A_385 = arith.constant 0 : i32
          %dma_wait3A_386 = arith.constant 0 : i32
          %dma_wait3A_387 = arith.constant 0 : i32
          %dma_wait3A_388 = tpu.memref_slice %arg5[%dma_wait3A_377, %dma_wait3A_384, %dma_wait3A_385, %dma_wait3A_386, %dma_wait3A_387] : memref<200x8x32x8x128xf32, #tpu.memory_space<hbm>> -> memref<1x8x1x8x128xf32, #tpu.memory_space<hbm>>
          %dma_wait3A_389 = tpu.memref_squeeze %dma_wait3A_388 : memref<1x8x1x8x128xf32, #tpu.memory_space<hbm>> -> memref<8x1x8x128xf32, #tpu.memory_space<hbm>>
          tpu.wait_dma2 semaphore(%arg24 : memref<!tpu.dma_semaphore, #tpu.memory_space<semaphore_mem>>) src(%arg16 : memref<8x1x8x128xf32, #tpu.memory_space<vmem>>) dst(%dma_wait3A_389 : memref<8x1x8x128xf32, #tpu.memory_space<hbm>>)
        } else {
        }
        %dma_wait3A_367 = arith.constant 0 : i32
        %dma_wait3A_368 = arith.constant 0 : i32
        %dma_wait3A_369 = tpu.memref_slice %arg2[%dma_wait3A_367, %dma_wait3A_368] : memref<200x4096xi32, #tpu.memory_space<hbm>> -> memref<1x128xi32, #tpu.memory_space<hbm>>
        %dma_wait3A_370 = tpu.memref_squeeze %dma_wait3A_369 : memref<1x128xi32, #tpu.memory_space<hbm>> -> memref<128xi32, #tpu.memory_space<hbm>>
        %dma_wait3A_371 = arith.constant 0 : i32
        %dma_wait3A_372 = tpu.memref_slice %arg2[%dma_wait3A_367, %dma_wait3A_371] : memref<200x4096xi32, #tpu.memory_space<hbm>> -> memref<1x128xi32, #tpu.memory_space<hbm>>
        %dma_wait3A_373 = tpu.memref_squeeze %dma_wait3A_372 : memref<1x128xi32, #tpu.memory_space<hbm>> -> memref<128xi32, #tpu.memory_space<hbm>>
        tpu.wait_dma2 semaphore(%arg28 : memref<!tpu.dma_semaphore, #tpu.memory_space<semaphore_mem>>) src(%dma_wait3A_373 : memref<128xi32, #tpu.memory_space<hbm>>) dst(%arg8 : memref<128xi32, #tpu.memory_space<vmem>>)
        %dma_start3A_374 = arith.constant 0 : i32
        %dma_start3A_375 = arith.constant 0 : i32
        %dma_start3A_376 = tpu.memref_slice %arg4[%dma_start3A_374, %dma_start3A_375] : memref<100000x64xf32, #tpu.memory_space<hbm>> -> memref<100000x64xf32, #tpu.memory_space<hbm>>
        tpu.enqueue_indirect_dma source(%dma_start3A_376 : memref<100000x64xf32, #tpu.memory_space<hbm>>) target(%arg12 : memref<128x64xf32, #tpu.memory_space<vmem>>) offsets(%arg8 : memref<128xi32, #tpu.memory_space<vmem>>) semaphore(%arg20 : memref<!tpu.dma_semaphore, #tpu.memory_space<semaphore_mem>>)
      } else {
      }
      %add3A_294 = arith.constant 3 : i32
      %add3A_295 = arith.addi %add3A_243, %add3A_294 : i32
      %lt3A_296 = arith.constant 200 : i32
      %lt3A_297 = arith.cmpi slt, %add3A_295, %lt3A_296 : i32
      %convert_element_type3A_298 = arith.extui %lt3A_297 : i1 to i32
      %cond3A_299 = arith.constant 0 : i32
      %cond3A_300 = arith.cmpi ne, %convert_element_type3A_298, %cond3A_299 : i32
      scf.if %cond3A_300 {
        %add3A_363 = arith.constant 3 : i32
        %add3A_364 = arith.addi %add3A_243, %add3A_363 : i32
        %dma_start3A_365 = tpu.memref_slice %arg2[%add3A_364, %mul3A_2] : memref<200x4096xi32, #tpu.memory_space<hbm>> -> memref<1x128xi32, #tpu.memory_space<hbm>>
        %dma_start3A_366 = tpu.memref_squeeze %dma_start3A_365 : memref<1x128xi32, #tpu.memory_space<hbm>> -> memref<128xi32, #tpu.memory_space<hbm>>
        %dma_start3A_367 = tpu.memref_slice %arg2[%add3A_364, %mul3A_2] : memref<200x4096xi32, #tpu.memory_space<hbm>> -> memref<1x128xi32, #tpu.memory_space<hbm>>
        %dma_start3A_368 = tpu.memref_squeeze %dma_start3A_367 : memref<1x128xi32, #tpu.memory_space<hbm>> -> memref<128xi32, #tpu.memory_space<hbm>>
        tpu.enqueue_dma source(%dma_start3A_368 : memref<128xi32, #tpu.memory_space<hbm>>) target(%arg9 : memref<128xi32, #tpu.memory_space<vmem>>) target_semaphore(%arg29 : memref<!tpu.dma_semaphore, #tpu.memory_space<semaphore_mem>>)
      } else {
      }
      %mul3A_301 = arith.constant 4 : i32
      %mul3A_302 = arith.muli %scan3A_121, %mul3A_301 : i32
      %add3A_303 = arith.constant 3 : i32
      %add3A_304 = arith.addi %mul3A_302, %add3A_303 : i32
      %dma_wait3A_305 = arith.constant 0 : i32
      %dma_wait3A_306 = arith.constant 0 : i32
      %dma_wait3A_307 = tpu.memref_slice %arg4[%dma_wait3A_305, %dma_wait3A_306] : memref<100000x64xf32, #tpu.memory_space<hbm>> -> memref<100000x64xf32, #tpu.memory_space<hbm>>
      tpu.wait_indirect_dma semaphore(%arg23 : memref<!tpu.dma_semaphore, #tpu.memory_space<semaphore_mem>>) src(%dma_wait3A_307 : memref<100000x64xf32, #tpu.memory_space<hbm>>) dst(%arg15 : memref<128x64xf32, #tpu.memory_space<vmem>>)
      %mul3A_308 = arith.constant 64 : i32
      %mul3A_309 = arith.muli %add3A_304, %mul3A_308 : i32
      %add3A_310 = arith.constant 0 : i32
      %add3A_311 = arith.addi %mul3A_309, %add3A_310 : i32
      %get3A_312 = arith.index_cast %add3A_311 : i32 to index
      %get3A_313 = tpu.vector_load %arg6[%get3A_312] {strides = array<i32>} : memref<12800xf32, #tpu.memory_space<vmem>>, vector<16xf32>,
      %mul3A_314 = arith.constant 64 : i32
      %mul3A_315 = arith.muli %add3A_304, %mul3A_314 : i32
      %add3A_316 = arith.constant 16 : i32
      %add3A_317 = arith.addi %mul3A_315, %add3A_316 : i32
      %get3A_318 = arith.index_cast %add3A_317 : i32 to index
      %get3A_319 = tpu.vector_load %arg6[%get3A_318] {strides = array<i32>} : memref<12800xf32, #tpu.memory_space<vmem>>, vector<16xf32>,
      %mul3A_320 = arith.constant 64 : i32
      %mul3A_321 = arith.muli %add3A_304, %mul3A_320 : i32
      %add3A_322 = arith.constant 32 : i32
      %add3A_323 = arith.addi %mul3A_321, %add3A_322 : i32
      %get3A_324 = arith.index_cast %add3A_323 : i32 to index
      %get3A_325 = tpu.vector_load %arg6[%get3A_324] {strides = array<i32>} : memref<12800xf32, #tpu.memory_space<vmem>>, vector<16xf32>,
      %mul3A_326 = arith.constant 64 : i32
      %mul3A_327 = arith.muli %add3A_304, %mul3A_326 : i32
      %add3A_328 = arith.constant 48 : i32
      %add3A_329 = arith.addi %mul3A_327, %add3A_328 : i32
      %get3A_330 = arith.index_cast %add3A_329 : i32 to index
      %get3A_331 = tpu.vector_load %arg6[%get3A_330] {strides = array<i32>} : memref<12800xf32, #tpu.memory_space<vmem>>, vector<16xf32>,
      %parallel_loop3A_332 = arith.constant 0 : i32
      %parallel_loop3A_333 = arith.constant 128 : i32
      %parallel_loop3A_334 = arith.constant 1 : i32
      scf.for %parallel_loop3A_363 = %parallel_loop3A_332 to %parallel_loop3A_333 step %parallel_loop3A_334  : i32 {
        %parallel_loop3A_364 = arith.index_cast %parallel_loop3A_363 : i32 to index
        %parallel_loop3A_365 = arith.constant 0 : index
        %parallel_loop3A_366 = tpu.vector_load %arg15[%parallel_loop3A_364, %parallel_loop3A_365] {strides = array<i32>} : memref<128x64xf32, #tpu.memory_space<vmem>>, vector<16xf32>,
        %parallel_loop3A_367 = arith.addf %parallel_loop3A_366, %get3A_313 : vector<16xf32>
        %parallel_loop3A_368 = vector.broadcast %parallel_loop3A_363 : i32 to vector<16xi32>
        %parallel_loop3A_369 = arith.addi %mul3A_8, %parallel_loop3A_368 : vector<16xi32>
        tpu.vector_store_idx %arg7[%parallel_loop3A_369], %parallel_loop3A_367 : memref<8256xf32, #tpu.memory_space<vmem>>[vector<16xi32>], vector<16xf32>,
        %parallel_loop3A_370 = arith.index_cast %parallel_loop3A_363 : i32 to index
        %parallel_loop3A_371 = arith.constant 16 : index
        %parallel_loop3A_372 = tpu.vector_load %arg15[%parallel_loop3A_370, %parallel_loop3A_371] {strides = array<i32>} : memref<128x64xf32, #tpu.memory_space<vmem>>, vector<16xf32>,
        %parallel_loop3A_373 = arith.addf %parallel_loop3A_372, %get3A_319 : vector<16xf32>
        %parallel_loop3A_374 = vector.broadcast %parallel_loop3A_363 : i32 to vector<16xi32>
        %parallel_loop3A_375 = arith.addi %mul3A_15, %parallel_loop3A_374 : vector<16xi32>
        tpu.vector_store_idx %arg7[%parallel_loop3A_375], %parallel_loop3A_373 : memref<8256xf32, #tpu.memory_space<vmem>>[vector<16xi32>], vector<16xf32>,
        %parallel_loop3A_376 = arith.index_cast %parallel_loop3A_363 : i32 to index
        %parallel_loop3A_377 = arith.constant 32 : index
        %parallel_loop3A_378 = tpu.vector_load %arg15[%parallel_loop3A_376, %parallel_loop3A_377] {strides = array<i32>} : memref<128x64xf32, #tpu.memory_space<vmem>>, vector<16xf32>,
        %parallel_loop3A_379 = arith.addf %parallel_loop3A_378, %get3A_325 : vector<16xf32>
        %parallel_loop3A_380 = vector.broadcast %parallel_loop3A_363 : i32 to vector<16xi32>
        %parallel_loop3A_381 = arith.addi %mul3A_22, %parallel_loop3A_380 : vector<16xi32>
        tpu.vector_store_idx %arg7[%parallel_loop3A_381], %parallel_loop3A_379 : memref<8256xf32, #tpu.memory_space<vmem>>[vector<16xi32>], vector<16xf32>,
        %parallel_loop3A_382 = arith.index_cast %parallel_loop3A_363 : i32 to index
        %parallel_loop3A_383 = arith.constant 48 : index
        %parallel_loop3A_384 = tpu.vector_load %arg15[%parallel_loop3A_382, %parallel_loop3A_383] {strides = array<i32>} : memref<128x64xf32, #tpu.memory_space<vmem>>, vector<16xf32>,
        %parallel_loop3A_385 = arith.addf %parallel_loop3A_384, %get3A_331 : vector<16xf32>
        %parallel_loop3A_386 = vector.broadcast %parallel_loop3A_363 : i32 to vector<16xi32>
        %parallel_loop3A_387 = arith.addi %mul3A_29, %parallel_loop3A_386 : vector<16xi32>
        tpu.vector_store_idx %arg7[%parallel_loop3A_387], %parallel_loop3A_385 : memref<8256xf32, #tpu.memory_space<vmem>>[vector<16xi32>], vector<16xf32>,
      } {sc.loop_unroll_factor = 2 : i64, sc.parallel_access}
      %parallel_loop3A_335 = arith.constant 0 : i32
      %parallel_loop3A_336 = arith.constant 64 : i32
      %parallel_loop3A_337 = arith.constant 1 : i32
      scf.for %parallel_loop3A_363 = %parallel_loop3A_335 to %parallel_loop3A_336 step %parallel_loop3A_337  : i32 {
        %parallel_loop3A_364 = arith.constant 8 : i32
        %parallel_loop3A_365 = arith.divsi %parallel_loop3A_363, %parallel_loop3A_364 : i32
        %parallel_loop3A_366 = arith.constant 8 : i32
        %parallel_loop3A_367 = arith.remsi %parallel_loop3A_363, %parallel_loop3A_366 : i32
        %parallel_loop3A_368 = arith.constant 129 : i32
        %parallel_loop3A_369 = arith.muli %parallel_loop3A_363, %parallel_loop3A_368 : i32
        %parallel_loop3A_370 = arith.constant 0 : i32
        %parallel_loop3A_371 = arith.addi %parallel_loop3A_369, %parallel_loop3A_370 : i32
        %parallel_loop3A_372 = arith.index_cast %parallel_loop3A_371 : i32 to index
        %parallel_loop3A_373 = tpu.vector_load %arg7[%parallel_loop3A_372] {strides = array<i32>} : memref<8256xf32, #tpu.memory_space<vmem>>, vector<16xf32>,
        %parallel_loop3A_374 = arith.constant 0 : i32
        %parallel_loop3A_375 = arith.index_cast %parallel_loop3A_365 : i32 to index
        %parallel_loop3A_376 = arith.index_cast %parallel_loop3A_374 : i32 to index
        %parallel_loop3A_377 = arith.index_cast %parallel_loop3A_367 : i32 to index
        %parallel_loop3A_378 = arith.constant 0 : index
        %parallel_loop3A_379 = tpu.vector_load %arg19[%parallel_loop3A_375, %parallel_loop3A_376, %parallel_loop3A_377, %parallel_loop3A_378] {strides = array<i32>} : memref<8x1x8x128xf32, #tpu.memory_space<vmem>>, vector<16xf32>,
        tpu.vector_store %arg19[%parallel_loop3A_375, %parallel_loop3A_376, %parallel_loop3A_377, %parallel_loop3A_378], %parallel_loop3A_373 {strides = array<i32>} : memref<8x1x8x128xf32, #tpu.memory_space<vmem>>, vector<16xf32>,
        %parallel_loop3A_380 = arith.constant 129 : i32
        %parallel_loop3A_381 = arith.muli %parallel_loop3A_363, %parallel_loop3A_380 : i32
        %parallel_loop3A_382 = arith.constant 16 : i32
        %parallel_loop3A_383 = arith.addi %parallel_loop3A_381, %parallel_loop3A_382 : i32
        %parallel_loop3A_384 = arith.index_cast %parallel_loop3A_383 : i32 to index
        %parallel_loop3A_385 = tpu.vector_load %arg7[%parallel_loop3A_384] {strides = array<i32>} : memref<8256xf32, #tpu.memory_space<vmem>>, vector<16xf32>,
        %parallel_loop3A_386 = arith.constant 0 : i32
        %parallel_loop3A_387 = arith.index_cast %parallel_loop3A_365 : i32 to index
        %parallel_loop3A_388 = arith.index_cast %parallel_loop3A_386 : i32 to index
        %parallel_loop3A_389 = arith.index_cast %parallel_loop3A_367 : i32 to index
        %parallel_loop3A_390 = arith.constant 16 : index
        %parallel_loop3A_391 = tpu.vector_load %arg19[%parallel_loop3A_387, %parallel_loop3A_388, %parallel_loop3A_389, %parallel_loop3A_390] {strides = array<i32>} : memref<8x1x8x128xf32, #tpu.memory_space<vmem>>, vector<16xf32>,
        tpu.vector_store %arg19[%parallel_loop3A_387, %parallel_loop3A_388, %parallel_loop3A_389, %parallel_loop3A_390], %parallel_loop3A_385 {strides = array<i32>} : memref<8x1x8x128xf32, #tpu.memory_space<vmem>>, vector<16xf32>,
        %parallel_loop3A_392 = arith.constant 129 : i32
        %parallel_loop3A_393 = arith.muli %parallel_loop3A_363, %parallel_loop3A_392 : i32
        %parallel_loop3A_394 = arith.constant 32 : i32
        %parallel_loop3A_395 = arith.addi %parallel_loop3A_393, %parallel_loop3A_394 : i32
        %parallel_loop3A_396 = arith.index_cast %parallel_loop3A_395 : i32 to index
        %parallel_loop3A_397 = tpu.vector_load %arg7[%parallel_loop3A_396] {strides = array<i32>} : memref<8256xf32, #tpu.memory_space<vmem>>, vector<16xf32>,
        %parallel_loop3A_398 = arith.constant 0 : i32
        %parallel_loop3A_399 = arith.index_cast %parallel_loop3A_365 : i32 to index
        %parallel_loop3A_400 = arith.index_cast %parallel_loop3A_398 : i32 to index
        %parallel_loop3A_401 = arith.index_cast %parallel_loop3A_367 : i32 to index
        %parallel_loop3A_402 = arith.constant 32 : index
        %parallel_loop3A_403 = tpu.vector_load %arg19[%parallel_loop3A_399, %parallel_loop3A_400, %parallel_loop3A_401, %parallel_loop3A_402] {strides = array<i32>} : memref<8x1x8x128xf32, #tpu.memory_space<vmem>>, vector<16xf32>,
        tpu.vector_store %arg19[%parallel_loop3A_399, %parallel_loop3A_400, %parallel_loop3A_401, %parallel_loop3A_402], %parallel_loop3A_397 {strides = array<i32>} : memref<8x1x8x128xf32, #tpu.memory_space<vmem>>, vector<16xf32>,
        %parallel_loop3A_404 = arith.constant 129 : i32
        %parallel_loop3A_405 = arith.muli %parallel_loop3A_363, %parallel_loop3A_404 : i32
        %parallel_loop3A_406 = arith.constant 48 : i32
        %parallel_loop3A_407 = arith.addi %parallel_loop3A_405, %parallel_loop3A_406 : i32
        %parallel_loop3A_408 = arith.index_cast %parallel_loop3A_407 : i32 to index
        %parallel_loop3A_409 = tpu.vector_load %arg7[%parallel_loop3A_408] {strides = array<i32>} : memref<8256xf32, #tpu.memory_space<vmem>>, vector<16xf32>,
        %parallel_loop3A_410 = arith.constant 0 : i32
        %parallel_loop3A_411 = arith.index_cast %parallel_loop3A_365 : i32 to index
        %parallel_loop3A_412 = arith.index_cast %parallel_loop3A_410 : i32 to index
        %parallel_loop3A_413 = arith.index_cast %parallel_loop3A_367 : i32 to index
        %parallel_loop3A_414 = arith.constant 48 : index
        %parallel_loop3A_415 = tpu.vector_load %arg19[%parallel_loop3A_411, %parallel_loop3A_412, %parallel_loop3A_413, %parallel_loop3A_414] {strides = array<i32>} : memref<8x1x8x128xf32, #tpu.memory_space<vmem>>, vector<16xf32>,
        tpu.vector_store %arg19[%parallel_loop3A_411, %parallel_loop3A_412, %parallel_loop3A_413, %parallel_loop3A_414], %parallel_loop3A_409 {strides = array<i32>} : memref<8x1x8x128xf32, #tpu.memory_space<vmem>>, vector<16xf32>,
        %parallel_loop3A_416 = arith.constant 129 : i32
        %parallel_loop3A_417 = arith.muli %parallel_loop3A_363, %parallel_loop3A_416 : i32
        %parallel_loop3A_418 = arith.constant 64 : i32
        %parallel_loop3A_419 = arith.addi %parallel_loop3A_417, %parallel_loop3A_418 : i32
        %parallel_loop3A_420 = arith.index_cast %parallel_loop3A_419 : i32 to index
        %parallel_loop3A_421 = tpu.vector_load %arg7[%parallel_loop3A_420] {strides = array<i32>} : memref<8256xf32, #tpu.memory_space<vmem>>, vector<16xf32>,
        %parallel_loop3A_422 = arith.constant 0 : i32
        %parallel_loop3A_423 = arith.index_cast %parallel_loop3A_365 : i32 to index
        %parallel_loop3A_424 = arith.index_cast %parallel_loop3A_422 : i32 to index
        %parallel_loop3A_425 = arith.index_cast %parallel_loop3A_367 : i32 to index
        %parallel_loop3A_426 = arith.constant 64 : index
        %parallel_loop3A_427 = tpu.vector_load %arg19[%parallel_loop3A_423, %parallel_loop3A_424, %parallel_loop3A_425, %parallel_loop3A_426] {strides = array<i32>} : memref<8x1x8x128xf32, #tpu.memory_space<vmem>>, vector<16xf32>,
        tpu.vector_store %arg19[%parallel_loop3A_423, %parallel_loop3A_424, %parallel_loop3A_425, %parallel_loop3A_426], %parallel_loop3A_421 {strides = array<i32>} : memref<8x1x8x128xf32, #tpu.memory_space<vmem>>, vector<16xf32>,
        %parallel_loop3A_428 = arith.constant 129 : i32
        %parallel_loop3A_429 = arith.muli %parallel_loop3A_363, %parallel_loop3A_428 : i32
        %parallel_loop3A_430 = arith.constant 80 : i32
        %parallel_loop3A_431 = arith.addi %parallel_loop3A_429, %parallel_loop3A_430 : i32
        %parallel_loop3A_432 = arith.index_cast %parallel_loop3A_431 : i32 to index
        %parallel_loop3A_433 = tpu.vector_load %arg7[%parallel_loop3A_432] {strides = array<i32>} : memref<8256xf32, #tpu.memory_space<vmem>>, vector<16xf32>,
        %parallel_loop3A_434 = arith.constant 0 : i32
        %parallel_loop3A_435 = arith.index_cast %parallel_loop3A_365 : i32 to index
        %parallel_loop3A_436 = arith.index_cast %parallel_loop3A_434 : i32 to index
        %parallel_loop3A_437 = arith.index_cast %parallel_loop3A_367 : i32 to index
        %parallel_loop3A_438 = arith.constant 80 : index
        %parallel_loop3A_439 = tpu.vector_load %arg19[%parallel_loop3A_435, %parallel_loop3A_436, %parallel_loop3A_437, %parallel_loop3A_438] {strides = array<i32>} : memref<8x1x8x128xf32, #tpu.memory_space<vmem>>, vector<16xf32>,
        tpu.vector_store %arg19[%parallel_loop3A_435, %parallel_loop3A_436, %parallel_loop3A_437, %parallel_loop3A_438], %parallel_loop3A_433 {strides = array<i32>} : memref<8x1x8x128xf32, #tpu.memory_space<vmem>>, vector<16xf32>,
        %parallel_loop3A_440 = arith.constant 129 : i32
        %parallel_loop3A_441 = arith.muli %parallel_loop3A_363, %parallel_loop3A_440 : i32
        %parallel_loop3A_442 = arith.constant 96 : i32
        %parallel_loop3A_443 = arith.addi %parallel_loop3A_441, %parallel_loop3A_442 : i32
        %parallel_loop3A_444 = arith.index_cast %parallel_loop3A_443 : i32 to index
        %parallel_loop3A_445 = tpu.vector_load %arg7[%parallel_loop3A_444] {strides = array<i32>} : memref<8256xf32, #tpu.memory_space<vmem>>, vector<16xf32>,
        %parallel_loop3A_446 = arith.constant 0 : i32
        %parallel_loop3A_447 = arith.index_cast %parallel_loop3A_365 : i32 to index
        %parallel_loop3A_448 = arith.index_cast %parallel_loop3A_446 : i32 to index
        %parallel_loop3A_449 = arith.index_cast %parallel_loop3A_367 : i32 to index
        %parallel_loop3A_450 = arith.constant 96 : index
        %parallel_loop3A_451 = tpu.vector_load %arg19[%parallel_loop3A_447, %parallel_loop3A_448, %parallel_loop3A_449, %parallel_loop3A_450] {strides = array<i32>} : memref<8x1x8x128xf32, #tpu.memory_space<vmem>>, vector<16xf32>,
        tpu.vector_store %arg19[%parallel_loop3A_447, %parallel_loop3A_448, %parallel_loop3A_449, %parallel_loop3A_450], %parallel_loop3A_445 {strides = array<i32>} : memref<8x1x8x128xf32, #tpu.memory_space<vmem>>, vector<16xf32>,
        %parallel_loop3A_452 = arith.constant 129 : i32
        %parallel_loop3A_453 = arith.muli %parallel_loop3A_363, %parallel_loop3A_452 : i32
        %parallel_loop3A_454 = arith.constant 112 : i32
        %parallel_loop3A_455 = arith.addi %parallel_loop3A_453, %parallel_loop3A_454 : i32
        %parallel_loop3A_456 = arith.index_cast %parallel_loop3A_455 : i32 to index
        %parallel_loop3A_457 = tpu.vector_load %arg7[%parallel_loop3A_456] {strides = array<i32>} : memref<8256xf32, #tpu.memory_space<vmem>>, vector<16xf32>,
        %parallel_loop3A_458 = arith.constant 0 : i32
        %parallel_loop3A_459 = arith.index_cast %parallel_loop3A_365 : i32 to index
        %parallel_loop3A_460 = arith.index_cast %parallel_loop3A_458 : i32 to index
        %parallel_loop3A_461 = arith.index_cast %parallel_loop3A_367 : i32 to index
        %parallel_loop3A_462 = arith.constant 112 : index
        %parallel_loop3A_463 = tpu.vector_load %arg19[%parallel_loop3A_459, %parallel_loop3A_460, %parallel_loop3A_461, %parallel_loop3A_462] {strides = array<i32>} : memref<8x1x8x128xf32, #tpu.memory_space<vmem>>, vector<16xf32>,
        tpu.vector_store %arg19[%parallel_loop3A_459, %parallel_loop3A_460, %parallel_loop3A_461, %parallel_loop3A_462], %parallel_loop3A_457 {strides = array<i32>} : memref<8x1x8x128xf32, #tpu.memory_space<vmem>>, vector<16xf32>,
      } {sc.loop_unroll_factor = 2 : i64, sc.parallel_access}
      %dma_start3A_338 = arith.constant 0 : i32
      %dma_start3A_339 = arith.constant 0 : i32
      %dma_start3A_340 = arith.constant 0 : i32
      %dma_start3A_341 = tpu.memref_slice %arg5[%add3A_304, %dma_start3A_338, %add3A, %dma_start3A_339, %dma_start3A_340] : memref<200x8x32x8x128xf32, #tpu.memory_space<hbm>> -> memref<1x8x1x8x128xf32, #tpu.memory_space<hbm>>
      %dma_start3A_342 = tpu.memref_squeeze %dma_start3A_341 : memref<1x8x1x8x128xf32, #tpu.memory_space<hbm>> -> memref<8x1x8x128xf32, #tpu.memory_space<hbm>>
      %dma_start3A_343 = arith.constant 0 : i32
      %dma_start3A_344 = arith.constant 0 : i32
      %dma_start3A_345 = arith.constant 0 : i32
      %dma_start3A_346 = tpu.memref_slice %arg5[%add3A_304, %dma_start3A_343, %add3A, %dma_start3A_344, %dma_start3A_345] : memref<200x8x32x8x128xf32, #tpu.memory_space<hbm>> -> memref<1x8x1x8x128xf32, #tpu.memory_space<hbm>>
      %dma_start3A_347 = tpu.memref_squeeze %dma_start3A_346 : memref<1x8x1x8x128xf32, #tpu.memory_space<hbm>> -> memref<8x1x8x128xf32, #tpu.memory_space<hbm>>
      tpu.enqueue_dma source(%arg19 : memref<8x1x8x128xf32, #tpu.memory_space<vmem>>) target(%dma_start3A_347 : memref<8x1x8x128xf32, #tpu.memory_space<hbm>>) target_semaphore(%arg27 : memref<!tpu.dma_semaphore, #tpu.memory_space<semaphore_mem>>)
      %add3A_348 = arith.constant 2 : i32
      %add3A_349 = arith.addi %add3A_304, %add3A_348 : i32
      %lt3A_350 = arith.constant 200 : i32
      %lt3A_351 = arith.cmpi slt, %add3A_349, %lt3A_350 : i32
      %convert_element_type3A_352 = arith.extui %lt3A_351 : i1 to i32
      %cond3A_353 = arith.constant 0 : i32
      %cond3A_354 = arith.cmpi ne, %convert_element_type3A_352, %cond3A_353 : i32
      scf.if %cond3A_354 {
        %ge3A = arith.constant 2 : i32
        %ge3A_363 = arith.cmpi sge, %add3A_304, %ge3A : i32
        %convert_element_type3A_364 = arith.extui %ge3A_363 : i1 to i32
        %cond3A_365 = arith.constant 0 : i32
        %cond3A_366 = arith.cmpi ne, %convert_element_type3A_364, %cond3A_365 : i32
        scf.if %cond3A_366 {
          %dma_wait3A_377 = arith.constant 0 : i32
          %dma_wait3A_378 = arith.constant 0 : i32
          %dma_wait3A_379 = arith.constant 0 : i32
          %dma_wait3A_380 = arith.constant 0 : i32
          %dma_wait3A_381 = arith.constant 0 : i32
          %dma_wait3A_382 = tpu.memref_slice %arg5[%dma_wait3A_377, %dma_wait3A_378, %dma_wait3A_379, %dma_wait3A_380, %dma_wait3A_381] : memref<200x8x32x8x128xf32, #tpu.memory_space<hbm>> -> memref<1x8x1x8x128xf32, #tpu.memory_space<hbm>>
          %dma_wait3A_383 = tpu.memref_squeeze %dma_wait3A_382 : memref<1x8x1x8x128xf32, #tpu.memory_space<hbm>> -> memref<8x1x8x128xf32, #tpu.memory_space<hbm>>
          %dma_wait3A_384 = arith.constant 0 : i32
          %dma_wait3A_385 = arith.constant 0 : i32
          %dma_wait3A_386 = arith.constant 0 : i32
          %dma_wait3A_387 = arith.constant 0 : i32
          %dma_wait3A_388 = tpu.memref_slice %arg5[%dma_wait3A_377, %dma_wait3A_384, %dma_wait3A_385, %dma_wait3A_386, %dma_wait3A_387] : memref<200x8x32x8x128xf32, #tpu.memory_space<hbm>> -> memref<1x8x1x8x128xf32, #tpu.memory_space<hbm>>
          %dma_wait3A_389 = tpu.memref_squeeze %dma_wait3A_388 : memref<1x8x1x8x128xf32, #tpu.memory_space<hbm>> -> memref<8x1x8x128xf32, #tpu.memory_space<hbm>>
          tpu.wait_dma2 semaphore(%arg25 : memref<!tpu.dma_semaphore, #tpu.memory_space<semaphore_mem>>) src(%arg17 : memref<8x1x8x128xf32, #tpu.memory_space<vmem>>) dst(%dma_wait3A_389 : memref<8x1x8x128xf32, #tpu.memory_space<hbm>>)
        } else {
        }
        %dma_wait3A_367 = arith.constant 0 : i32
        %dma_wait3A_368 = arith.constant 0 : i32
        %dma_wait3A_369 = tpu.memref_slice %arg2[%dma_wait3A_367, %dma_wait3A_368] : memref<200x4096xi32, #tpu.memory_space<hbm>> -> memref<1x128xi32, #tpu.memory_space<hbm>>
        %dma_wait3A_370 = tpu.memref_squeeze %dma_wait3A_369 : memref<1x128xi32, #tpu.memory_space<hbm>> -> memref<128xi32, #tpu.memory_space<hbm>>
        %dma_wait3A_371 = arith.constant 0 : i32
        %dma_wait3A_372 = tpu.memref_slice %arg2[%dma_wait3A_367, %dma_wait3A_371] : memref<200x4096xi32, #tpu.memory_space<hbm>> -> memref<1x128xi32, #tpu.memory_space<hbm>>
        %dma_wait3A_373 = tpu.memref_squeeze %dma_wait3A_372 : memref<1x128xi32, #tpu.memory_space<hbm>> -> memref<128xi32, #tpu.memory_space<hbm>>
        tpu.wait_dma2 semaphore(%arg29 : memref<!tpu.dma_semaphore, #tpu.memory_space<semaphore_mem>>) src(%dma_wait3A_373 : memref<128xi32, #tpu.memory_space<hbm>>) dst(%arg9 : memref<128xi32, #tpu.memory_space<vmem>>)
        %dma_start3A_374 = arith.constant 0 : i32
        %dma_start3A_375 = arith.constant 0 : i32
        %dma_start3A_376 = tpu.memref_slice %arg4[%dma_start3A_374, %dma_start3A_375] : memref<100000x64xf32, #tpu.memory_space<hbm>> -> memref<100000x64xf32, #tpu.memory_space<hbm>>
        tpu.enqueue_indirect_dma source(%dma_start3A_376 : memref<100000x64xf32, #tpu.memory_space<hbm>>) target(%arg13 : memref<128x64xf32, #tpu.memory_space<vmem>>) offsets(%arg9 : memref<128xi32, #tpu.memory_space<vmem>>) semaphore(%arg21 : memref<!tpu.dma_semaphore, #tpu.memory_space<semaphore_mem>>)
      } else {
      }
      %add3A_355 = arith.constant 3 : i32
      %add3A_356 = arith.addi %add3A_304, %add3A_355 : i32
      %lt3A_357 = arith.constant 200 : i32
      %lt3A_358 = arith.cmpi slt, %add3A_356, %lt3A_357 : i32
      %convert_element_type3A_359 = arith.extui %lt3A_358 : i1 to i32
      %cond3A_360 = arith.constant 0 : i32
      %cond3A_361 = arith.cmpi ne, %convert_element_type3A_359, %cond3A_360 : i32
      scf.if %cond3A_361 {
        %add3A_363 = arith.constant 3 : i32
        %add3A_364 = arith.addi %add3A_304, %add3A_363 : i32
        %dma_start3A_365 = tpu.memref_slice %arg2[%add3A_364, %mul3A_2] : memref<200x4096xi32, #tpu.memory_space<hbm>> -> memref<1x128xi32, #tpu.memory_space<hbm>>
        %dma_start3A_366 = tpu.memref_squeeze %dma_start3A_365 : memref<1x128xi32, #tpu.memory_space<hbm>> -> memref<128xi32, #tpu.memory_space<hbm>>
        %dma_start3A_367 = tpu.memref_slice %arg2[%add3A_364, %mul3A_2] : memref<200x4096xi32, #tpu.memory_space<hbm>> -> memref<1x128xi32, #tpu.memory_space<hbm>>
        %dma_start3A_368 = tpu.memref_squeeze %dma_start3A_367 : memref<1x128xi32, #tpu.memory_space<hbm>> -> memref<128xi32, #tpu.memory_space<hbm>>
        tpu.enqueue_dma source(%dma_start3A_368 : memref<128xi32, #tpu.memory_space<hbm>>) target(%arg10 : memref<128xi32, #tpu.memory_space<vmem>>) target_semaphore(%arg30 : memref<!tpu.dma_semaphore, #tpu.memory_space<semaphore_mem>>)
      } else {
      }
      %scan3A_362 = arith.constant 0 : i32
      scf.yield %scan3A_362 : i32
    }
    %scan3A_68 = arith.constant 50 : i32
    %dma_wait3A_69 = arith.constant 0 : i32
    %dma_wait3A_70 = arith.constant 0 : i32
    %dma_wait3A_71 = arith.constant 0 : i32
    %dma_wait3A_72 = arith.constant 0 : i32
    %dma_wait3A_73 = arith.constant 0 : i32
    %dma_wait3A_74 = tpu.memref_slice %arg5[%dma_wait3A_69, %dma_wait3A_70, %dma_wait3A_71, %dma_wait3A_72, %dma_wait3A_73] : memref<200x8x32x8x128xf32, #tpu.memory_space<hbm>> -> memref<1x8x1x8x128xf32, #tpu.memory_space<hbm>>
    %dma_wait3A_75 = tpu.memref_squeeze %dma_wait3A_74 : memref<1x8x1x8x128xf32, #tpu.memory_space<hbm>> -> memref<8x1x8x128xf32, #tpu.memory_space<hbm>>
    %dma_wait3A_76 = arith.constant 0 : i32
    %dma_wait3A_77 = arith.constant 0 : i32
    %dma_wait3A_78 = arith.constant 0 : i32
    %dma_wait3A_79 = arith.constant 0 : i32
    %dma_wait3A_80 = tpu.memref_slice %arg5[%dma_wait3A_69, %dma_wait3A_76, %dma_wait3A_77, %dma_wait3A_78, %dma_wait3A_79] : memref<200x8x32x8x128xf32, #tpu.memory_space<hbm>> -> memref<1x8x1x8x128xf32, #tpu.memory_space<hbm>>
    %dma_wait3A_81 = tpu.memref_squeeze %dma_wait3A_80 : memref<1x8x1x8x128xf32, #tpu.memory_space<hbm>> -> memref<8x1x8x128xf32, #tpu.memory_space<hbm>>
    tpu.wait_dma2 semaphore(%arg24 : memref<!tpu.dma_semaphore, #tpu.memory_space<semaphore_mem>>) src(%arg16 : memref<8x1x8x128xf32, #tpu.memory_space<vmem>>) dst(%dma_wait3A_81 : memref<8x1x8x128xf32, #tpu.memory_space<hbm>>)
    %dma_wait3A_82 = arith.constant 0 : i32
    %dma_wait3A_83 = arith.constant 0 : i32
    %dma_wait3A_84 = arith.constant 0 : i32
    %dma_wait3A_85 = arith.constant 0 : i32
    %dma_wait3A_86 = arith.constant 0 : i32
    %dma_wait3A_87 = tpu.memref_slice %arg5[%dma_wait3A_82, %dma_wait3A_83, %dma_wait3A_84, %dma_wait3A_85, %dma_wait3A_86] : memref<200x8x32x8x128xf32, #tpu.memory_space<hbm>> -> memref<1x8x1x8x128xf32, #tpu.memory_space<hbm>>
    %dma_wait3A_88 = tpu.memref_squeeze %dma_wait3A_87 : memref<1x8x1x8x128xf32, #tpu.memory_space<hbm>> -> memref<8x1x8x128xf32, #tpu.memory_space<hbm>>
    %dma_wait3A_89 = arith.constant 0 : i32
    %dma_wait3A_90 = arith.constant 0 : i32
    %dma_wait3A_91 = arith.constant 0 : i32
    %dma_wait3A_92 = arith.constant 0 : i32
    %dma_wait3A_93 = tpu.memref_slice %arg5[%dma_wait3A_82, %dma_wait3A_89, %dma_wait3A_90, %dma_wait3A_91, %dma_wait3A_92] : memref<200x8x32x8x128xf32, #tpu.memory_space<hbm>> -> memref<1x8x1x8x128xf32, #tpu.memory_space<hbm>>
    %dma_wait3A_94 = tpu.memref_squeeze %dma_wait3A_93 : memref<1x8x1x8x128xf32, #tpu.memory_space<hbm>> -> memref<8x1x8x128xf32, #tpu.memory_space<hbm>>
    tpu.wait_dma2 semaphore(%arg25 : memref<!tpu.dma_semaphore, #tpu.memory_space<semaphore_mem>>) src(%arg17 : memref<8x1x8x128xf32, #tpu.memory_space<vmem>>) dst(%dma_wait3A_94 : memref<8x1x8x128xf32, #tpu.memory_space<hbm>>)
    %dma_wait3A_95 = arith.constant 0 : i32
    %dma_wait3A_96 = arith.constant 0 : i32
    %dma_wait3A_97 = arith.constant 0 : i32
    %dma_wait3A_98 = arith.constant 0 : i32
    %dma_wait3A_99 = arith.constant 0 : i32
    %dma_wait3A_100 = tpu.memref_slice %arg5[%dma_wait3A_95, %dma_wait3A_96, %dma_wait3A_97, %dma_wait3A_98, %dma_wait3A_99] : memref<200x8x32x8x128xf32, #tpu.memory_space<hbm>> -> memref<1x8x1x8x128xf32, #tpu.memory_space<hbm>>
    %dma_wait3A_101 = tpu.memref_squeeze %dma_wait3A_100 : memref<1x8x1x8x128xf32, #tpu.memory_space<hbm>> -> memref<8x1x8x128xf32, #tpu.memory_space<hbm>>
    %dma_wait3A_102 = arith.constant 0 : i32
    %dma_wait3A_103 = arith.constant 0 : i32
    %dma_wait3A_104 = arith.constant 0 : i32
    %dma_wait3A_105 = arith.constant 0 : i32
    %dma_wait3A_106 = tpu.memref_slice %arg5[%dma_wait3A_95, %dma_wait3A_102, %dma_wait3A_103, %dma_wait3A_104, %dma_wait3A_105] : memref<200x8x32x8x128xf32, #tpu.memory_space<hbm>> -> memref<1x8x1x8x128xf32, #tpu.memory_space<hbm>>
    %dma_wait3A_107 = tpu.memref_squeeze %dma_wait3A_106 : memref<1x8x1x8x128xf32, #tpu.memory_space<hbm>> -> memref<8x1x8x128xf32, #tpu.memory_space<hbm>>
    tpu.wait_dma2 semaphore(%arg26 : memref<!tpu.dma_semaphore, #tpu.memory_space<semaphore_mem>>) src(%arg18 : memref<8x1x8x128xf32, #tpu.memory_space<vmem>>) dst(%dma_wait3A_107 : memref<8x1x8x128xf32, #tpu.memory_space<hbm>>)
    %dma_wait3A_108 = arith.constant 0 : i32
    %dma_wait3A_109 = arith.constant 0 : i32
    %dma_wait3A_110 = arith.constant 0 : i32
    %dma_wait3A_111 = arith.constant 0 : i32
    %dma_wait3A_112 = arith.constant 0 : i32
    %dma_wait3A_113 = tpu.memref_slice %arg5[%dma_wait3A_108, %dma_wait3A_109, %dma_wait3A_110, %dma_wait3A_111, %dma_wait3A_112] : memref<200x8x32x8x128xf32, #tpu.memory_space<hbm>> -> memref<1x8x1x8x128xf32, #tpu.memory_space<hbm>>
    %dma_wait3A_114 = tpu.memref_squeeze %dma_wait3A_113 : memref<1x8x1x8x128xf32, #tpu.memory_space<hbm>> -> memref<8x1x8x128xf32, #tpu.memory_space<hbm>>
    %dma_wait3A_115 = arith.constant 0 : i32
    %dma_wait3A_116 = arith.constant 0 : i32
    %dma_wait3A_117 = arith.constant 0 : i32
    %dma_wait3A_118 = arith.constant 0 : i32
    %dma_wait3A_119 = tpu.memref_slice %arg5[%dma_wait3A_108, %dma_wait3A_115, %dma_wait3A_116, %dma_wait3A_117, %dma_wait3A_118] : memref<200x8x32x8x128xf32, #tpu.memory_space<hbm>> -> memref<1x8x1x8x128xf32, #tpu.memory_space<hbm>>
    %dma_wait3A_120 = tpu.memref_squeeze %dma_wait3A_119 : memref<1x8x1x8x128xf32, #tpu.memory_space<hbm>> -> memref<8x1x8x128xf32, #tpu.memory_space<hbm>>
    tpu.wait_dma2 semaphore(%arg27 : memref<!tpu.dma_semaphore, #tpu.memory_space<semaphore_mem>>) src(%arg19 : memref<8x1x8x128xf32, #tpu.memory_space<vmem>>) dst(%dma_wait3A_120 : memref<8x1x8x128xf32, #tpu.memory_space<hbm>>)
    return
  }
}

</mosaic_0001>

<sc_bundles>
// kernel: _emb.3.cloned.1.call-start
scs
__scs_entry_jumppad:
0x0: {  	(pc) =	sbr.rel $0x88, $3  }
0x1: {  	(tag) =	ssettag $0x0;
	lr =	simm.s32 $0x1  }
0x2: {  	[smem:$0x3F9E] =	sst lr;
	_ =	strace $0xD0000000  }
0x3: {  	_ = 	snop  }
0x4: {  	_ = 	snop  }
0x5: {  	_ = 	snop  }
0x6: {  	_ = 	snop  }
0x7: {  	_ = 	snop  }
__scs_overlays_trampoline_lowered:
0x8: {  	[smem:$0x3FAD] =	sst s0  }
0x9: {  	[smem:$0x3FAE] =	sst s1  }
0xa: {  	[smem:$0x3FAF] =	sst s2  }
0xb: {  	[smem:$0x3FB0] =	sst s3  }
0xc: {  	[smem:$0x3FB1] =	sst s4  }
0xd: {  	[smem:$0x3FB2] =	sst s5  }
0xe: {  	[smem:$0x3FB3] =	sst s6  }
0xf: {  	[smem:$0x3FB4] =	sst s7  }
0x10: {  	[smem:$0x3FB5] =	sst s8  }
0x11: {  	[smem:$0x3FB6] =	sst s9;
	s0 =	simm.s32 @!p0 $0x0  }
0x12: {  	s1 =	sld [smem:$0x3F9C];
	s0 =	simm.s32 @p0 $0x1  }
0x13: {  	[smem:$0x3FB7] =	sst s0;
	s0 =	simm.s32 @!p1 $0x0  }
0x14: {  	s2 =	sld [smem:$0x3F9B];
	s0 =	simm.s32 @p1 $0x1  }
0x15: {  	[smem:$0x3FB8] =	sst s0;
	s0 =	simm.s32 @!p2 $0x0  }
0x16: {  	s3 =	sld [smem:$0x3FDB];
	s0 =	simm.s32 @p2 $0x1  }
0x17: {  	s4 =	simm.s32 $0x1BF5;
	[smem:$0x3FBA] =	sst s0  }
0x18: {  	s0 =	sld [smem:$0x3F9D];
	_ =	swait.ge [sflag:s4], $0x0  }
0x19: {  	s7 =	sld [smem:$0x3F9E]  }
0x1a: {  	s8 =	sadd.s32 $0xFFFFE003, lr  }
0x1b: {  	s9 =	sadd.s32 $0xFFFFFEF7, lr;
	s5 =	simm.s32 $0xFFFFFFFF;
	p2 =	slt.u32 s8, $0xFFFFF086  }
0x1c: {  	p1 =	slt.u32 s9, $0xF7A;
	s5 =	simm.s32 @!p2 $0x0  }
0x1d: {  	s5 =	simm.s32 @p1 $0x1;
	p0 =	seq.s32 s7, s2  }
0x1e: {  	s7 =	smul.u32 @!p0 $0xF7A, s2;
	p2 =	seq.s32 @!p0 s5, $0x0  }
0x1f: {  	s9 =	smul.u32 $0xF7A, s1;
	s8 =	simm.s32 @!p0 $0x1BF5;
	p2 =	por !p2, p0  }
0x20: {  	[sflag:s8] =	ssyncset.s32 @!p0 $0xFFFFF086;
	s6 =	sadd.s32 @!p0 s3, s7;
	s7 =	simm.s32 @!p0 $0x108  }
0x21: {  	s3 =	sadd.s32 s3, s9;
	s6 =	sadd.s32 @!p0 $0x88, s6;
	s7 =	simm.s32 @p2 $0x1082  }
0x22: {  	[simem:s7], [sflag:s8] =	dma.local @!p0 [hbm:s6], $0xF7A  }
0x23: {  	s9 =	sor.u32 $0xD0000000, s2;
	s6 =	simm.s32 $0x108;
	_ =	swait.ge @!p0 [sflag:s8], $0x0  }
0x24: {  	s3 =	sadd.s32 $0x88, s3;
	s6 =	simm.s32 @!p1 $0x1082;
	[sflag:s4] =	ssyncset.s32 $0xFFFFF086  }
0x25: {  	[simem:s6], [sflag:s4] =	dma.local [hbm:s3], $0xF7A  }
0x26: {  	[smem:$0x3F9E] =	sst s1;
	(tag) =	ssettag s2;
	_ =	strace s9  }
0x27: {  	s1 =	sld [smem:$0x3FAE]  }
0x28: {  	s2 =	sld [smem:$0x3FAF]  }
0x29: {  	s4 =	sld [smem:$0x3FB1]  }
0x2a: {  	p0 =	seq.s32 s5, $0x0;
	s5 =	sld [smem:$0x3FB2]  }
0x2b: {  	s6 =	sld [smem:$0x3FB3]  }
0x2c: {  	s7 =	sld [smem:$0x3FB4]  }
0x2d: {  	s3 =	simm.s32 $0x108;
	s8 =	sld [smem:$0x3FB5]  }
0x2e: {  	s3 =	simm.s32 @!p0 $0x1082;
	s9 =	sld [smem:$0x3FB6]  }
0x2f: {  	lr =	sadd.s32 s0, s3;
	s0 =	sld [smem:$0x3FAD]  }
0x30: {  	s3 =	sld [smem:$0x3FB0]  }
0x31: {  	[smem:$0x3FB9] =	sst s10  }
0x32: {  	s10 =	sld [smem:$0x3FB7];
	_ =	sdelay $0x3  }
0x33: {  	p0 =	seq.s32 s10, $0x1;
	s10 =	sld [smem:$0x3FB9];
	_ =	sdelay $0x3  }
0x34: {  	[smem:$0x3FB9] =	sst s10  }
0x35: {  	s10 =	sld [smem:$0x3FB8];
	_ =	sdelay $0x3  }
0x36: {  	p1 =	seq.s32 s10, $0x1;
	s10 =	sld [smem:$0x3FB9];
	_ =	sdelay $0x3  }
0x37: {  	[smem:$0x3FB9] =	sst s10  }
0x38: {  	s10 =	sld [smem:$0x3FBA]  }
0x39: {  	_ = 	snop;
	(pc) =	sbr.ind lr, $3  }
0x3a: {  	_ = 	snop  }
0x3b: {  	_ = 	snop  }
0x3c: {  	p2 =	seq.s32 s10, $0x1;
	s10 =	sld [smem:$0x3FB9]  }
0x3d: {  	_ =	shalt  }
0x3e: {  	_ =	shalt  }
0x3f: {  	_ =	shalt  }
0x40: {  	_ =	shalt  }
0x41: {  	_ =	shalt  }
0x42: {  	_ =	shalt  }
0x43: {  	_ =	shalt  }
0x44: {  	_ =	shalt  }
0x45: {  	_ =	shalt  }
0x46: {  	_ =	shalt  }
0x47: {  	_ =	shalt  }
0x48: {  	_ =	shalt  }
0x49: {  	_ =	shalt  }
0x4a: {  	_ =	shalt  }
0x4b: {  	_ =	shalt  }
0x4c: {  	_ =	shalt  }
0x4d: {  	_ =	shalt  }
0x4e: {  	_ =	shalt  }
0x4f: {  	_ =	shalt  }
0x50: {  	_ =	shalt  }
0x51: {  	_ =	shalt  }
0x52: {  	_ =	shalt  }
0x53: {  	_ =	shalt  }
0x54: {  	_ =	shalt  }
0x55: {  	_ =	shalt  }
0x56: {  	_ =	shalt  }
0x57: {  	_ =	shalt  }
0x58: {  	_ =	shalt  }
0x59: {  	_ =	shalt  }
0x5a: {  	_ =	shalt  }
0x5b: {  	_ =	shalt  }
0x5c: {  	_ =	shalt  }
0x5d: {  	_ =	shalt  }
0x5e: {  	_ =	shalt  }
0x5f: {  	_ =	shalt  }
0x60: {  	_ =	shalt  }
0x61: {  	_ =	shalt  }
0x62: {  	_ =	shalt  }
0x63: {  	_ =	shalt  }
0x64: {  	_ =	shalt  }
0x65: {  	_ =	shalt  }
0x66: {  	_ =	shalt  }
0x67: {  	_ =	shalt  }
0x68: {  	_ =	shalt  }
0x69: {  	_ =	shalt  }
0x6a: {  	_ =	shalt  }
0x6b: {  	_ =	shalt  }
0x6c: {  	_ =	shalt  }
0x6d: {  	_ =	shalt  }
0x6e: {  	_ =	shalt  }
0x6f: {  	_ =	shalt  }
0x70: {  	_ =	shalt  }
0x71: {  	_ =	shalt  }
0x72: {  	_ =	shalt  }
0x73: {  	_ =	shalt  }
0x74: {  	_ =	shalt  }
0x75: {  	_ =	shalt  }
0x76: {  	_ =	shalt  }
0x77: {  	_ =	shalt  }
0x78: {  	_ =	shalt  }
0x79: {  	_ =	shalt  }
0x7a: {  	_ =	shalt  }
0x7b: {  	_ =	shalt  }
0x7c: {  	_ =	shalt  }
0x7d: {  	_ =	shalt  }
0x7e: {  	_ =	shalt  }
0x7f: {  	_ =	shalt  }
0x80: {  	_ =	shalt  }
0x81: {  	_ =	shalt  }
0x82: {  	_ =	shalt  }
0x83: {  	_ =	shalt  }
0x84: {  	_ =	shalt  }
0x85: {  	_ =	shalt  }
0x86: {  	_ =	shalt  }
0x87: {  	_ =	shalt  }
.Lfunc_end0:
.L_simem_size_0:
called_computation_lowered:
.L_overlay_start_0:
0x88: {  	s2 =	sld [smem:$0x3FD9]  }
0x89: {  	s3 =	sld [smem:$0x3FFE];
	_ =	sdelay $0x1  }
0x8a: {  	s1 =	srdreg.scid  }
0x8b: {  	s0 =	sand.u32 $0x1, s1  }
0x8c: {  	s17 =	sshll.u32 s0, $0xA;
	s2 =	sadd.s32 s3, s2  }
0x8d: {  	s2 =	sadd.s32 s2, s17  }
0x8e: {  	[smem:$0x3FC5] =	sst s2  }
0x8f: {  	_ = 	snop  }
0x90: {  	s2 =	sld [smem:$0x3FC8]  }
0x91: {  	s18 =	sld [smem:$0x3FD0];
	(tm) =	ssettm $0x1  }
0x92: {  	s4 =	sld [smem:$0x3FFB];
	_ =	sdelay $0x3  }
0x93: {  	_ =	strace s4  }
0x94: {  	s4 =	sld [smem:$0x3FFC];
	_ =	sdelay $0x3  }
0x95: {  	_ =	strace s4  }
0x96: {  	s4 =	sld [smem:$0x3FFD];
	_ =	sdelay $0x3  }
0x97: {  	_ =	strace s4  }
0x98: {  	_ =	strace $0x8FFFFFFF  }
0x99: {  	s19 =	sld [smem:$0x3FDB];
	_ =	sdelay $0x1  }
0x9a: {  	s5 =	simm.s32 $_scs_section_size  }
0x9b: {  	s6 =	simm.s32 $_size__tile_overlayer_lowered;
	s7 =	simm.s32 $_tile_overlayer_lowered  }
0x9c: {  	s22 =	simm.s32 $0x1BFF;
	s21 =	sshll.u32 s7, $0x1;
	s4 =	sadd.s32 s5, s19  }
0x9d: {  	s8 =	simm.s32 $0x0;
	s20 =	sshll.u32 s6, $0x1;
	s6 =	sadd.s32 s21, s4  }
0x9e: {  	[timem:s8], [sflag:s22] =	dma.local [hbm:s6], s20  }
0x9f: {  	_ =	swait.ge [sflag:s22], s20  }
0xa0: {  	s5 =	ssub.s32 $0x0, s20;
	[sflag:s22] =	ssyncset.done $0x0  }
0xa1: {  	[sflag:s22] =	ssyncadd.s32 s5;
	_ =	sdelay $0x1  }
0xa2: {  	s23 =	simm.s32 $0x1B8B  }
0xa3: {  	_ =	swait.ge [sflag:s23], $0x1  }
0xa4: {  	[sflag:s23] =	ssyncset.done $0x0  }
0xa5: {  	s25 =	simm.s32 $0x1B8E;
	s24 =	sld [smem:$0x3FFE];
	[sflag:s23] =	ssyncadd.s32 $0xFFFFFFFF  }
0xa6: {  	s26 =	simm.s32 $execute0_lowered;
	[smem:$0x3FD2] =	sst s25  }
0xa7: {  	s6 =	sshll.u32 s26, $0x1;
	_ =	strace $0x80000046;
	[dreg:$0x1] =	wrdreg $0xFFFFFFFF  }
0xa8: {  	s28 =	simm.s32 $_size_execute0_lowered;
	s4 =	sadd.s32 s4, s6;
	[dreg:$0x0] =	wrdreg $0x0  }
0xa9: {  	s6 =	sshll.u32 s28, $0x1;
	[dreg:$0x2] =	wrdreg s4  }
0xaa: {  	[dreg:$0x3] =	wrdreg s6  }
0xab: {  	[dreg:$0x4] =	wrdreg $0xC0  }
0xac: {  	_ =	task [dreg:s8], $0x5FFFF  }
0xad: {  	[dreg:$0x1] =	wrdreg $0xFFFFFFFF  }
0xae: {  	[dreg:$0x0] =	wrdreg $0x60  }
0xaf: {  	[dreg:$0x2] =	wrdreg s24  }
0xb0: {  	[dreg:$0x3] =	wrdreg s2  }
0xb1: {  	[dreg:$0x4] =	wrdreg s18  }
0xb2: {  	[dreg:$0x5] =	wrdreg $0x9  }
0xb3: {  	_ =	task.clear_ibuf [dreg:s8], $0x6FFFF;
	_ =	strace $0x90000046  }
0xb4: {  	s29 =	simm.s32 $0x9;
	_ =	strace $0x80000048  }
0xb5: {  	_ =	swait.ge [sflag:s29], $0x1  }
0xb6: {  	[sflag:s29] =	ssyncadd.s32 $0xFFFFFFFF  }
0xb7: {  	_ =	strace $0x90000048  }
0xb8: {  	_ =	sfence  }
0xb9: {  	s30 =	sld [smem:$0x0];
	_ =	sdelay $0x2  }
0xba: {  	s31 =	sshll.u32 s1, $0xD;
	s1 =	sshrl.u32 s1, $0x2  }
0xbb: {  	s3 =	sand.u32 $0x4000, s31;
	s1 =	sadd.s32 s1, s30  }
0xbc: {  	s0 =	sor.u32 s3, s0;
	s1 =	sshll.u32 s1, $0x11  }
0xbd: {  	s0 =	sor.u32 s1, s0  }
0xbe: {  	s0 =	sadd.s32 $0x8F2B, s0  }
0xbf: {  	[sflag:s0] =	ssyncadd.remote.s32 $0x1  }
0xc0: {  	_ =	sfence.sel $0xFFFF  }
0xc1: {  	[dreg:$0x0] =	wrdreg $0xFFFFFFFF;
	(pc) =	sbr.abs _section_cstart, $3  }
0xc2: {  	[dreg:$0x1] =	wrdreg $0xFFFFFFFF  }
0xc3: {  	_ =	task.clear_ibuf [dreg:s8], $0x2FFFF;
	_ =	strace $0x9FFFFFFF  }
0xc4: {  	(tm) =	ssettm $0x7FFFFFFF  }
0xc5: {  	_ =	shalt  }
tec
execute0_lowered:
.L_overlay_start_1:
0x0: {  	(tag) =	ssettag $0x1  }
0x1: {  	s0 =	rddreg [dreg:$0x0]  }
0x2: {  	s2 =	rddreg [dreg:$0x2];
	s1 =	simm.s32 $0x0  }
0x3: {  	s24 =	srdreg.scid;
	s3 =	stileid.u32;
	s20 =	simm.s32 $0x5340  }
0x4: {  	[smem:$0x7FF] =	sst s1;
	s1 =	sand.u32 $0x1, s24;
	s3 =	sshll.u32 s3, $0x1  }
0x5: {  	s21 =	simm.s32 $0x80;
	s4 =	ssub.s32 $0x2, s1;
	s1 =	sor.u32 s1, s3  }
0x6: {  	s5 =	sadd.s32 $0x400, s0;
	s3 =	sshll.u32 s1, $0x4;
	s26 =	sshll.u32 s1, $0x7  }
0x7: {  	_ =	strace $0x80000047;
	s3 =	sadd.s32 s5, s3;
	[dreg:$0x4] =	wrdreg s26  }
0x8: {  	s28 =	simm.s32 $0x8000;
	s29 =	sor.u32 $0x4000, s26;
	[dreg:$0x5] =	wrdreg s3  }
0x9: {  	s6 =	sadd.s32 $0x19400, s0;
	s30 =	sor.u32 $0x5000, s26;
	[dreg:$0x8] =	wrdreg s29  }
.Ltmp0:
0xa: {  	s31 =	sor.u32 $0x6000, s26;
	[dreg:$0x9] =	wrdreg s30;
	(pc) =	sbr.rel .LBB2_1-.Ltmp0, $4  }
0xb: {  	v0 =	vlaneseq.u32;
	s25 =	sshrl.u32 s4, $0x1;
	s7 =	sadd.s32 $0x200, s3;
	[dreg:$0xa] =	wrdreg s31  }
0xc: {  	v0 =	vmul.u32 $0x81, v0;
	s0 =	ssub.s32 s4, s25;
	s3 =	sadd.s32 $0x400, s3;
	[dreg:$0x6] =	wrdreg s7  }
0xd: {  	s14 =	sshll.u32 s1, $0xA;
	s0 =	smax.u32 s0, $0x1;
	[dreg:$0x7] =	wrdreg s3  }
0xe: {  	v1 =	vadd.s32 $0x810, v0;
	v2 =	vadd.s32 $0x1020, v0;
	v3 =	vadd.s32 $0x1830, v0;
	s26 =	simm.s32 $0x400;
	[dreg:$0xb] =	wrdreg s0;
	s3 =	simm.s32 $0x0  }
.LBB2_44:
0xf: {  	s0 =	simm.s32 $0x5  }
0x10: {  	_ =	swait.ge [sflag:s0], $0x2000  }
0x11: {  	[sflag:s0] =	ssyncset.done $0x0  }
0x12: {  	s29 =	simm.s32 $0x6;
	[sflag:s0] =	ssyncadd.s32 $0xFFFFE000  }
0x13: {  	_ =	swait.ge [sflag:s29], $0x2000  }
0x14: {  	[sflag:s29] =	ssyncset.done $0x0  }
0x15: {  	s30 =	simm.s32 $0x7;
	[sflag:s29] =	ssyncadd.s32 $0xFFFFE000  }
0x16: {  	_ =	swait.ge [sflag:s30], $0x2000  }
0x17: {  	[sflag:s30] =	ssyncset.done $0x0  }
0x18: {  	s1 =	simm.s32 $0x8;
	[sflag:s30] =	ssyncadd.s32 $0xFFFFE000  }
0x19: {  	_ =	swait.ge [sflag:s1], $0x2000  }
0x1a: {  	s3 =	rddreg [dreg:$0xc]  }
0x1b: {  	s31 =	rddreg [dreg:$0xb];
	s3 =	sadd.s32 $0x1, s3  }
0x1c: {  	p0 =	sne.s32 s3, s31  }
.Ltmp1:
0x1d: {  	_ = 	snop;
	(pc) =	sbr.rel @!p0 .LBB2_45-.Ltmp1, $3  }
0x1e: {  	_ =	sdelay $0x1  }
0x1f: {  	[sflag:s1] =	ssyncset.done $0x0  }
0x20: {  	[sflag:s1] =	ssyncadd.s32 $0xFFFFE000  }
.LBB2_1:
0x21: {  	[dreg:$0xc] =	wrdreg s3  }
0x22: {  	s0 =	rddreg [dreg:$0x1];
	s1 =	simm.s32 $0x0;
	s18 =	simm.s32 $0xD  }
0x23: {  	[tilespmem:s1], [sflag:$0xD] =	stream.linear.gather [hbm4b:s0+s1], $0x3200, $0x38;
	[tilespmem:$0x15440] =	vst v63  }
0x24: {  	_ =	swait.ge [sflag:s18], $0x3200  }
0x25: {  	[sflag:s18] =	ssyncset.done $0x0  }
0x26: {  	s22 =	simm.s32 $0x5240;
	s19 =	rddreg [dreg:$0x5];
	[sflag:s18] =	ssyncadd.s32 $0xFFFFCE00  }
0x27: {  	[tilespmem:s22], [sflag:$0x9] =	stream.linear.gather [hbm4b:s19+s1], $0x80, $0x38;
	[tilespmem:$0x15440] =	vst v63  }
0x28: {  	s4 =	simm.s32 $0x52C0;
	s23 =	rddreg [dreg:$0x6]  }
0x29: {  	[tilespmem:s4], [sflag:$0xA] =	stream.linear.gather [hbm4b:s23+s1], $0x80, $0x38;
	[tilespmem:$0x15440] =	vst v63  }
0x2a: {  	s25 =	simm.s32 $0x9;
	s24 =	rddreg [dreg:$0x7]  }
0x2b: {  	[tilespmem:s20], [sflag:$0xB] =	stream.linear.gather [hbm4b:s24+s1], $0x80, $0x38;
	[tilespmem:$0x15440] =	vst v63  }
0x2c: {  	_ =	swait.ge [sflag:s25], $0x80  }
0x2d: {  	[sflag:s25] =	ssyncset.done $0x0  }
0x2e: {  	s29 =	simm.s32 $0x5440;
	s30 =	simm.s32 $0xA;
	[sflag:s25] =	ssyncadd.s32 $0xFFFFFF80  }
0x2f: {  	[tilespmem:s29], [sflag:$0x1] =	stream.indirect.gather [hbm4b:s6+s21], $0x40, s22, s21, $0xb8;
	[tilespmem:$0x15440] =	vst v63  }
0x30: {  	_ =	swait.ge [sflag:s30], $0x80  }
0x31: {  	[sflag:s30] =	ssyncset.done $0x0  }
0x32: {  	s31 =	simm.s32 $0x7440;
	s16 =	simm.s32 $0x0;
	[sflag:s30] =	ssyncadd.s32 $0xFFFFFF80  }
0x33: {  	[tilespmem:s31], [sflag:$0x2] =	stream.indirect.gather [hbm4b:s6+s21], $0x40, s4, s21, $0xb8;
	[tilespmem:$0x15440] =	vst v63  }
.LBB2_2:
0x34: {  	s1 =	simm.s32 $0x1  }
0x35: {  	_ =	swait.ge [sflag:s1], $0x2000  }
0x36: {  	s0 =	sshll.u32 s16, $0x8;
	[sflag:s1] =	ssyncset.done $0x0  }
0x37: {  	s30 =	sand.u32 $0x3FFFFF00, s0;
	[sflag:s1] =	ssyncadd.s32 $0xFFFFE000  }
0x38: {  	s3 =	simm.s32 $0x5480;
	v7 =	vld [tilespmem:s30+$0x0]  }
0x39: {  	v4 =	vld [tilespmem:s3+$0x0]  }
0x3a: {  	s9 =	simm.s32 $0x1  }
0x3b: {  	v8 =	vadd.s32 s9, v0  }
0x3c: {  	v6 =	vld [tilespmem:s30+$0x10]  }
0x3d: {  	v9 =	vld [tilespmem:s3+$0xFFFFFFC0]  }
0x3e: {  	s31 =	simm.s32 $0x0;
	v5 =	vld [tilespmem:s30+$0x20];
	v10 =	vadd.f32 v4, v7  }
0x3f: {  	s7 =	simm.s32 $0x3200;
	s17 =	simm.s32 $0x5500;
	v11 =	vadd.s32 s31, v0;
	v4 =	vld [tilespmem:s30+$0x30]  }
0x40: {  	[tilespmem:v8+s7+$0x0] =	vst.idx.msk $0xffff, v10;
	v8 =	vld [tilespmem:s17+$0x0]  }
0x41: {  	s1 =	simm.s32 $0x3;
	v10 =	vld [tilespmem:s3+$0x10]  }
0x42: {  	v12 =	vadd.s32 s1, v0;
	v9 =	vadd.f32 v9, v7  }
0x43: {  	v13 =	vadd.s32 s9, v1  }
0x44: {  	[tilespmem:v11+s7+$0x0] =	vst.idx.msk $0xffff, v9;
	v9 =	vld [tilespmem:s17+$0xFFFFFFC0]  }
0x45: {  	s4 =	simm.s32 $0x2;
	v11 =	vld [tilespmem:s3+$0xFFFFFFD0];
	v8 =	vadd.f32 v8, v7  }
0x46: {  	s10 =	simm.s32 $0x5580;
	v14 =	vadd.s32 s4, v0;
	v10 =	vadd.f32 v10, v6  }
0x47: {  	[tilespmem:v12+s7+$0x0] =	vst.idx.msk $0xffff, v8;
	v8 =	vadd.s32 s31, v1;
	v12 =	vld [tilespmem:s10+$0x0]  }
0x48: {  	s8 =	simm.s32 $0x5;
	[tilespmem:v13+s7+$0x0] =	vst.idx.msk $0xffff, v10;
	v10 =	vld [tilespmem:s17+$0x10]  }
0x49: {  	v9 =	vadd.f32 v9, v7;
	v13 =	vadd.s32 s8, v0;
	v15 =	vld [tilespmem:s3+$0x20]  }
0x4a: {  	v16 =	vadd.s32 s1, v1;
	v11 =	vadd.f32 v11, v6  }
0x4b: {  	[tilespmem:v14+s7+$0x0] =	vst.idx.msk $0xffff, v9;
	v9 =	vld [tilespmem:s10+$0xFFFFFFC0];
	v14 =	vadd.s32 s9, v2  }
0x4c: {  	s18 =	simm.s32 $0x4;
	[tilespmem:v8+s7+$0x0] =	vst.idx.msk $0xffff, v11;
	v8 =	vadd.f32 v12, v7;
	v11 =	vld [tilespmem:s17+$0xFFFFFFD0]  }
0x4d: {  	s11 =	simm.s32 $0x5600;
	v12 =	vadd.s32 s18, v0;
	v10 =	vadd.f32 v10, v6;
	v17 =	vld [tilespmem:s3+$0xFFFFFFE0]  }
0x4e: {  	[tilespmem:v13+s7+$0x0] =	vst.idx.msk $0xffff, v8;
	v8 =	vadd.s32 s4, v1;
	v13 =	vadd.f32 v15, v5;
	v15 =	vld [tilespmem:s11+$0x0]  }
0x4f: {  	s13 =	simm.s32 $0x7;
	[tilespmem:v16+s7+$0x0] =	vst.idx.msk $0xffff, v10;
	v10 =	vadd.s32 s31, v2;
	v16 =	vld [tilespmem:s10+$0x10]  }
0x50: {  	v9 =	vadd.f32 v9, v7;
	[tilespmem:v14+s7+$0x0] =	vst.idx.msk $0xffff, v13;
	v13 =	vadd.s32 s13, v0;
	v14 =	vld [tilespmem:s17+$0x20]  }
0x51: {  	v18 =	vadd.s32 s8, v1;
	v11 =	vadd.f32 v11, v6;
	v19 =	vld [tilespmem:s3+$0x30]  }
0x52: {  	[tilespmem:v12+s7+$0x0] =	vst.idx.msk $0xffff, v9;
	v12 =	vld [tilespmem:s11+$0xFFFFFFC0];
	v9 =	vadd.f32 v17, v5;
	v17 =	vadd.s32 s1, v2  }
0x53: {  	s12 =	simm.s32 $0x6;
	v21 =	vadd.s32 s9, v3;
	v20 =	vld [tilespmem:s10+$0xFFFFFFD0];
	[tilespmem:v8+s7+$0x0] =	vst.idx.msk $0xffff, v11;
	v8 =	vadd.f32 v15, v7  }
0x54: {  	v22 =	vadd.s32 s12, v0;
	s9 =	simm.s32 $0x5680;
	[tilespmem:v10+s7+$0x0] =	vst.idx.msk $0xffff, v9;
	v9 =	vadd.f32 v16, v6;
	v23 =	vld [tilespmem:s17+$0xFFFFFFE0]  }
0x55: {  	v15 =	vld [tilespmem:s9+$0x0];
	[tilespmem:v13+s7+$0x0] =	vst.idx.msk $0xffff, v8;
	v8 =	vadd.f32 v14, v5  }
0x56: {  	v10 =	vld [tilespmem:s3+$0xFFFFFFF0];
	v13 =	vadd.s32 s18, v1;
	[tilespmem:v18+s7+$0x0] =	vst.idx.msk $0xffff, v9;
	v16 =	vadd.f32 v19, v4  }
0x57: {  	s24 =	simm.s32 $0x8;
	s25 =	simm.s32 $0x9;
	v9 =	vadd.s32 s4, v2;
	v18 =	vadd.f32 v12, v7;
	v14 =	vld [tilespmem:s11+$0x10];
	[tilespmem:v17+s7+$0x0] =	vst.idx.msk $0xffff, v8  }
0x58: {  	s22 =	simm.s32 $0xA;
	s19 =	simm.s32 $0x3200;
	s23 =	simm.s32 $0x3200;
	v11 =	vadd.s32 s31, v3;
	v17 =	vadd.s32 s25, v0;
	v12 =	vld [tilespmem:s10+$0x20];
	[tilespmem:v21+s7+$0x0] =	vst.idx.msk $0xffff, v16  }
0x59: {  	s29 =	simm.s32 $0x5680;
	s0 =	simm.s32 $0x3200;
	s3 =	simm.s32 $0x3200;
	v19 =	vadd.f32 v20, v6;
	[tilespmem:v22+s7+$0x0] =	vst.idx.msk $0xffff, v18;
	v16 =	vadd.s32 s13, v1;
	v8 =	vld [tilespmem:s17+$0x30];
	v18 =	vadd.f32 v23, v5  }
.LBB2_3:
0x5a: {  	p0 =	slt.u32 s22, $0x7E;
	s15 =	smov.u32 s18  }
0x5b: {  	v20 =	vld [tilespmem:s9+$0xFFFFFFC0];
	[tilespmem:v13+s19+$0x0] =	vst.idx.msk $0xffff, v19;
	v19 =	vadd.s32 s8, v2;
	v10 =	vadd.f32 v10, v4;
	s18 =	smov.u32 s12;
	s12 =	smov.u32 s24;
	s24 =	smov.u32 s22  }
0x5c: {  	v13 =	vadd.f32 v15, v7;
	v21 =	vld [tilespmem:s11+$0xFFFFFFD0];
	[tilespmem:v9+s0+$0x0] =	vst.idx.msk $0xffff, v18;
	v18 =	vadd.s32 s1, v3;
	s1 =	smov.u32 s8;
	s8 =	smov.u32 s13;
	s13 =	smov.u32 s25  }
0x5d: {  	v22 =	vadd.s32 s12, v0;
	v9 =	vadd.f32 v14, v6;
	v23 =	vld [tilespmem:s10+$0xFFFFFFE0];
	[tilespmem:v11+s3+$0x0] =	vst.idx.msk $0xffff, v10;
	s3 =	smov.u32 s0;
	s0 =	smov.u32 s19  }
.Ltmp2:
0x5e: {  	s9 =	sadd.s32 $0x80, s9;
	s19 =	smov.u32 s23;
	[tilespmem:v17+s7+$0x0] =	vst.idx.msk $0xffff, v13;
	v13 =	vadd.s32 s18, v1;
	v11 =	vadd.f32 v12, v5;
	v10 =	vld [tilespmem:s17+$0xFFFFFFF0];
	(pc) =	sbr.rel @p0 .LBB2_3-.Ltmp2, $4  }
0x5f: {  	s23 =	smov.u32 s7;
	s17 =	smov.u32 s10;
	s10 =	smov.u32 s11;
	v15 =	vld [tilespmem:s9+$0x0];
	[tilespmem:v16+s19+$0x0] =	vst.idx.msk $0xffff, v9;
	v9 =	vadd.s32 s15, v2;
	v8 =	vadd.f32 v8, v4  }
0x60: {  	s25 =	sadd.s32 $0x1, s22;
	s11 =	smov.u32 s29;
	v16 =	vadd.f32 v20, v7;
	v14 =	vld [tilespmem:s29+$0x10];
	[tilespmem:v19+s0+$0x0] =	vst.idx.msk $0xffff, v11;
	v11 =	vadd.s32 s4, v3  }
0x61: {  	v17 =	vadd.s32 s25, v0;
	v19 =	vadd.f32 v21, v6;
	v12 =	vld [tilespmem:s10+$0x20];
	[tilespmem:v18+s3+$0x0] =	vst.idx.msk $0xffff, v8  }
0x62: {  	s22 =	sadd.s32 $0x2, s22;
	s29 =	smov.u32 s9;
	s4 =	smov.u32 s15;
	[tilespmem:v22+s23+$0x0] =	vst.idx.msk $0xffff, v16;
	v16 =	vadd.s32 s13, v1;
	v18 =	vadd.f32 v23, v5;
	v8 =	vld [tilespmem:s17+$0x30]  }
0x63: {  	v20 =	vld [tilespmem:s9+$0xFFFFFFC0];
	_ =	sdelay $0x1  }
0x64: {  	v21 =	vadd.s32 s24, v0;
	_ =	sdelay $0x1  }
0x65: {  	v15 =	vadd.f32 v15, v7  }
0x66: {  	s31 =	simm.s32 $0x3200;
	v7 =	vadd.f32 v20, v7  }
0x67: {  	v41 =	vld [tilespmem:s11+$0xFFFFFFD0];
	[tilespmem:v17+s31+$0x0] =	vst.idx.msk $0xffff, v15  }
0x68: {  	v15 =	vld [tilespmem:s29+$0x10];
	[tilespmem:v21+s31+$0x0] =	vst.idx.msk $0xffff, v7  }
0x69: {  	v7 =	vadd.s32 s12, v1;
	v42 =	vld [tilespmem:s29+$0xFFFFFFD0]  }
0x6a: {  	v43 =	vadd.s32 s25, v1  }
0x6b: {  	v22 =	vadd.s32 s24, v1;
	v14 =	vadd.f32 v14, v6  }
0x6c: {  	[tilespmem:v13+s19+$0x0] =	vst.idx.msk $0xffff, v19;
	v44 =	vadd.f32 v41, v6  }
0x6d: {  	v19 =	vld [tilespmem:s10+$0xFFFFFFE0];
	[tilespmem:v16+s23+$0x0] =	vst.idx.msk $0xffff, v14;
	v45 =	vadd.f32 v15, v6  }
0x6e: {  	v46 =	vadd.s32 s8, v2;
	v16 =	vld [tilespmem:s11+$0x20];
	[tilespmem:v7+s23+$0x0] =	vst.idx.msk $0xffff, v44;
	v6 =	vadd.f32 v42, v6  }
0x6f: {  	[tilespmem:v43+s31+$0x0] =	vst.idx.msk $0xffff, v45;
	v7 =	vadd.s32 s18, v2;
	v13 =	vld [tilespmem:s11+$0xFFFFFFE0]  }
0x70: {  	v10 =	vadd.f32 v10, v4;
	v47 =	vadd.s32 s13, v2;
	v48 =	vld [tilespmem:s29+$0x20];
	[tilespmem:v22+s31+$0x0] =	vst.idx.msk $0xffff, v6  }
0x71: {  	v49 =	vadd.s32 s12, v2;
	[tilespmem:v9+s0+$0x0] =	vst.idx.msk $0xffff, v18;
	v6 =	vadd.f32 v12, v5;
	v50 =	vld [tilespmem:s29+$0xFFFFFFE0]  }
0x72: {  	v52 =	vadd.s32 s25, v2;
	[tilespmem:v11+s3+$0x0] =	vst.idx.msk $0xffff, v10;
	v51 =	vadd.f32 v19, v5  }
0x73: {  	v53 =	vadd.s32 s24, v2;
	v18 =	vld [tilespmem:s17+$0xFFFFFFF0];
	[tilespmem:v46+s19+$0x0] =	vst.idx.msk $0xffff, v6;
	v6 =	vadd.f32 v16, v5  }
0x74: {  	v54 =	vadd.s32 s1, v3;
	[tilespmem:v7+s19+$0x0] =	vst.idx.msk $0xffff, v51;
	v55 =	vld [tilespmem:s10+$0x30];
	v7 =	vadd.f32 v13, v5  }
0x75: {  	v56 =	vadd.s32 s4, v3;
	v57 =	vld [tilespmem:s10+$0xFFFFFFF0];
	[tilespmem:v47+s23+$0x0] =	vst.idx.msk $0xffff, v6;
	v6 =	vadd.f32 v48, v5  }
0x76: {  	v58 =	vadd.s32 s8, v3;
	v59 =	vld [tilespmem:s11+$0x30];
	[tilespmem:v49+s23+$0x0] =	vst.idx.msk $0xffff, v7;
	v5 =	vadd.f32 v50, v5  }
0x77: {  	v7 =	vadd.f32 v8, v4;
	v8 =	vadd.s32 s18, v3;
	v9 =	vld [tilespmem:s11+$0xFFFFFFF0];
	[tilespmem:v52+s31+$0x0] =	vst.idx.msk $0xffff, v6  }
0x78: {  	v60 =	vadd.s32 s13, v3;
	v6 =	vadd.f32 v18, v4;
	v61 =	vld [tilespmem:s29+$0x30];
	[tilespmem:v53+s31+$0x0] =	vst.idx.msk $0xffff, v5  }
0x79: {  	[tilespmem:v54+s0+$0x0] =	vst.idx.msk $0xffff, v7;
	v7 =	vadd.s32 s12, v3;
	v5 =	vadd.f32 v55, v4;
	v15 =	vld [tilespmem:s29+$0xFFFFFFF0]  }
0x7a: {  	v62 =	vadd.s32 s25, v3;
	[tilespmem:v56+s0+$0x0] =	vst.idx.msk $0xffff, v6;
	v6 =	vadd.f32 v57, v4  }
0x7b: {  	v63 =	vadd.s32 s24, v3;
	[tilespmem:v58+s19+$0x0] =	vst.idx.msk $0xffff, v5;
	v5 =	vadd.f32 v59, v4  }
0x7c: {  	[tilespmem:v8+s19+$0x0] =	vst.idx.msk $0xffff, v6;
	v6 =	vadd.f32 v9, v4  }
0x7d: {  	[tilespmem:v60+s23+$0x0] =	vst.idx.msk $0xffff, v5;
	v5 =	vadd.f32 v61, v4  }
0x7e: {  	[tilespmem:v7+s23+$0x0] =	vst.idx.msk $0xffff, v6;
	v4 =	vadd.f32 v15, v4  }
0x7f: {  	[tilespmem:v62+s31+$0x0] =	vst.idx.msk $0xffff, v5  }
0x80: {  	[tilespmem:v63+s31+$0x0] =	vst.idx.msk $0xffff, v4  }
0x81: {  	v4 =	vld [tilespmem:s31+$0x81]  }
0x82: {  	v5 =	vld [tilespmem:s31+$0x0]  }
0x83: {  	s24 =	simm.s32 $0x80;
	s25 =	simm.s32 $0x0  }
0x84: {  	s1 =	sand.u32 $0x1C00, s25;
	s0 =	sand.u32 $0x380, s24  }
0x85: {  	s29 =	simm.s32 $0x81;
	s17 =	sor.u32 s0, s1  }
0x86: {  	s30 =	simm.s32 $0x0;
	s1 =	simm.s32 $0xD480;
	s0 =	sand.u32 $0x1FFF, s29;
	[tilespmem:s17+$0xD440] =	vst v4  }
0x87: {  	s18 =	sand.u32 $0x1FFE, s30;
	[tilespmem:s1+$0xFFFFFFC0] =	vst v5;
	v4 =	vld [tilespmem:s0+$0x3210]  }
0x88: {  	v5 =	vld [tilespmem:s18+$0x3210]  }
0x89: {  	p2 =	por $0x1, $0x1  }
.Ltmp3:
0x8a: {  	_ = 	snop;
	(pc) =	sbr.rel @!p2 .LBB2_5-.Ltmp3, $4  }
0x8b: {  	_ = 	snop  }
0x8c: {  	[tilespmem:s17+$0xD450] =	vst v4  }
0x8d: {  	[tilespmem:s1+$0xFFFFFFD0] =	vst v5;
	v6 =	vld [tilespmem:s0+$0x3220]  }
0x8e: {  	p0 =	por $0x0, $0x0;
	p1 =	por $0x0, $0x0;
	s3 =	simm.s32 $0x3302;
	v4 =	vld [tilespmem:s18+$0x3220]  }
0x8f: {  	_ =	sdelay $0x1  }
0x90: {  	v5 =	vld [tilespmem:s3+$0x81]  }
0x91: {  	v7 =	vld [tilespmem:s3+$0x0];
	[tilespmem:s17+$0xD460] =	vst v6  }
0x92: {  	s25 =	simm.s32 $0x180;
	s4 =	simm.s32 $0x100;
	[tilespmem:s1+$0xFFFFFFE0] =	vst v4;
	v4 =	vld [tilespmem:s0+$0x3230]  }
0x93: {  	s4 =	sand.u32 $0x1C00, s4;
	s3 =	sand.u32 $0x380, s25;
	v6 =	vld [tilespmem:s18+$0x3230]  }
0x94: {  	s29 =	simm.s32 $0x183;
	s8 =	sor.u32 s3, s4  }
0x95: {  	s30 =	simm.s32 $0x102;
	s10 =	simm.s32 $0xD580;
	s11 =	sand.u32 $0x1FFF, s29;
	[tilespmem:s8+$0xD440] =	vst v5  }
0x96: {  	s12 =	sand.u32 $0x1FFE, s30;
	[tilespmem:s10+$0xFFFFFFC0] =	vst v7;
	v5 =	vld [tilespmem:s11+$0x3210]  }
0x97: {  	v7 =	vld [tilespmem:s12+$0x3210];
	[tilespmem:s17+$0xD470] =	vst v4  }
0x98: {  	[tilespmem:s1+$0xFFFFFFF0] =	vst v6;
	v8 =	vld [tilespmem:s0+$0x3240]  }
0x99: {  	v9 =	vld [tilespmem:s18+$0x3240]  }
0x9a: {  	p2 =	por $0x1, $0x1  }
.Ltmp4:
0x9b: {  	[tilespmem:s8+$0xD450] =	vst v5;
	(pc) =	sbr.rel @!p2 .LBB2_7-.Ltmp4, $4  }
0x9c: {  	[tilespmem:s10+$0xFFFFFFD0] =	vst v7;
	v6 =	vld [tilespmem:s11+$0x3220]  }
0x9d: {  	v4 =	vld [tilespmem:s12+$0x3220];
	[tilespmem:s17+$0xD480] =	vst v8  }
0x9e: {  	[tilespmem:s1+$0x0] =	vst v9;
	v7 =	vld [tilespmem:s0+$0x3250]  }
0x9f: {  	p0 =	por $0x1, $0x1;
	s3 =	simm.s32 $0x3404;
	v8 =	vld [tilespmem:s18+$0x3250]  }
0xa0: {  	v5 =	vld [tilespmem:s3+$0x81]  }
0xa1: {  	v9 =	vld [tilespmem:s3+$0x0];
	[tilespmem:s8+$0xD460] =	vst v6  }
0xa2: {  	s3 =	simm.s32 $0x280;
	s4 =	simm.s32 $0x200;
	[tilespmem:s10+$0xFFFFFFE0] =	vst v4;
	v4 =	vld [tilespmem:s11+$0x3230]  }
0xa3: {  	s4 =	sand.u32 $0x1C00, s4;
	s7 =	sand.u32 $0x380, s3;
	v6 =	vld [tilespmem:s12+$0x3230];
	[tilespmem:s17+$0xD490] =	vst v7  }
0xa4: {  	s19 =	simm.s32 $0x285;
	s4 =	sor.u32 s7, s4;
	[tilespmem:s1+$0x10] =	vst v8;
	v7 =	vld [tilespmem:s0+$0x3260]  }
0xa5: {  	s9 =	simm.s32 $0x204;
	s23 =	simm.s32 $0xD680;
	s7 =	sand.u32 $0x1FFF, s19;
	[tilespmem:s4+$0xD440] =	vst v5;
	v5 =	vld [tilespmem:s18+$0x3260]  }
0xa6: {  	s13 =	sand.u32 $0x1FFE, s9;
	[tilespmem:s23+$0xFFFFFFC0] =	vst v9;
	v8 =	vld [tilespmem:s7+$0x3210]  }
0xa7: {  	v9 =	vld [tilespmem:s13+$0x3210];
	[tilespmem:s8+$0xD470] =	vst v4  }
0xa8: {  	[tilespmem:s10+$0xFFFFFFF0] =	vst v6;
	v10 =	vld [tilespmem:s11+$0x3240]  }
0xa9: {  	v11 =	vld [tilespmem:s12+$0x3240];
	[tilespmem:s17+$0xD4A0] =	vst v7  }
0xaa: {  	p2 =	por $0x1, $0x1;
	[tilespmem:s1+$0x20] =	vst v5;
	v12 =	vld [tilespmem:s0+$0x3270]  }
.Ltmp5:
0xab: {  	[tilespmem:s4+$0xD450] =	vst v8;
	v5 =	vld [tilespmem:s18+$0x3270];
	(pc) =	sbr.rel @!p2 .LBB2_9-.Ltmp5, $4  }
0xac: {  	[tilespmem:s23+$0xFFFFFFD0] =	vst v9;
	v6 =	vld [tilespmem:s7+$0x3220]  }
0xad: {  	v4 =	vld [tilespmem:s13+$0x3220];
	[tilespmem:s8+$0xD480] =	vst v10  }
0xae: {  	[tilespmem:s10+$0x0] =	vst v11;
	v7 =	vld [tilespmem:s11+$0x3250]  }
0xaf: {  	p1 =	por $0x1, $0x1;
	s9 =	simm.s32 $0x3506;
	s0 =	simm.s32 $0x4;
	v8 =	vld [tilespmem:s12+$0x3250];
	[tilespmem:s17+$0xD4B0] =	vst v12  }
.LBB2_10:
0xb0: {  	v9 =	vld [tilespmem:s9+$0x81];
	s0 =	sadd.s32 $0x2, s0;
	[tilespmem:s1+$0x30] =	vst v5;
	s1 =	smov.u32 s10;
	s10 =	smov.u32 s23  }
0xb1: {  	s3 =	sadd.s32 $0x100, s3;
	v5 =	vld [tilespmem:s9+$0x0];
	p2 =	slt.u32 s0, $0x3E;
	[tilespmem:s4+$0xD460] =	vst v6  }
0xb2: {  	s15 =	sadd.s32 $0xFFFFFF80, s3;
	[tilespmem:s23+$0xFFFFFFE0] =	vst v4;
	v4 =	vld [tilespmem:s7+$0x3230]  }
0xb3: {  	s17 =	sand.u32 $0x380, s3;
	s15 =	sand.u32 $0x1C00, s15;
	v6 =	vld [tilespmem:s13+$0x3230];
	[tilespmem:s8+$0xD490] =	vst v7  }
0xb4: {  	s19 =	sadd.s32 $0x102, s19;
	s15 =	sor.u32 s17, s15;
	[tilespmem:s1+$0x10] =	vst v8;
	v7 =	vld [tilespmem:s11+$0x3260]  }
0xb5: {  	s18 =	sand.u32 $0x1FFF, s19;
	s23 =	sadd.s32 $0x100, s23;
	s17 =	sadd.s32 $0xFFFFFF7F, s19;
	[tilespmem:s15+$0xD440] =	vst v9;
	v8 =	vld [tilespmem:s12+$0x3260]  }
0xb6: {  	s17 =	sand.u32 $0x1FFE, s17;
	[tilespmem:s23+$0xFFFFFFC0] =	vst v5;
	v5 =	vld [tilespmem:s18+$0x3210]  }
0xb7: {  	v9 =	vld [tilespmem:s17+$0x3210];
	[tilespmem:s4+$0xD470] =	vst v4  }
0xb8: {  	[tilespmem:s10+$0xFFFFFFF0] =	vst v6;
	v10 =	vld [tilespmem:s7+$0x3240]  }
0xb9: {  	v11 =	vld [tilespmem:s13+$0x3240];
	[tilespmem:s8+$0xD4A0] =	vst v7  }
0xba: {  	[tilespmem:s1+$0x20] =	vst v8;
	v12 =	vld [tilespmem:s11+$0x3270];
	s11 =	smov.u32 s7;
	s7 =	smov.u32 s18  }
.Ltmp6:
0xbb: {  	[tilespmem:s15+$0xD450] =	vst v5;
	v5 =	vld [tilespmem:s12+$0x3270];
	s12 =	smov.u32 s13;
	s13 =	smov.u32 s17;
	(pc) =	sbr.rel @p2 .LBB2_10-.Ltmp6, $4  }
0xbc: {  	[tilespmem:s23+$0xFFFFFFD0] =	vst v9;
	v6 =	vld [tilespmem:s7+$0x3220]  }
0xbd: {  	v4 =	vld [tilespmem:s13+$0x3220];
	[tilespmem:s4+$0xD480] =	vst v10  }
0xbe: {  	[tilespmem:s10+$0x0] =	vst v11;
	v7 =	vld [tilespmem:s11+$0x3250]  }
0xbf: {  	s9 =	sadd.s32 $0x102, s9;
	v8 =	vld [tilespmem:s12+$0x3250];
	[tilespmem:s8+$0xD4B0] =	vst v12;
	s8 =	smov.u32 s4;
	s4 =	smov.u32 s15  }
0xc0: {  	s3 =	smov.u32 s1;
	s1 =	smov.u32 s10;
	s10 =	smov.u32 s23  }
0xc1: {  	s17 =	smov.u32 s8;
	s0 =	smov.u32 s11;
	s18 =	smov.u32 s12  }
.LBB2_12:
0xc2: {  	[tilespmem:s4+$0xD460] =	vst v6  }
0xc3: {  	[tilespmem:s10+$0xFFFFFFE0] =	vst v4;
	v4 =	vld [tilespmem:s7+$0x3230]  }
0xc4: {  	v6 =	vld [tilespmem:s13+$0x3230];
	_ =	sdelay $0x3  }
0xc5: {  	[tilespmem:s4+$0xD470] =	vst v4  }
0xc6: {  	[tilespmem:s10+$0xFFFFFFF0] =	vst v6;
	v4 =	vld [tilespmem:s7+$0x3240]  }
0xc7: {  	v6 =	vld [tilespmem:s13+$0x3240];
	_ =	sdelay $0x3  }
0xc8: {  	[tilespmem:s4+$0xD480] =	vst v4  }
0xc9: {  	[tilespmem:s10+$0x0] =	vst v6;
	v4 =	vld [tilespmem:s7+$0x3250]  }
0xca: {  	v6 =	vld [tilespmem:s13+$0x3250]  }
0xcb: {  	[tilespmem:s17+$0xD490] =	vst @p0 v7  }
0xcc: {  	[tilespmem:s1+$0x10] =	vst @p0 v8;
	v7 =	vld @p0 [tilespmem:s0+$0x3260]  }
0xcd: {  	v8 =	vld @p0 [tilespmem:s18+$0x3260]  }
0xce: {  	[tilespmem:s4+$0xD490] =	vst v4  }
0xcf: {  	[tilespmem:s10+$0x10] =	vst v6;
	v4 =	vld [tilespmem:s7+$0x3260]  }
0xd0: {  	v6 =	vld [tilespmem:s13+$0x3260]  }
0xd1: {  	[tilespmem:s17+$0xD4A0] =	vst @p0 v7  }
0xd2: {  	[tilespmem:s1+$0x20] =	vst @p0 v8;
	v7 =	vld @p0 [tilespmem:s0+$0x3270]  }
0xd3: {  	v8 =	vld @p0 [tilespmem:s18+$0x3270]  }
0xd4: {  	[tilespmem:s4+$0xD4A0] =	vst v4  }
0xd5: {  	[tilespmem:s10+$0x20] =	vst v6;
	v4 =	vld [tilespmem:s7+$0x3270]  }
0xd6: {  	v6 =	vld [tilespmem:s13+$0x3270]  }
0xd7: {  	[tilespmem:s3+$0x30] =	vst @p1 v5  }
0xd8: {  	s9 =	sshll.u32 s16, $0x14;
	s0 =	smov.u32 @p0 s1;
	[tilespmem:s17+$0xD4B0] =	vst @p0 v7;
	v5 =	vpsel p0, v8, v0  }
0xd9: {  	s11 =	sor.u32 s14, s9;
	[tilespmem:s0+$0x30] =	vst @p0 v5  }
0xda: {  	s0 =	sshrl.u32 s11, $0x3;
	[tilespmem:s4+$0xD4B0] =	vst v4  }
0xdb: {  	s12 =	simm.s32 $0xD440;
	p0 =	seq.s32 s16, $0x0;
	s0 =	sadd.s32 s2, s0;
	[tilespmem:s10+$0x30] =	vst v6  }
0xdc: {  	[hbm4b:s0+s26] =	stream.strided.scatter [tilespmem:s12], [sflag:$0x5], $0x2000, s28, s26, $0x38;
	[tilespmem:$0x15440] =	vst v63  }
0xdd: {  	s0 =	simm.s32 @!p0 $0x7  }
0xde: {  	_ =	swait.ge @!p0 [sflag:s0], $0x2000  }
0xdf: {  	[sflag:s0] =	ssyncset.done @!p0 $0x0  }
0xe0: {  	s13 =	simm.s32 $0xB;
	[sflag:s0] =	ssyncadd.s32 @!p0 $0xFFFFE000  }
0xe1: {  	_ =	swait.ge [sflag:s13], $0x80  }
0xe2: {  	s15 =	sshll.u32 s16, $0x2;
	[sflag:s13] =	ssyncset.done $0x0  }
0xe3: {  	s24 =	sor.u32 $0x3, s15;
	s18 =	simm.s32 $0x9440;
	[sflag:s13] =	ssyncadd.s32 $0xFFFFFF80  }
0xe4: {  	[tilespmem:s18], [sflag:$0x3] =	stream.indirect.gather [hbm4b:s6+s21], $0x40, s20, s21, $0xb8;
	[tilespmem:$0x15440] =	vst v63  }
0xe5: {  	s19 =	sshll.u32 s24, $0xC;
	s20 =	rddreg [dreg:$0x4]  }
0xe6: {  	s1 =	sor.u32 s20, s19  }
0xe7: {  	s22 =	simm.s32 $0x0;
	s1 =	sshrl.u32 s1, $0x3  }
0xe8: {  	s23 =	simm.s32 $0x53C0;
	s25 =	simm.s32 $0x2;
	s1 =	sadd.s32 s5, s1  }
0xe9: {  	[tilespmem:s23], [sflag:$0xC] =	stream.linear.gather [hbm4b:s1+s22], $0x80, $0x38;
	[tilespmem:$0x15440] =	vst v63  }
0xea: {  	s1 =	sor.u32 $0x1, s15;
	_ =	swait.ge [sflag:s25], $0x2000  }
0xeb: {  	s30 =	sshll.u32 s1, $0x6;
	[sflag:s25] =	ssyncset.done $0x0  }
0xec: {  	s4 =	sand.u32 $0x3FFFFFC0, s30;
	[sflag:s25] =	ssyncadd.s32 $0xFFFFE000  }
0xed: {  	s19 =	simm.s32 $0x7480;
	v7 =	vld [tilespmem:s4+$0x0]  }
0xee: {  	v4 =	vld [tilespmem:s19+$0x0]  }
0xef: {  	s9 =	simm.s32 $0x1  }
0xf0: {  	v8 =	vadd.s32 s9, v0  }
0xf1: {  	v6 =	vld [tilespmem:s4+$0x10]  }
0xf2: {  	v9 =	vld [tilespmem:s19+$0xFFFFFFC0]  }
0xf3: {  	v5 =	vld [tilespmem:s4+$0x20];
	v10 =	vadd.f32 v4, v7  }
0xf4: {  	s8 =	simm.s32 $0x7500;
	v11 =	vadd.s32 s22, v0;
	v4 =	vld [tilespmem:s4+$0x30]  }
0xf5: {  	[tilespmem:v8+s31+$0x0] =	vst.idx.msk $0xffff, v10;
	v8 =	vld [tilespmem:s8+$0x0]  }
0xf6: {  	s10 =	simm.s32 $0x3;
	v10 =	vld [tilespmem:s19+$0x10]  }
0xf7: {  	v12 =	vadd.s32 s10, v0;
	v9 =	vadd.f32 v9, v7  }
0xf8: {  	v13 =	vadd.s32 s9, v1  }
0xf9: {  	[tilespmem:v11+s31+$0x0] =	vst.idx.msk $0xffff, v9;
	v9 =	vld [tilespmem:s8+$0xFFFFFFC0]  }
0xfa: {  	s13 =	simm.s32 $0x2;
	v11 =	vld [tilespmem:s19+$0xFFFFFFD0];
	v8 =	vadd.f32 v8, v7  }
0xfb: {  	s17 =	simm.s32 $0x7580;
	v14 =	vadd.s32 s13, v0;
	v10 =	vadd.f32 v10, v6  }
0xfc: {  	[tilespmem:v12+s31+$0x0] =	vst.idx.msk $0xffff, v8;
	v8 =	vadd.s32 s22, v1;
	v12 =	vld [tilespmem:s17+$0x0]  }
0xfd: {  	s18 =	simm.s32 $0x5;
	[tilespmem:v13+s31+$0x0] =	vst.idx.msk $0xffff, v10;
	v10 =	vld [tilespmem:s8+$0x10]  }
0xfe: {  	v9 =	vadd.f32 v9, v7;
	v13 =	vadd.s32 s18, v0;
	v15 =	vld [tilespmem:s19+$0x20]  }
0xff: {  	v16 =	vadd.s32 s10, v1;
	v11 =	vadd.f32 v11, v6  }
0x100: {  	[tilespmem:v14+s31+$0x0] =	vst.idx.msk $0xffff, v9;
	v9 =	vld [tilespmem:s17+$0xFFFFFFC0];
	v14 =	vadd.s32 s9, v2  }
0x101: {  	s4 =	simm.s32 $0x4;
	[tilespmem:v8+s31+$0x0] =	vst.idx.msk $0xffff, v11;
	v8 =	vadd.f32 v12, v7;
	v11 =	vld [tilespmem:s8+$0xFFFFFFD0]  }
0x102: {  	s12 =	simm.s32 $0x7600;
	v12 =	vadd.s32 s4, v0;
	v10 =	vadd.f32 v10, v6;
	v17 =	vld [tilespmem:s19+$0xFFFFFFE0]  }
0x103: {  	[tilespmem:v13+s31+$0x0] =	vst.idx.msk $0xffff, v8;
	v8 =	vadd.s32 s13, v1;
	v13 =	vadd.f32 v15, v5;
	v15 =	vld [tilespmem:s12+$0x0]  }
0x104: {  	s11 =	simm.s32 $0x7;
	[tilespmem:v16+s31+$0x0] =	vst.idx.msk $0xffff, v10;
	v10 =	vadd.s32 s22, v2;
	v16 =	vld [tilespmem:s17+$0x10]  }
0x105: {  	v9 =	vadd.f32 v9, v7;
	[tilespmem:v14+s31+$0x0] =	vst.idx.msk $0xffff, v13;
	v13 =	vadd.s32 s11, v0;
	v14 =	vld [tilespmem:s8+$0x20]  }
0x106: {  	v18 =	vadd.s32 s18, v1;
	v11 =	vadd.f32 v11, v6;
	v19 =	vld [tilespmem:s19+$0x30]  }
0x107: {  	[tilespmem:v12+s31+$0x0] =	vst.idx.msk $0xffff, v9;
	v12 =	vld [tilespmem:s12+$0xFFFFFFC0];
	v9 =	vadd.f32 v17, v5;
	v17 =	vadd.s32 s10, v2  }
0x108: {  	v21 =	vadd.s32 s9, v3;
	s7 =	simm.s32 $0x6;
	v20 =	vld [tilespmem:s17+$0xFFFFFFD0];
	[tilespmem:v8+s31+$0x0] =	vst.idx.msk $0xffff, v11;
	v8 =	vadd.f32 v15, v7  }
0x109: {  	v22 =	vadd.s32 s7, v0;
	s9 =	simm.s32 $0x7680;
	[tilespmem:v10+s31+$0x0] =	vst.idx.msk $0xffff, v9;
	v9 =	vadd.f32 v16, v6;
	v23 =	vld [tilespmem:s8+$0xFFFFFFE0]  }
0x10a: {  	v15 =	vld [tilespmem:s9+$0x0];
	[tilespmem:v13+s31+$0x0] =	vst.idx.msk $0xffff, v8;
	v8 =	vadd.f32 v14, v5  }
0x10b: {  	v10 =	vld [tilespmem:s19+$0xFFFFFFF0];
	v13 =	vadd.s32 s4, v1;
	[tilespmem:v18+s31+$0x0] =	vst.idx.msk $0xffff, v9;
	v16 =	vadd.f32 v19, v4  }
0x10c: {  	s3 =	simm.s32 $0x7680;
	s25 =	simm.s32 $0x9;
	v9 =	vadd.s32 s13, v2;
	v18 =	vadd.f32 v12, v7;
	v14 =	vld [tilespmem:s12+$0x10];
	[tilespmem:v17+s31+$0x0] =	vst.idx.msk $0xffff, v8  }
0x10d: {  	s29 =	sor.u32 $0x2, s15;
	s0 =	simm.s32 $0x3200;
	s15 =	simm.s32 $0xA;
	v11 =	vadd.s32 s22, v3;
	v17 =	vadd.s32 s25, v0;
	v12 =	vld [tilespmem:s17+$0x20];
	[tilespmem:v21+s31+$0x0] =	vst.idx.msk $0xffff, v16  }
0x10e: {  	s23 =	simm.s32 $0x3200;
	s22 =	simm.s32 $0x3200;
	s19 =	simm.s32 $0x8;
	v19 =	vadd.f32 v20, v6;
	[tilespmem:v22+s31+$0x0] =	vst.idx.msk $0xffff, v18;
	v16 =	vadd.s32 s11, v1;
	v8 =	vld [tilespmem:s8+$0x30];
	v18 =	vadd.f32 v23, v5  }
.LBB2_13:
0x10f: {  	p1 =	slt.u32 s15, $0x7E;
	s20 =	smov.u32 s4  }
0x110: {  	v20 =	vld [tilespmem:s9+$0xFFFFFFC0];
	[tilespmem:v13+s31+$0x0] =	vst.idx.msk $0xffff, v19;
	v19 =	vadd.s32 s18, v2;
	v10 =	vadd.f32 v10, v4;
	s4 =	smov.u32 s7;
	s7 =	smov.u32 s19;
	s19 =	smov.u32 s15  }
0x111: {  	v13 =	vadd.f32 v15, v7;
	v21 =	vld [tilespmem:s12+$0xFFFFFFD0];
	[tilespmem:v9+s0+$0x0] =	vst.idx.msk $0xffff, v18;
	v18 =	vadd.s32 s10, v3;
	s10 =	smov.u32 s18;
	s18 =	smov.u32 s11;
	s11 =	smov.u32 s25  }
0x112: {  	s30 =	simm.s32 $0x3200;
	v22 =	vadd.s32 s7, v0;
	v9 =	vadd.f32 v14, v6;
	v23 =	vld [tilespmem:s17+$0xFFFFFFE0];
	[tilespmem:v11+s22+$0x0] =	vst.idx.msk $0xffff, v10;
	s22 =	smov.u32 s0;
	s0 =	smov.u32 s31  }
.Ltmp7:
0x113: {  	s9 =	sadd.s32 $0x80, s9;
	s31 =	smov.u32 s23;
	[tilespmem:v17+s30+$0x0] =	vst.idx.msk $0xffff, v13;
	v13 =	vadd.s32 s4, v1;
	v11 =	vadd.f32 v12, v5;
	v10 =	vld [tilespmem:s8+$0xFFFFFFF0];
	(pc) =	sbr.rel @p1 .LBB2_13-.Ltmp7, $4  }
0x114: {  	s23 =	smov.u32 s30;
	s8 =	smov.u32 s17;
	s17 =	smov.u32 s12;
	v15 =	vld [tilespmem:s9+$0x0];
	[tilespmem:v16+s31+$0x0] =	vst.idx.msk $0xffff, v9;
	v9 =	vadd.s32 s20, v2;
	v8 =	vadd.f32 v8, v4  }
0x115: {  	s25 =	sadd.s32 $0x1, s15;
	s12 =	smov.u32 s3;
	v16 =	vadd.f32 v20, v7;
	v14 =	vld [tilespmem:s3+$0x10];
	[tilespmem:v19+s0+$0x0] =	vst.idx.msk $0xffff, v11;
	v11 =	vadd.s32 s13, v3  }
0x116: {  	v17 =	vadd.s32 s25, v0;
	v19 =	vadd.f32 v21, v6;
	v12 =	vld [tilespmem:s17+$0x20];
	[tilespmem:v18+s22+$0x0] =	vst.idx.msk $0xffff, v8  }
0x117: {  	s15 =	sadd.s32 $0x2, s15;
	s3 =	smov.u32 s9;
	s13 =	smov.u32 s20;
	[tilespmem:v22+s23+$0x0] =	vst.idx.msk $0xffff, v16;
	v16 =	vadd.s32 s11, v1;
	v18 =	vadd.f32 v23, v5;
	v8 =	vld [tilespmem:s8+$0x30]  }
0x118: {  	v20 =	vld [tilespmem:s9+$0xFFFFFFC0];
	_ =	sdelay $0x1  }
0x119: {  	v21 =	vadd.s32 s19, v0;
	_ =	sdelay $0x1  }
0x11a: {  	v15 =	vadd.f32 v15, v7  }
0x11b: {  	v7 =	vadd.f32 v20, v7  }
0x11c: {  	v41 =	vld [tilespmem:s12+$0xFFFFFFD0];
	[tilespmem:v17+s30+$0x0] =	vst.idx.msk $0xffff, v15  }
0x11d: {  	v15 =	vld [tilespmem:s3+$0x10];
	[tilespmem:v21+s30+$0x0] =	vst.idx.msk $0xffff, v7  }
0x11e: {  	v7 =	vadd.s32 s7, v1;
	v42 =	vld [tilespmem:s3+$0xFFFFFFD0]  }
0x11f: {  	v43 =	vadd.s32 s25, v1  }
0x120: {  	v22 =	vadd.s32 s19, v1;
	v14 =	vadd.f32 v14, v6  }
0x121: {  	[tilespmem:v13+s31+$0x0] =	vst.idx.msk $0xffff, v19;
	v44 =	vadd.f32 v41, v6  }
0x122: {  	v19 =	vld [tilespmem:s17+$0xFFFFFFE0];
	[tilespmem:v16+s23+$0x0] =	vst.idx.msk $0xffff, v14;
	v45 =	vadd.f32 v15, v6  }
0x123: {  	v46 =	vadd.s32 s18, v2;
	v16 =	vld [tilespmem:s12+$0x20];
	[tilespmem:v7+s23+$0x0] =	vst.idx.msk $0xffff, v44;
	v6 =	vadd.f32 v42, v6  }
0x124: {  	[tilespmem:v43+s30+$0x0] =	vst.idx.msk $0xffff, v45;
	v7 =	vadd.s32 s4, v2;
	v13 =	vld [tilespmem:s12+$0xFFFFFFE0]  }
0x125: {  	v10 =	vadd.f32 v10, v4;
	v47 =	vadd.s32 s11, v2;
	v48 =	vld [tilespmem:s3+$0x20];
	[tilespmem:v22+s30+$0x0] =	vst.idx.msk $0xffff, v6  }
0x126: {  	v49 =	vadd.s32 s7, v2;
	[tilespmem:v9+s0+$0x0] =	vst.idx.msk $0xffff, v18;
	v6 =	vadd.f32 v12, v5;
	v50 =	vld [tilespmem:s3+$0xFFFFFFE0]  }
0x127: {  	v52 =	vadd.s32 s25, v2;
	[tilespmem:v11+s22+$0x0] =	vst.idx.msk $0xffff, v10;
	v51 =	vadd.f32 v19, v5  }
0x128: {  	v53 =	vadd.s32 s19, v2;
	v18 =	vld [tilespmem:s8+$0xFFFFFFF0];
	[tilespmem:v46+s31+$0x0] =	vst.idx.msk $0xffff, v6;
	v6 =	vadd.f32 v16, v5  }
0x129: {  	v54 =	vadd.s32 s10, v3;
	[tilespmem:v7+s31+$0x0] =	vst.idx.msk $0xffff, v51;
	v55 =	vld [tilespmem:s17+$0x30];
	v7 =	vadd.f32 v13, v5  }
0x12a: {  	v56 =	vadd.s32 s13, v3;
	v57 =	vld [tilespmem:s17+$0xFFFFFFF0];
	[tilespmem:v47+s23+$0x0] =	vst.idx.msk $0xffff, v6;
	v6 =	vadd.f32 v48, v5  }
0x12b: {  	v58 =	vadd.s32 s18, v3;
	v59 =	vld [tilespmem:s12+$0x30];
	[tilespmem:v49+s23+$0x0] =	vst.idx.msk $0xffff, v7;
	v5 =	vadd.f32 v50, v5  }
0x12c: {  	v7 =	vadd.f32 v8, v4;
	v8 =	vadd.s32 s4, v3;
	v9 =	vld [tilespmem:s12+$0xFFFFFFF0];
	[tilespmem:v52+s30+$0x0] =	vst.idx.msk $0xffff, v6  }
0x12d: {  	v60 =	vadd.s32 s11, v3;
	v6 =	vadd.f32 v18, v4;
	v61 =	vld [tilespmem:s3+$0x30];
	[tilespmem:v53+s30+$0x0] =	vst.idx.msk $0xffff, v5  }
0x12e: {  	[tilespmem:v54+s0+$0x0] =	vst.idx.msk $0xffff, v7;
	v7 =	vadd.s32 s7, v3;
	v5 =	vadd.f32 v55, v4;
	v15 =	vld [tilespmem:s3+$0xFFFFFFF0]  }
0x12f: {  	v62 =	vadd.s32 s25, v3;
	[tilespmem:v56+s0+$0x0] =	vst.idx.msk $0xffff, v6;
	v6 =	vadd.f32 v57, v4  }
0x130: {  	v63 =	vadd.s32 s19, v3;
	[tilespmem:v58+s31+$0x0] =	vst.idx.msk $0xffff, v5;
	v5 =	vadd.f32 v59, v4  }
0x131: {  	[tilespmem:v8+s31+$0x0] =	vst.idx.msk $0xffff, v6;
	v6 =	vadd.f32 v9, v4  }
0x132: {  	[tilespmem:v60+s23+$0x0] =	vst.idx.msk $0xffff, v5;
	v5 =	vadd.f32 v61, v4  }
0x133: {  	[tilespmem:v7+s23+$0x0] =	vst.idx.msk $0xffff, v6;
	v4 =	vadd.f32 v15, v4  }
0x134: {  	[tilespmem:v62+s30+$0x0] =	vst.idx.msk $0xffff, v5  }
0x135: {  	[tilespmem:v63+s30+$0x0] =	vst.idx.msk $0xffff, v4  }
0x136: {  	v4 =	vld [tilespmem:s30+$0x81]  }
0x137: {  	v5 =	vld [tilespmem:s30+$0x0]  }
0x138: {  	s25 =	simm.s32 $0x0;
	s23 =	simm.s32 $0x80  }
0x139: {  	s3 =	sand.u32 $0x1C00, s25;
	s0 =	sand.u32 $0x380, s23  }
0x13a: {  	s18 =	sor.u32 s0, s3;
	s30 =	simm.s32 $0x81  }
0x13b: {  	s17 =	simm.s32 $0xF480;
	s31 =	simm.s32 $0x0;
	s0 =	sand.u32 $0x1FFF, s30;
	[tilespmem:s18+$0xF440] =	vst v4  }
0x13c: {  	s19 =	sand.u32 $0x1FFE, s31;
	[tilespmem:s17+$0xFFFFFFC0] =	vst v5;
	v4 =	vld [tilespmem:s0+$0x3210]  }
0x13d: {  	v5 =	vld [tilespmem:s19+$0x3210]  }
0x13e: {  	p3 =	por $0x1, $0x1  }
.Ltmp8:
0x13f: {  	_ = 	snop;
	(pc) =	sbr.rel @!p3 .LBB2_15-.Ltmp8, $4  }
0x140: {  	_ = 	snop  }
0x141: {  	[tilespmem:s18+$0xF450] =	vst v4  }
0x142: {  	[tilespmem:s17+$0xFFFFFFD0] =	vst v5;
	v6 =	vld [tilespmem:s0+$0x3220]  }
0x143: {  	p1 =	por $0x0, $0x0;
	p2 =	por $0x0, $0x0;
	s3 =	simm.s32 $0x3302;
	v4 =	vld [tilespmem:s19+$0x3220]  }
0x144: {  	_ =	sdelay $0x1  }
0x145: {  	v5 =	vld [tilespmem:s3+$0x81]  }
0x146: {  	v7 =	vld [tilespmem:s3+$0x0];
	[tilespmem:s18+$0xF460] =	vst v6  }
0x147: {  	s25 =	simm.s32 $0x180;
	s4 =	simm.s32 $0x100;
	[tilespmem:s17+$0xFFFFFFE0] =	vst v4;
	v4 =	vld [tilespmem:s0+$0x3230]  }
0x148: {  	s4 =	sand.u32 $0x1C00, s4;
	s3 =	sand.u32 $0x380, s25;
	v6 =	vld [tilespmem:s19+$0x3230]  }
0x149: {  	s30 =	simm.s32 $0x183;
	s8 =	sor.u32 s3, s4  }
0x14a: {  	s31 =	simm.s32 $0x102;
	s10 =	simm.s32 $0xF580;
	s11 =	sand.u32 $0x1FFF, s30;
	[tilespmem:s8+$0xF440] =	vst v5  }
0x14b: {  	s12 =	sand.u32 $0x1FFE, s31;
	[tilespmem:s10+$0xFFFFFFC0] =	vst v7;
	v5 =	vld [tilespmem:s11+$0x3210]  }
0x14c: {  	v7 =	vld [tilespmem:s12+$0x3210];
	[tilespmem:s18+$0xF470] =	vst v4  }
0x14d: {  	[tilespmem:s17+$0xFFFFFFF0] =	vst v6;
	v8 =	vld [tilespmem:s0+$0x3240]  }
0x14e: {  	v9 =	vld [tilespmem:s19+$0x3240]  }
0x14f: {  	p3 =	por $0x1, $0x1  }
.Ltmp9:
0x150: {  	[tilespmem:s8+$0xF450] =	vst v5;
	(pc) =	sbr.rel @!p3 .LBB2_17-.Ltmp9, $4  }
0x151: {  	[tilespmem:s10+$0xFFFFFFD0] =	vst v7;
	v6 =	vld [tilespmem:s11+$0x3220]  }
0x152: {  	v4 =	vld [tilespmem:s12+$0x3220];
	[tilespmem:s18+$0xF480] =	vst v8  }
0x153: {  	[tilespmem:s17+$0x0] =	vst v9;
	v7 =	vld [tilespmem:s0+$0x3250]  }
0x154: {  	p1 =	por $0x1, $0x1;
	s3 =	simm.s32 $0x3404;
	v8 =	vld [tilespmem:s19+$0x3250]  }
0x155: {  	v5 =	vld [tilespmem:s3+$0x81]  }
0x156: {  	v9 =	vld [tilespmem:s3+$0x0];
	[tilespmem:s8+$0xF460] =	vst v6  }
0x157: {  	s3 =	simm.s32 $0x280;
	s4 =	simm.s32 $0x200;
	[tilespmem:s10+$0xFFFFFFE0] =	vst v4;
	v4 =	vld [tilespmem:s11+$0x3230]  }
0x158: {  	s4 =	sand.u32 $0x1C00, s4;
	s7 =	sand.u32 $0x380, s3;
	v6 =	vld [tilespmem:s12+$0x3230];
	[tilespmem:s18+$0xF490] =	vst v7  }
0x159: {  	s23 =	simm.s32 $0x285;
	s4 =	sor.u32 s7, s4;
	[tilespmem:s17+$0x10] =	vst v8;
	v7 =	vld [tilespmem:s0+$0x3260]  }
0x15a: {  	s9 =	simm.s32 $0x204;
	s25 =	simm.s32 $0xF680;
	s7 =	sand.u32 $0x1FFF, s23;
	[tilespmem:s4+$0xF440] =	vst v5;
	v5 =	vld [tilespmem:s19+$0x3260]  }
0x15b: {  	s13 =	sand.u32 $0x1FFE, s9;
	[tilespmem:s25+$0xFFFFFFC0] =	vst v9;
	v8 =	vld [tilespmem:s7+$0x3210]  }
0x15c: {  	v9 =	vld [tilespmem:s13+$0x3210];
	[tilespmem:s8+$0xF470] =	vst v4  }
0x15d: {  	[tilespmem:s10+$0xFFFFFFF0] =	vst v6;
	v10 =	vld [tilespmem:s11+$0x3240]  }
0x15e: {  	v11 =	vld [tilespmem:s12+$0x3240];
	[tilespmem:s18+$0xF4A0] =	vst v7  }
0x15f: {  	p3 =	por $0x1, $0x1;
	[tilespmem:s17+$0x20] =	vst v5;
	v12 =	vld [tilespmem:s0+$0x3270]  }
.Ltmp10:
0x160: {  	[tilespmem:s4+$0xF450] =	vst v8;
	v5 =	vld [tilespmem:s19+$0x3270];
	(pc) =	sbr.rel @!p3 .LBB2_19-.Ltmp10, $4  }
0x161: {  	[tilespmem:s25+$0xFFFFFFD0] =	vst v9;
	v6 =	vld [tilespmem:s7+$0x3220]  }
0x162: {  	v4 =	vld [tilespmem:s13+$0x3220];
	[tilespmem:s8+$0xF480] =	vst v10  }
0x163: {  	[tilespmem:s10+$0x0] =	vst v11;
	v7 =	vld [tilespmem:s11+$0x3250]  }
0x164: {  	p2 =	por $0x1, $0x1;
	s9 =	simm.s32 $0x3506;
	s0 =	simm.s32 $0x4;
	v8 =	vld [tilespmem:s12+$0x3250];
	[tilespmem:s18+$0xF4B0] =	vst v12  }
.LBB2_20:
0x165: {  	v9 =	vld [tilespmem:s9+$0x81];
	s0 =	sadd.s32 $0x2, s0;
	[tilespmem:s17+$0x30] =	vst v5;
	s17 =	smov.u32 s10;
	s10 =	smov.u32 s25  }
0x166: {  	s3 =	sadd.s32 $0x100, s3;
	v5 =	vld [tilespmem:s9+$0x0];
	p3 =	slt.u32 s0, $0x3E;
	[tilespmem:s4+$0xF460] =	vst v6  }
0x167: {  	s15 =	sadd.s32 $0xFFFFFF80, s3;
	[tilespmem:s25+$0xFFFFFFE0] =	vst v4;
	v4 =	vld [tilespmem:s7+$0x3230]  }
0x168: {  	s18 =	sand.u32 $0x380, s3;
	s15 =	sand.u32 $0x1C00, s15;
	v6 =	vld [tilespmem:s13+$0x3230];
	[tilespmem:s8+$0xF490] =	vst v7  }
0x169: {  	s23 =	sadd.s32 $0x102, s23;
	s15 =	sor.u32 s18, s15;
	[tilespmem:s17+$0x10] =	vst v8;
	v7 =	vld [tilespmem:s11+$0x3260]  }
0x16a: {  	s19 =	sand.u32 $0x1FFF, s23;
	s25 =	sadd.s32 $0x100, s25;
	s18 =	sadd.s32 $0xFFFFFF7F, s23;
	[tilespmem:s15+$0xF440] =	vst v9;
	v8 =	vld [tilespmem:s12+$0x3260]  }
0x16b: {  	s18 =	sand.u32 $0x1FFE, s18;
	[tilespmem:s25+$0xFFFFFFC0] =	vst v5;
	v5 =	vld [tilespmem:s19+$0x3210]  }
0x16c: {  	v9 =	vld [tilespmem:s18+$0x3210];
	[tilespmem:s4+$0xF470] =	vst v4  }
0x16d: {  	[tilespmem:s10+$0xFFFFFFF0] =	vst v6;
	v10 =	vld [tilespmem:s7+$0x3240]  }
0x16e: {  	v11 =	vld [tilespmem:s13+$0x3240];
	[tilespmem:s8+$0xF4A0] =	vst v7  }
0x16f: {  	[tilespmem:s17+$0x20] =	vst v8;
	v12 =	vld [tilespmem:s11+$0x3270];
	s11 =	smov.u32 s7;
	s7 =	smov.u32 s19  }
.Ltmp11:
0x170: {  	[tilespmem:s15+$0xF450] =	vst v5;
	v5 =	vld [tilespmem:s12+$0x3270];
	s12 =	smov.u32 s13;
	s13 =	smov.u32 s18;
	(pc) =	sbr.rel @p3 .LBB2_20-.Ltmp11, $4  }
0x171: {  	[tilespmem:s25+$0xFFFFFFD0] =	vst v9;
	v6 =	vld [tilespmem:s7+$0x3220]  }
0x172: {  	v4 =	vld [tilespmem:s13+$0x3220];
	[tilespmem:s4+$0xF480] =	vst v10  }
0x173: {  	[tilespmem:s10+$0x0] =	vst v11;
	v7 =	vld [tilespmem:s11+$0x3250]  }
0x174: {  	s9 =	sadd.s32 $0x102, s9;
	v8 =	vld [tilespmem:s12+$0x3250];
	[tilespmem:s8+$0xF4B0] =	vst v12;
	s8 =	smov.u32 s4;
	s4 =	smov.u32 s15  }
0x175: {  	s3 =	smov.u32 s17;
	s17 =	smov.u32 s10;
	s10 =	smov.u32 s25  }
0x176: {  	s18 =	smov.u32 s8;
	s0 =	smov.u32 s11;
	s19 =	smov.u32 s12  }
.LBB2_22:
0x177: {  	[tilespmem:s4+$0xF460] =	vst v6  }
0x178: {  	[tilespmem:s10+$0xFFFFFFE0] =	vst v4;
	v4 =	vld [tilespmem:s7+$0x3230]  }
0x179: {  	v6 =	vld [tilespmem:s13+$0x3230];
	_ =	sdelay $0x3  }
0x17a: {  	[tilespmem:s4+$0xF470] =	vst v4  }
0x17b: {  	[tilespmem:s10+$0xFFFFFFF0] =	vst v6;
	v4 =	vld [tilespmem:s7+$0x3240]  }
0x17c: {  	v6 =	vld [tilespmem:s13+$0x3240];
	_ =	sdelay $0x3  }
0x17d: {  	[tilespmem:s4+$0xF480] =	vst v4  }
0x17e: {  	[tilespmem:s10+$0x0] =	vst v6;
	v4 =	vld [tilespmem:s7+$0x3250]  }
0x17f: {  	v6 =	vld [tilespmem:s13+$0x3250]  }
0x180: {  	s8 =	smov.u32 @p1 s17;
	[tilespmem:s18+$0xF490] =	vst @p1 v7  }
0x181: {  	[tilespmem:s8+$0x10] =	vst @p1 v8;
	v7 =	vld @p1 [tilespmem:s0+$0x3260]  }
0x182: {  	v8 =	vld @p1 [tilespmem:s19+$0x3260]  }
0x183: {  	[tilespmem:s4+$0xF490] =	vst v4  }
0x184: {  	[tilespmem:s10+$0x10] =	vst v6;
	v4 =	vld [tilespmem:s7+$0x3260]  }
0x185: {  	v6 =	vld [tilespmem:s13+$0x3260]  }
0x186: {  	[tilespmem:s18+$0xF4A0] =	vst @p1 v7  }
0x187: {  	[tilespmem:s8+$0x20] =	vst @p1 v8;
	v7 =	vld @p1 [tilespmem:s0+$0x3270]  }
0x188: {  	v8 =	vld @p1 [tilespmem:s19+$0x3270]  }
0x189: {  	[tilespmem:s4+$0xF4A0] =	vst v4  }
0x18a: {  	[tilespmem:s10+$0x20] =	vst v6;
	v4 =	vld [tilespmem:s7+$0x3270]  }
0x18b: {  	v6 =	vld [tilespmem:s13+$0x3270]  }
0x18c: {  	[tilespmem:s3+$0x30] =	vst @p2 v5  }
0x18d: {  	s1 =	sshll.u32 s1, $0x12;
	s0 =	smov.u32 @p1 s8;
	[tilespmem:s18+$0xF4B0] =	vst @p1 v7;
	v5 =	vpsel p1, v8, v0  }
0x18e: {  	s12 =	sor.u32 s14, s1;
	[tilespmem:s0+$0x30] =	vst @p1 v5  }
0x18f: {  	s0 =	sshrl.u32 s12, $0x3;
	[tilespmem:s4+$0xF4B0] =	vst v4  }
0x190: {  	s0 =	sadd.s32 s2, s0;
	s13 =	simm.s32 $0xF440;
	[tilespmem:s10+$0x30] =	vst v6  }
0x191: {  	[hbm4b:s0+s26] =	stream.strided.scatter [tilespmem:s13], [sflag:$0x6], $0x2000, s28, s26, $0x38;
	[tilespmem:$0x15440] =	vst v63  }
0x192: {  	s0 =	simm.s32 @!p0 $0x8  }
0x193: {  	_ =	swait.ge @!p0 [sflag:s0], $0x2000  }
0x194: {  	[sflag:s0] =	ssyncset.done @!p0 $0x0  }
0x195: {  	s15 =	simm.s32 $0xC;
	[sflag:s0] =	ssyncadd.s32 @!p0 $0xFFFFE000  }
0x196: {  	s17 =	simm.s32 $0x53C0;
	p0 =	seq.s32 s16, $0x31;
	_ =	swait.ge [sflag:s15], $0x80  }
0x197: {  	s1 =	sshll.u32 @!p0 s16, $0xE;
	[sflag:s15] =	ssyncset.done $0x0;
	s0 =	rddreg [dreg:$0x8]  }
0x198: {  	s18 =	simm.s32 $0xB440;
	[sflag:s15] =	ssyncadd.s32 $0xFFFFFF80;
	s0 =	sadd.s32 @!p0 s0, s1  }
0x199: {  	[tilespmem:s18], [sflag:$0x4] =	stream.indirect.gather [hbm4b:s6+s21], $0x40, s17, s21, $0xb8;
	[tilespmem:$0x15440] =	vst v63  }
0x19a: {  	s19 =	simm.s32 $0x3;
	s0 =	sshrl.u32 @!p0 s0, $0x3  }
0x19b: {  	s3 =	simm.s32 @!p0 $0x0;
	s4 =	simm.s32 @!p0 $0x5240;
	s0 =	sadd.s32 @!p0 s5, s0  }
0x19c: {  	[tilespmem:s4], [sflag:$0x9] =	stream.linear.gather @!p0 [hbm4b:s0+s3], $0x80, $0x38;
	[tilespmem:$0x15440] =	vst v63  }
0x19d: {  	_ =	swait.ge [sflag:s19], $0x2000  }
0x19e: {  	s20 =	sshll.u32 s29, $0x6;
	[sflag:s19] =	ssyncset.done $0x0  }
0x19f: {  	s22 =	sand.u32 $0x3FFFFFC0, s20;
	[sflag:s19] =	ssyncadd.s32 $0xFFFFE000  }
0x1a0: {  	s23 =	simm.s32 $0x9480;
	v7 =	vld [tilespmem:s22+$0x0]  }
0x1a1: {  	v4 =	vld [tilespmem:s23+$0x0]  }
0x1a2: {  	s9 =	simm.s32 $0x1  }
0x1a3: {  	v8 =	vadd.s32 s9, v0  }
0x1a4: {  	v6 =	vld [tilespmem:s22+$0x10]  }
0x1a5: {  	v9 =	vld [tilespmem:s23+$0xFFFFFFC0]  }
0x1a6: {  	s25 =	simm.s32 $0x0;
	v5 =	vld [tilespmem:s22+$0x20];
	v10 =	vadd.f32 v4, v7  }
0x1a7: {  	s31 =	simm.s32 $0x3200;
	v11 =	vadd.s32 s25, v0;
	s8 =	simm.s32 $0x9500;
	v4 =	vld [tilespmem:s22+$0x30]  }
0x1a8: {  	[tilespmem:v8+s31+$0x0] =	vst.idx.msk $0xffff, v10;
	v8 =	vld [tilespmem:s8+$0x0]  }
0x1a9: {  	s10 =	simm.s32 $0x3;
	v10 =	vld [tilespmem:s23+$0x10]  }
0x1aa: {  	v12 =	vadd.s32 s10, v0;
	v9 =	vadd.f32 v9, v7  }
0x1ab: {  	v13 =	vadd.s32 s9, v1  }
0x1ac: {  	[tilespmem:v11+s31+$0x0] =	vst.idx.msk $0xffff, v9;
	v9 =	vld [tilespmem:s8+$0xFFFFFFC0]  }
0x1ad: {  	s13 =	simm.s32 $0x2;
	v11 =	vld [tilespmem:s23+$0xFFFFFFD0];
	v8 =	vadd.f32 v8, v7  }
0x1ae: {  	v14 =	vadd.s32 s13, v0;
	s17 =	simm.s32 $0x9580;
	v10 =	vadd.f32 v10, v6  }
0x1af: {  	[tilespmem:v12+s31+$0x0] =	vst.idx.msk $0xffff, v8;
	v8 =	vadd.s32 s25, v1;
	v12 =	vld [tilespmem:s17+$0x0]  }
0x1b0: {  	s18 =	simm.s32 $0x5;
	[tilespmem:v13+s31+$0x0] =	vst.idx.msk $0xffff, v10;
	v10 =	vld [tilespmem:s8+$0x10]  }
0x1b1: {  	v9 =	vadd.f32 v9, v7;
	v13 =	vadd.s32 s18, v0;
	v15 =	vld [tilespmem:s23+$0x20]  }
0x1b2: {  	v16 =	vadd.s32 s10, v1;
	v11 =	vadd.f32 v11, v6  }
0x1b3: {  	[tilespmem:v14+s31+$0x0] =	vst.idx.msk $0xffff, v9;
	v9 =	vld [tilespmem:s17+$0xFFFFFFC0];
	v14 =	vadd.s32 s9, v2  }
0x1b4: {  	s4 =	simm.s32 $0x4;
	[tilespmem:v8+s31+$0x0] =	vst.idx.msk $0xffff, v11;
	v8 =	vadd.f32 v12, v7;
	v11 =	vld [tilespmem:s8+$0xFFFFFFD0]  }
0x1b5: {  	s12 =	simm.s32 $0x9600;
	v12 =	vadd.s32 s4, v0;
	v10 =	vadd.f32 v10, v6;
	v17 =	vld [tilespmem:s23+$0xFFFFFFE0]  }
0x1b6: {  	[tilespmem:v13+s31+$0x0] =	vst.idx.msk $0xffff, v8;
	v8 =	vadd.s32 s13, v1;
	v13 =	vadd.f32 v15, v5;
	v15 =	vld [tilespmem:s12+$0x0]  }
0x1b7: {  	s11 =	simm.s32 $0x7;
	[tilespmem:v16+s31+$0x0] =	vst.idx.msk $0xffff, v10;
	v10 =	vadd.s32 s25, v2;
	v16 =	vld [tilespmem:s17+$0x10]  }
0x1b8: {  	v9 =	vadd.f32 v9, v7;
	[tilespmem:v14+s31+$0x0] =	vst.idx.msk $0xffff, v13;
	v13 =	vadd.s32 s11, v0;
	v14 =	vld [tilespmem:s8+$0x20]  }
0x1b9: {  	v18 =	vadd.s32 s18, v1;
	v11 =	vadd.f32 v11, v6;
	v19 =	vld [tilespmem:s23+$0x30]  }
0x1ba: {  	[tilespmem:v12+s31+$0x0] =	vst.idx.msk $0xffff, v9;
	v12 =	vld [tilespmem:s12+$0xFFFFFFC0];
	v9 =	vadd.f32 v17, v5;
	v17 =	vadd.s32 s10, v2  }
0x1bb: {  	v21 =	vadd.s32 s9, v3;
	s7 =	simm.s32 $0x6;
	v20 =	vld [tilespmem:s17+$0xFFFFFFD0];
	[tilespmem:v8+s31+$0x0] =	vst.idx.msk $0xffff, v11;
	v8 =	vadd.f32 v15, v7  }
0x1bc: {  	v22 =	vadd.s32 s7, v0;
	s9 =	simm.s32 $0x9680;
	[tilespmem:v10+s31+$0x0] =	vst.idx.msk $0xffff, v9;
	v9 =	vadd.f32 v16, v6;
	v23 =	vld [tilespmem:s8+$0xFFFFFFE0]  }
0x1bd: {  	v15 =	vld [tilespmem:s9+$0x0];
	[tilespmem:v13+s31+$0x0] =	vst.idx.msk $0xffff, v8;
	v8 =	vadd.f32 v14, v5  }
0x1be: {  	v10 =	vld [tilespmem:s23+$0xFFFFFFF0];
	v13 =	vadd.s32 s4, v1;
	[tilespmem:v18+s31+$0x0] =	vst.idx.msk $0xffff, v9;
	v16 =	vadd.f32 v19, v4  }
0x1bf: {  	s30 =	simm.s32 $0x9;
	s15 =	simm.s32 $0xA;
	v9 =	vadd.s32 s13, v2;
	v18 =	vadd.f32 v12, v7;
	v14 =	vld [tilespmem:s12+$0x10];
	[tilespmem:v17+s31+$0x0] =	vst.idx.msk $0xffff, v8  }
0x1c0: {  	s0 =	simm.s32 $0x3200;
	s3 =	simm.s32 $0x9680;
	s19 =	simm.s32 $0x8;
	v11 =	vadd.s32 s25, v3;
	v17 =	vadd.s32 s30, v0;
	v12 =	vld [tilespmem:s17+$0x20];
	[tilespmem:v21+s31+$0x0] =	vst.idx.msk $0xffff, v16  }
0x1c1: {  	s22 =	simm.s32 $0x3200;
	s25 =	simm.s32 $0x3200;
	s23 =	simm.s32 $0x3200;
	v19 =	vadd.f32 v20, v6;
	[tilespmem:v22+s31+$0x0] =	vst.idx.msk $0xffff, v18;
	v16 =	vadd.s32 s11, v1;
	v8 =	vld [tilespmem:s8+$0x30];
	v18 =	vadd.f32 v23, v5  }
.LBB2_23:
0x1c2: {  	p1 =	slt.u32 s15, $0x7E;
	s20 =	smov.u32 s4  }
0x1c3: {  	v20 =	vld [tilespmem:s9+$0xFFFFFFC0];
	[tilespmem:v13+s0+$0x0] =	vst.idx.msk $0xffff, v19;
	v19 =	vadd.s32 s18, v2;
	v10 =	vadd.f32 v10, v4;
	s4 =	smov.u32 s7;
	s7 =	smov.u32 s19;
	s19 =	smov.u32 s15  }
0x1c4: {  	v13 =	vadd.f32 v15, v7;
	v21 =	vld [tilespmem:s12+$0xFFFFFFD0];
	[tilespmem:v9+s23+$0x0] =	vst.idx.msk $0xffff, v18;
	v18 =	vadd.s32 s10, v3;
	s10 =	smov.u32 s18;
	s18 =	smov.u32 s11;
	s11 =	smov.u32 s30  }
0x1c5: {  	v22 =	vadd.s32 s7, v0;
	v9 =	vadd.f32 v14, v6;
	v23 =	vld [tilespmem:s17+$0xFFFFFFE0];
	[tilespmem:v11+s22+$0x0] =	vst.idx.msk $0xffff, v10;
	s22 =	smov.u32 s23;
	s23 =	smov.u32 s0  }
.Ltmp12:
0x1c6: {  	s9 =	sadd.s32 $0x80, s9;
	s0 =	smov.u32 s25;
	[tilespmem:v17+s31+$0x0] =	vst.idx.msk $0xffff, v13;
	v13 =	vadd.s32 s4, v1;
	v11 =	vadd.f32 v12, v5;
	v10 =	vld [tilespmem:s8+$0xFFFFFFF0];
	(pc) =	sbr.rel @p1 .LBB2_23-.Ltmp12, $4  }
0x1c7: {  	s25 =	smov.u32 s31;
	s8 =	smov.u32 s17;
	s17 =	smov.u32 s12;
	v15 =	vld [tilespmem:s9+$0x0];
	[tilespmem:v16+s0+$0x0] =	vst.idx.msk $0xffff, v9;
	v9 =	vadd.s32 s20, v2;
	v8 =	vadd.f32 v8, v4  }
0x1c8: {  	s30 =	sadd.s32 $0x1, s15;
	s12 =	smov.u32 s3;
	v16 =	vadd.f32 v20, v7;
	v14 =	vld [tilespmem:s3+$0x10];
	[tilespmem:v19+s23+$0x0] =	vst.idx.msk $0xffff, v11;
	v11 =	vadd.s32 s13, v3  }
0x1c9: {  	v17 =	vadd.s32 s30, v0;
	v19 =	vadd.f32 v21, v6;
	v12 =	vld [tilespmem:s17+$0x20];
	[tilespmem:v18+s22+$0x0] =	vst.idx.msk $0xffff, v8  }
0x1ca: {  	s15 =	sadd.s32 $0x2, s15;
	s3 =	smov.u32 s9;
	s13 =	smov.u32 s20;
	[tilespmem:v22+s25+$0x0] =	vst.idx.msk $0xffff, v16;
	v16 =	vadd.s32 s11, v1;
	v18 =	vadd.f32 v23, v5;
	v8 =	vld [tilespmem:s8+$0x30]  }
0x1cb: {  	v20 =	vld [tilespmem:s9+$0xFFFFFFC0];
	_ =	sdelay $0x1  }
0x1cc: {  	v21 =	vadd.s32 s19, v0;
	_ =	sdelay $0x1  }
0x1cd: {  	v15 =	vadd.f32 v15, v7  }
0x1ce: {  	s31 =	simm.s32 $0x3200;
	v7 =	vadd.f32 v20, v7  }
0x1cf: {  	v41 =	vld [tilespmem:s12+$0xFFFFFFD0];
	[tilespmem:v17+s31+$0x0] =	vst.idx.msk $0xffff, v15  }
0x1d0: {  	v15 =	vld [tilespmem:s3+$0x10];
	[tilespmem:v21+s31+$0x0] =	vst.idx.msk $0xffff, v7  }
0x1d1: {  	v7 =	vadd.s32 s7, v1;
	v42 =	vld [tilespmem:s3+$0xFFFFFFD0]  }
0x1d2: {  	v43 =	vadd.s32 s30, v1  }
0x1d3: {  	v22 =	vadd.s32 s19, v1;
	v14 =	vadd.f32 v14, v6  }
0x1d4: {  	[tilespmem:v13+s0+$0x0] =	vst.idx.msk $0xffff, v19;
	v44 =	vadd.f32 v41, v6  }
0x1d5: {  	v19 =	vld [tilespmem:s17+$0xFFFFFFE0];
	[tilespmem:v16+s25+$0x0] =	vst.idx.msk $0xffff, v14;
	v45 =	vadd.f32 v15, v6  }
0x1d6: {  	v46 =	vadd.s32 s18, v2;
	v16 =	vld [tilespmem:s12+$0x20];
	[tilespmem:v7+s25+$0x0] =	vst.idx.msk $0xffff, v44;
	v6 =	vadd.f32 v42, v6  }
0x1d7: {  	[tilespmem:v43+s31+$0x0] =	vst.idx.msk $0xffff, v45;
	v7 =	vadd.s32 s4, v2;
	v13 =	vld [tilespmem:s12+$0xFFFFFFE0]  }
0x1d8: {  	v10 =	vadd.f32 v10, v4;
	v47 =	vadd.s32 s11, v2;
	v48 =	vld [tilespmem:s3+$0x20];
	[tilespmem:v22+s31+$0x0] =	vst.idx.msk $0xffff, v6  }
0x1d9: {  	v49 =	vadd.s32 s7, v2;
	[tilespmem:v9+s23+$0x0] =	vst.idx.msk $0xffff, v18;
	v6 =	vadd.f32 v12, v5;
	v50 =	vld [tilespmem:s3+$0xFFFFFFE0]  }
0x1da: {  	v52 =	vadd.s32 s30, v2;
	[tilespmem:v11+s22+$0x0] =	vst.idx.msk $0xffff, v10;
	v51 =	vadd.f32 v19, v5  }
0x1db: {  	v53 =	vadd.s32 s19, v2;
	v18 =	vld [tilespmem:s8+$0xFFFFFFF0];
	[tilespmem:v46+s0+$0x0] =	vst.idx.msk $0xffff, v6;
	v6 =	vadd.f32 v16, v5  }
0x1dc: {  	v54 =	vadd.s32 s10, v3;
	[tilespmem:v7+s0+$0x0] =	vst.idx.msk $0xffff, v51;
	v55 =	vld [tilespmem:s17+$0x30];
	v7 =	vadd.f32 v13, v5  }
0x1dd: {  	v56 =	vadd.s32 s13, v3;
	v57 =	vld [tilespmem:s17+$0xFFFFFFF0];
	[tilespmem:v47+s25+$0x0] =	vst.idx.msk $0xffff, v6;
	v6 =	vadd.f32 v48, v5  }
0x1de: {  	v58 =	vadd.s32 s18, v3;
	v59 =	vld [tilespmem:s12+$0x30];
	[tilespmem:v49+s25+$0x0] =	vst.idx.msk $0xffff, v7;
	v5 =	vadd.f32 v50, v5  }
0x1df: {  	v7 =	vadd.f32 v8, v4;
	v8 =	vadd.s32 s4, v3;
	v9 =	vld [tilespmem:s12+$0xFFFFFFF0];
	[tilespmem:v52+s31+$0x0] =	vst.idx.msk $0xffff, v6  }
0x1e0: {  	v60 =	vadd.s32 s11, v3;
	v6 =	vadd.f32 v18, v4;
	v61 =	vld [tilespmem:s3+$0x30];
	[tilespmem:v53+s31+$0x0] =	vst.idx.msk $0xffff, v5  }
0x1e1: {  	[tilespmem:v54+s23+$0x0] =	vst.idx.msk $0xffff, v7;
	v7 =	vadd.s32 s7, v3;
	v5 =	vadd.f32 v55, v4;
	v15 =	vld [tilespmem:s3+$0xFFFFFFF0]  }
0x1e2: {  	v62 =	vadd.s32 s30, v3;
	[tilespmem:v56+s23+$0x0] =	vst.idx.msk $0xffff, v6;
	v6 =	vadd.f32 v57, v4  }
0x1e3: {  	v63 =	vadd.s32 s19, v3;
	[tilespmem:v58+s0+$0x0] =	vst.idx.msk $0xffff, v5;
	v5 =	vadd.f32 v59, v4  }
0x1e4: {  	[tilespmem:v8+s0+$0x0] =	vst.idx.msk $0xffff, v6;
	v6 =	vadd.f32 v9, v4  }
0x1e5: {  	[tilespmem:v60+s25+$0x0] =	vst.idx.msk $0xffff, v5;
	v5 =	vadd.f32 v61, v4  }
0x1e6: {  	[tilespmem:v7+s25+$0x0] =	vst.idx.msk $0xffff, v6;
	v4 =	vadd.f32 v15, v4  }
0x1e7: {  	[tilespmem:v62+s31+$0x0] =	vst.idx.msk $0xffff, v5  }
0x1e8: {  	[tilespmem:v63+s31+$0x0] =	vst.idx.msk $0xffff, v4  }
0x1e9: {  	v4 =	vld [tilespmem:s31+$0x81]  }
0x1ea: {  	v5 =	vld [tilespmem:s31+$0x0]  }
0x1eb: {  	s22 =	simm.s32 $0x80;
	s23 =	simm.s32 $0x0  }
0x1ec: {  	s3 =	sand.u32 $0x1C00, s23;
	s0 =	sand.u32 $0x380, s22  }
0x1ed: {  	s3 =	sor.u32 s0, s3;
	s25 =	simm.s32 $0x81  }
0x1ee: {  	s10 =	simm.s32 $0x11480;
	s30 =	simm.s32 $0x0;
	s0 =	sand.u32 $0x1FFF, s25;
	[tilespmem:s3+$0x11440] =	vst v4  }
0x1ef: {  	s19 =	sand.u32 $0x1FFE, s30;
	[tilespmem:s10+$0xFFFFFFC0] =	vst v5;
	v4 =	vld [tilespmem:s0+$0x3210]  }
0x1f0: {  	v5 =	vld [tilespmem:s19+$0x3210]  }
0x1f1: {  	p3 =	por $0x1, $0x1  }
.Ltmp13:
0x1f2: {  	_ = 	snop;
	(pc) =	sbr.rel @!p3 .LBB2_25-.Ltmp13, $4  }
0x1f3: {  	s13 =	sadd.s32 $0x11440, s3  }
0x1f4: {  	[tilespmem:s13+$0x10] =	vst v4  }
0x1f5: {  	[tilespmem:s10+$0xFFFFFFD0] =	vst v5;
	v6 =	vld [tilespmem:s0+$0x3220]  }
0x1f6: {  	p1 =	por $0x0, $0x0;
	p2 =	por $0x0, $0x0;
	s3 =	simm.s32 $0x3302;
	v4 =	vld [tilespmem:s19+$0x3220]  }
0x1f7: {  	_ =	sdelay $0x1  }
0x1f8: {  	v5 =	vld [tilespmem:s3+$0x81]  }
0x1f9: {  	v7 =	vld [tilespmem:s3+$0x0];
	[tilespmem:s13+$0x20] =	vst v6  }
0x1fa: {  	s25 =	simm.s32 $0x180;
	s4 =	simm.s32 $0x100;
	[tilespmem:s10+$0xFFFFFFE0] =	vst v4;
	v4 =	vld [tilespmem:s0+$0x3230]  }
0x1fb: {  	s4 =	sand.u32 $0x1C00, s4;
	s3 =	sand.u32 $0x380, s25;
	v6 =	vld [tilespmem:s19+$0x3230]  }
0x1fc: {  	s30 =	simm.s32 $0x183;
	s3 =	sor.u32 s3, s4  }
0x1fd: {  	s7 =	simm.s32 $0x102;
	s17 =	simm.s32 $0x11580;
	s8 =	sand.u32 $0x1FFF, s30;
	[tilespmem:s3+$0x11440] =	vst v5  }
0x1fe: {  	s11 =	sand.u32 $0x1FFE, s7;
	[tilespmem:s17+$0xFFFFFFC0] =	vst v7;
	v5 =	vld [tilespmem:s8+$0x3210]  }
0x1ff: {  	v7 =	vld [tilespmem:s11+$0x3210];
	[tilespmem:s13+$0x30] =	vst v4  }
0x200: {  	[tilespmem:s10+$0xFFFFFFF0] =	vst v6;
	v8 =	vld [tilespmem:s0+$0x3240]  }
0x201: {  	v9 =	vld [tilespmem:s19+$0x3240]  }
0x202: {  	p3 =	por $0x1, $0x1;
	s18 =	sadd.s32 $0x11440, s3  }
.Ltmp14:
0x203: {  	[tilespmem:s18+$0x10] =	vst v5;
	(pc) =	sbr.rel @!p3 .LBB2_27-.Ltmp14, $4  }
0x204: {  	[tilespmem:s17+$0xFFFFFFD0] =	vst v7;
	v6 =	vld [tilespmem:s8+$0x3220]  }
0x205: {  	v4 =	vld [tilespmem:s11+$0x3220];
	[tilespmem:s13+$0x40] =	vst v8  }
0x206: {  	[tilespmem:s10+$0x0] =	vst v9;
	v7 =	vld [tilespmem:s0+$0x3250]  }
0x207: {  	p1 =	por $0x1, $0x1;
	s3 =	simm.s32 $0x3404;
	v8 =	vld [tilespmem:s19+$0x3250]  }
0x208: {  	v5 =	vld [tilespmem:s3+$0x81]  }
0x209: {  	v9 =	vld [tilespmem:s3+$0x0];
	[tilespmem:s18+$0x20] =	vst v6  }
0x20a: {  	s3 =	simm.s32 $0x280;
	s4 =	simm.s32 $0x200;
	[tilespmem:s17+$0xFFFFFFE0] =	vst v4;
	v4 =	vld [tilespmem:s8+$0x3230]  }
0x20b: {  	s4 =	sand.u32 $0x1C00, s4;
	s7 =	sand.u32 $0x380, s3;
	v6 =	vld [tilespmem:s11+$0x3230];
	[tilespmem:s13+$0x50] =	vst v7  }
0x20c: {  	s23 =	simm.s32 $0x285;
	s7 =	sor.u32 s7, s4;
	[tilespmem:s10+$0x10] =	vst v8;
	v7 =	vld [tilespmem:s0+$0x3260]  }
0x20d: {  	s9 =	simm.s32 $0x204;
	s25 =	simm.s32 $0x11680;
	s4 =	sand.u32 $0x1FFF, s23;
	[tilespmem:s7+$0x11440] =	vst v5;
	v5 =	vld [tilespmem:s19+$0x3260]  }
0x20e: {  	s12 =	sand.u32 $0x1FFE, s9;
	[tilespmem:s25+$0xFFFFFFC0] =	vst v9;
	v8 =	vld [tilespmem:s4+$0x3210]  }
0x20f: {  	v9 =	vld [tilespmem:s12+$0x3210];
	[tilespmem:s18+$0x30] =	vst v4  }
0x210: {  	[tilespmem:s17+$0xFFFFFFF0] =	vst v6;
	v10 =	vld [tilespmem:s8+$0x3240]  }
0x211: {  	v11 =	vld [tilespmem:s11+$0x3240];
	[tilespmem:s13+$0x60] =	vst v7  }
0x212: {  	p3 =	por $0x1, $0x1;
	s7 =	sadd.s32 $0x11440, s7;
	[tilespmem:s10+$0x20] =	vst v5;
	v12 =	vld [tilespmem:s0+$0x3270]  }
.Ltmp15:
0x213: {  	[tilespmem:s7+$0x10] =	vst v8;
	v5 =	vld [tilespmem:s19+$0x3270];
	(pc) =	sbr.rel @!p3 .LBB2_29-.Ltmp15, $4  }
0x214: {  	[tilespmem:s25+$0xFFFFFFD0] =	vst v9;
	v6 =	vld [tilespmem:s4+$0x3220]  }
0x215: {  	v4 =	vld [tilespmem:s12+$0x3220];
	[tilespmem:s18+$0x40] =	vst v10  }
0x216: {  	[tilespmem:s17+$0x0] =	vst v11;
	v7 =	vld [tilespmem:s8+$0x3250]  }
0x217: {  	p2 =	por $0x1, $0x1;
	s9 =	simm.s32 $0x3506;
	s0 =	simm.s32 $0x4;
	v8 =	vld [tilespmem:s11+$0x3250];
	[tilespmem:s13+$0x70] =	vst v12  }
.LBB2_30:
0x218: {  	v9 =	vld [tilespmem:s9+$0x81];
	s0 =	sadd.s32 $0x2, s0;
	[tilespmem:s10+$0x30] =	vst v5;
	s10 =	smov.u32 s17;
	s17 =	smov.u32 s25  }
0x219: {  	s3 =	sadd.s32 $0x100, s3;
	v5 =	vld [tilespmem:s9+$0x0];
	p3 =	slt.u32 s0, $0x3E;
	[tilespmem:s7+$0x20] =	vst v6  }
0x21a: {  	s13 =	sadd.s32 $0xFFFFFF80, s3;
	[tilespmem:s25+$0xFFFFFFE0] =	vst v4;
	v4 =	vld [tilespmem:s4+$0x3230]  }
0x21b: {  	s15 =	sand.u32 $0x380, s3;
	s13 =	sand.u32 $0x1C00, s13;
	v6 =	vld [tilespmem:s12+$0x3230];
	[tilespmem:s18+$0x50] =	vst v7  }
0x21c: {  	s23 =	sadd.s32 $0x102, s23;
	s13 =	sor.u32 s15, s13;
	[tilespmem:s10+$0x10] =	vst v8;
	v7 =	vld [tilespmem:s8+$0x3260]  }
0x21d: {  	s19 =	sand.u32 $0x1FFF, s23;
	s25 =	sadd.s32 $0x100, s25;
	s15 =	sadd.s32 $0xFFFFFF7F, s23;
	[tilespmem:s13+$0x11440] =	vst v9;
	v8 =	vld [tilespmem:s11+$0x3260]  }
0x21e: {  	s15 =	sand.u32 $0x1FFE, s15;
	[tilespmem:s25+$0xFFFFFFC0] =	vst v5;
	v5 =	vld [tilespmem:s19+$0x3210]  }
0x21f: {  	v9 =	vld [tilespmem:s15+$0x3210];
	[tilespmem:s7+$0x30] =	vst v4  }
0x220: {  	[tilespmem:s17+$0xFFFFFFF0] =	vst v6;
	v10 =	vld [tilespmem:s4+$0x3240]  }
0x221: {  	v11 =	vld [tilespmem:s12+$0x3240];
	[tilespmem:s18+$0x60] =	vst v7  }
0x222: {  	s13 =	sadd.s32 $0x11440, s13;
	[tilespmem:s10+$0x20] =	vst v8;
	v12 =	vld [tilespmem:s8+$0x3270];
	s8 =	smov.u32 s4;
	s4 =	smov.u32 s19  }
.Ltmp16:
0x223: {  	[tilespmem:s13+$0x10] =	vst v5;
	v5 =	vld [tilespmem:s11+$0x3270];
	s11 =	smov.u32 s12;
	s12 =	smov.u32 s15;
	(pc) =	sbr.rel @p3 .LBB2_30-.Ltmp16, $4  }
0x224: {  	[tilespmem:s25+$0xFFFFFFD0] =	vst v9;
	v6 =	vld [tilespmem:s4+$0x3220]  }
0x225: {  	v4 =	vld [tilespmem:s12+$0x3220];
	[tilespmem:s7+$0x40] =	vst v10  }
0x226: {  	[tilespmem:s17+$0x0] =	vst v11;
	v7 =	vld [tilespmem:s8+$0x3250]  }
0x227: {  	s9 =	sadd.s32 $0x102, s9;
	v8 =	vld [tilespmem:s11+$0x3250];
	[tilespmem:s18+$0x70] =	vst v12;
	s18 =	smov.u32 s7;
	s7 =	smov.u32 s13  }
0x228: {  	s3 =	smov.u32 s10;
	s10 =	smov.u32 s17;
	s17 =	smov.u32 s25  }
0x229: {  	s13 =	smov.u32 s18;
	s0 =	smov.u32 s8;
	s19 =	smov.u32 s11  }
.LBB2_32:
0x22a: {  	[tilespmem:s7+$0x20] =	vst v6  }
0x22b: {  	[tilespmem:s17+$0xFFFFFFE0] =	vst v4;
	v4 =	vld [tilespmem:s4+$0x3230]  }
0x22c: {  	v6 =	vld [tilespmem:s12+$0x3230];
	_ =	sdelay $0x3  }
0x22d: {  	[tilespmem:s7+$0x30] =	vst v4  }
0x22e: {  	[tilespmem:s17+$0xFFFFFFF0] =	vst v6;
	v4 =	vld [tilespmem:s4+$0x3240]  }
0x22f: {  	v6 =	vld [tilespmem:s12+$0x3240];
	_ =	sdelay $0x3  }
0x230: {  	[tilespmem:s7+$0x40] =	vst v4  }
0x231: {  	[tilespmem:s17+$0x0] =	vst v6;
	v4 =	vld [tilespmem:s4+$0x3250]  }
0x232: {  	v6 =	vld [tilespmem:s12+$0x3250]  }
0x233: {  	s8 =	smov.u32 @p1 s10;
	[tilespmem:s13+$0x50] =	vst @p1 v7  }
0x234: {  	[tilespmem:s8+$0x10] =	vst @p1 v8;
	v7 =	vld @p1 [tilespmem:s0+$0x3260]  }
0x235: {  	v8 =	vld @p1 [tilespmem:s19+$0x3260]  }
0x236: {  	[tilespmem:s7+$0x50] =	vst v4  }
0x237: {  	[tilespmem:s17+$0x10] =	vst v6;
	v4 =	vld [tilespmem:s4+$0x3260]  }
0x238: {  	v6 =	vld [tilespmem:s12+$0x3260]  }
0x239: {  	[tilespmem:s13+$0x60] =	vst @p1 v7  }
0x23a: {  	[tilespmem:s8+$0x20] =	vst @p1 v8;
	v7 =	vld @p1 [tilespmem:s0+$0x3270]  }
0x23b: {  	v8 =	vld @p1 [tilespmem:s19+$0x3270]  }
0x23c: {  	[tilespmem:s7+$0x60] =	vst v4  }
0x23d: {  	[tilespmem:s17+$0x20] =	vst v6;
	v4 =	vld [tilespmem:s4+$0x3270]  }
0x23e: {  	v6 =	vld [tilespmem:s12+$0x3270]  }
0x23f: {  	[tilespmem:s3+$0x30] =	vst @p2 v5  }
0x240: {  	s18 =	sshll.u32 s29, $0x12;
	s0 =	smov.u32 @p1 s8;
	[tilespmem:s13+$0x70] =	vst @p1 v7;
	v5 =	vpsel p1, v8, v0  }
0x241: {  	s19 =	sor.u32 s14, s18;
	[tilespmem:s0+$0x30] =	vst @p1 v5  }
0x242: {  	s0 =	sshrl.u32 s19, $0x3;
	[tilespmem:s7+$0x70] =	vst v4  }
0x243: {  	s20 =	simm.s32 $0x11440;
	s0 =	sadd.s32 s2, s0;
	[tilespmem:s17+$0x30] =	vst v6  }
0x244: {  	[hbm4b:s0+s26] =	stream.strided.scatter [tilespmem:s20], [sflag:$0x7], $0x2000, s28, s26, $0x38;
	[tilespmem:$0x15440] =	vst v63  }
0x245: {  	s0 =	simm.s32 @!p0 $0x5  }
0x246: {  	_ =	swait.ge @!p0 [sflag:s0], $0x2000  }
0x247: {  	[sflag:s0] =	ssyncset.done @!p0 $0x0  }
0x248: {  	[sflag:s0] =	ssyncadd.s32 @!p0 $0xFFFFE000;
	s0 =	simm.s32 @!p0 $0x9  }
0x249: {  	_ =	swait.ge @!p0 [sflag:s0], $0x80  }
0x24a: {  	s3 =	simm.s32 @!p0 $0x5240;
	[sflag:s0] =	ssyncset.done @!p0 $0x0  }
0x24b: {  	s4 =	simm.s32 @!p0 $0x5440;
	[sflag:s0] =	ssyncadd.s32 @!p0 $0xFFFFFF80;
	s0 =	simm.s32 @!p0 $0x80  }
0x24c: {  	[tilespmem:s4], [sflag:$0x1] =	stream.indirect.gather @!p0 [hbm4b:s6+s0], $0x40, s3, s0, $0xb8;
	[tilespmem:$0x15440] =	vst v63  }
0x24d: {  	s0 =	rddreg [dreg:$0x9]  }
0x24e: {  	s0 =	sadd.s32 @!p0 s0, s1  }
0x24f: {  	s22 =	simm.s32 $0x4;
	s0 =	sshrl.u32 @!p0 s0, $0x3  }
0x250: {  	s3 =	simm.s32 @!p0 $0x52C0;
	s1 =	simm.s32 @!p0 $0x0;
	s0 =	sadd.s32 @!p0 s5, s0  }
0x251: {  	[tilespmem:s3], [sflag:$0xA] =	stream.linear.gather @!p0 [hbm4b:s0+s1], $0x80, $0x38;
	[tilespmem:$0x15440] =	vst v63  }
0x252: {  	_ =	swait.ge [sflag:s22], $0x2000  }
0x253: {  	s23 =	sshll.u32 s24, $0x6;
	[sflag:s22] =	ssyncset.done $0x0  }
0x254: {  	s25 =	sand.u32 $0x3FFFFFC0, s23;
	[sflag:s22] =	ssyncadd.s32 $0xFFFFE000  }
0x255: {  	s29 =	simm.s32 $0xB480;
	v7 =	vld [tilespmem:s25+$0x0]  }
0x256: {  	v4 =	vld [tilespmem:s29+$0x0]  }
0x257: {  	s9 =	simm.s32 $0x1  }
0x258: {  	v8 =	vadd.s32 s9, v0  }
0x259: {  	v6 =	vld [tilespmem:s25+$0x10]  }
0x25a: {  	v9 =	vld [tilespmem:s29+$0xFFFFFFC0]  }
0x25b: {  	s30 =	simm.s32 $0x0;
	v5 =	vld [tilespmem:s25+$0x20];
	v10 =	vadd.f32 v4, v7  }
0x25c: {  	s10 =	simm.s32 $0xB500;
	v11 =	vadd.s32 s30, v0;
	v4 =	vld [tilespmem:s25+$0x30]  }
0x25d: {  	[tilespmem:v8+s31+$0x0] =	vst.idx.msk $0xffff, v10;
	v8 =	vld [tilespmem:s10+$0x0]  }
0x25e: {  	s1 =	simm.s32 $0x3;
	v10 =	vld [tilespmem:s29+$0x10]  }
0x25f: {  	v12 =	vadd.s32 s1, v0;
	v9 =	vadd.f32 v9, v7  }
0x260: {  	v13 =	vadd.s32 s9, v1  }
0x261: {  	[tilespmem:v11+s31+$0x0] =	vst.idx.msk $0xffff, v9;
	v9 =	vld [tilespmem:s10+$0xFFFFFFC0]  }
0x262: {  	s13 =	simm.s32 $0x2;
	v11 =	vld [tilespmem:s29+$0xFFFFFFD0];
	v8 =	vadd.f32 v8, v7  }
0x263: {  	s8 =	simm.s32 $0xB580;
	v14 =	vadd.s32 s13, v0;
	v10 =	vadd.f32 v10, v6  }
0x264: {  	[tilespmem:v12+s31+$0x0] =	vst.idx.msk $0xffff, v8;
	v8 =	vadd.s32 s30, v1;
	v12 =	vld [tilespmem:s8+$0x0]  }
0x265: {  	s17 =	simm.s32 $0x5;
	[tilespmem:v13+s31+$0x0] =	vst.idx.msk $0xffff, v10;
	v10 =	vld [tilespmem:s10+$0x10]  }
0x266: {  	v9 =	vadd.f32 v9, v7;
	v13 =	vadd.s32 s17, v0;
	v15 =	vld [tilespmem:s29+$0x20]  }
0x267: {  	v16 =	vadd.s32 s1, v1;
	v11 =	vadd.f32 v11, v6  }
0x268: {  	[tilespmem:v14+s31+$0x0] =	vst.idx.msk $0xffff, v9;
	v9 =	vld [tilespmem:s8+$0xFFFFFFC0];
	v14 =	vadd.s32 s9, v2  }
0x269: {  	s4 =	simm.s32 $0x4;
	[tilespmem:v8+s31+$0x0] =	vst.idx.msk $0xffff, v11;
	v8 =	vadd.f32 v12, v7;
	v11 =	vld [tilespmem:s10+$0xFFFFFFD0]  }
0x26a: {  	s12 =	simm.s32 $0xB600;
	v12 =	vadd.s32 s4, v0;
	v10 =	vadd.f32 v10, v6;
	v17 =	vld [tilespmem:s29+$0xFFFFFFE0]  }
0x26b: {  	[tilespmem:v13+s31+$0x0] =	vst.idx.msk $0xffff, v8;
	v8 =	vadd.s32 s13, v1;
	v13 =	vadd.f32 v15, v5;
	v15 =	vld [tilespmem:s12+$0x0]  }
0x26c: {  	s11 =	simm.s32 $0x7;
	[tilespmem:v16+s31+$0x0] =	vst.idx.msk $0xffff, v10;
	v10 =	vadd.s32 s30, v2;
	v16 =	vld [tilespmem:s8+$0x10]  }
0x26d: {  	v9 =	vadd.f32 v9, v7;
	[tilespmem:v14+s31+$0x0] =	vst.idx.msk $0xffff, v13;
	v13 =	vadd.s32 s11, v0;
	v14 =	vld [tilespmem:s10+$0x20]  }
0x26e: {  	v18 =	vadd.s32 s17, v1;
	v11 =	vadd.f32 v11, v6;
	v19 =	vld [tilespmem:s29+$0x30]  }
0x26f: {  	[tilespmem:v12+s31+$0x0] =	vst.idx.msk $0xffff, v9;
	v12 =	vld [tilespmem:s12+$0xFFFFFFC0];
	v9 =	vadd.f32 v17, v5;
	v17 =	vadd.s32 s1, v2  }
0x270: {  	v21 =	vadd.s32 s9, v3;
	s7 =	simm.s32 $0x6;
	v20 =	vld [tilespmem:s8+$0xFFFFFFD0];
	[tilespmem:v8+s31+$0x0] =	vst.idx.msk $0xffff, v11;
	v8 =	vadd.f32 v15, v7  }
0x271: {  	v22 =	vadd.s32 s7, v0;
	s9 =	simm.s32 $0xB680;
	[tilespmem:v10+s31+$0x0] =	vst.idx.msk $0xffff, v9;
	v9 =	vadd.f32 v16, v6;
	v23 =	vld [tilespmem:s10+$0xFFFFFFE0]  }
0x272: {  	v15 =	vld [tilespmem:s9+$0x0];
	[tilespmem:v13+s31+$0x0] =	vst.idx.msk $0xffff, v8;
	v8 =	vadd.f32 v14, v5  }
0x273: {  	v10 =	vld [tilespmem:s29+$0xFFFFFFF0];
	v13 =	vadd.s32 s4, v1;
	[tilespmem:v18+s31+$0x0] =	vst.idx.msk $0xffff, v9;
	v16 =	vadd.f32 v19, v4  }
0x274: {  	s23 =	simm.s32 $0x9;
	v9 =	vadd.s32 s13, v2;
	v18 =	vadd.f32 v12, v7;
	v14 =	vld [tilespmem:s12+$0x10];
	[tilespmem:v17+s31+$0x0] =	vst.idx.msk $0xffff, v8  }
0x275: {  	s15 =	simm.s32 $0xA;
	s18 =	simm.s32 $0x8;
	s19 =	simm.s32 $0x3200;
	v11 =	vadd.s32 s30, v3;
	v17 =	vadd.s32 s23, v0;
	v12 =	vld [tilespmem:s8+$0x20];
	[tilespmem:v21+s31+$0x0] =	vst.idx.msk $0xffff, v16  }
0x276: {  	s0 =	simm.s32 $0x3200;
	s3 =	simm.s32 $0xB680;
	s22 =	simm.s32 $0x3200;
	v19 =	vadd.f32 v20, v6;
	[tilespmem:v22+s31+$0x0] =	vst.idx.msk $0xffff, v18;
	v16 =	vadd.s32 s11, v1;
	v8 =	vld [tilespmem:s10+$0x30];
	v18 =	vadd.f32 v23, v5  }
.LBB2_33:
0x277: {  	p1 =	slt.u32 s15, $0x7E;
	s20 =	smov.u32 s4  }
0x278: {  	v20 =	vld [tilespmem:s9+$0xFFFFFFC0];
	[tilespmem:v13+s31+$0x0] =	vst.idx.msk $0xffff, v19;
	v19 =	vadd.s32 s17, v2;
	v10 =	vadd.f32 v10, v4;
	s4 =	smov.u32 s7;
	s7 =	smov.u32 s18;
	s18 =	smov.u32 s15  }
0x279: {  	v13 =	vadd.f32 v15, v7;
	v21 =	vld [tilespmem:s12+$0xFFFFFFD0];
	[tilespmem:v9+s0+$0x0] =	vst.idx.msk $0xffff, v18;
	v18 =	vadd.s32 s1, v3;
	s1 =	smov.u32 s17;
	s17 =	smov.u32 s11;
	s11 =	smov.u32 s23  }
0x27a: {  	s25 =	simm.s32 $0x3200;
	v22 =	vadd.s32 s7, v0;
	v9 =	vadd.f32 v14, v6;
	v23 =	vld [tilespmem:s8+$0xFFFFFFE0];
	[tilespmem:v11+s22+$0x0] =	vst.idx.msk $0xffff, v10;
	s22 =	smov.u32 s0;
	s0 =	smov.u32 s31  }
.Ltmp17:
0x27b: {  	s9 =	sadd.s32 $0x80, s9;
	s31 =	smov.u32 s19;
	[tilespmem:v17+s25+$0x0] =	vst.idx.msk $0xffff, v13;
	v13 =	vadd.s32 s4, v1;
	v11 =	vadd.f32 v12, v5;
	v10 =	vld [tilespmem:s10+$0xFFFFFFF0];
	(pc) =	sbr.rel @p1 .LBB2_33-.Ltmp17, $4  }
0x27c: {  	s19 =	smov.u32 s25;
	s10 =	smov.u32 s8;
	s8 =	smov.u32 s12;
	v15 =	vld [tilespmem:s9+$0x0];
	[tilespmem:v16+s31+$0x0] =	vst.idx.msk $0xffff, v9;
	v9 =	vadd.s32 s20, v2;
	v8 =	vadd.f32 v8, v4  }
0x27d: {  	s23 =	sadd.s32 $0x1, s15;
	s12 =	smov.u32 s3;
	v16 =	vadd.f32 v20, v7;
	v14 =	vld [tilespmem:s3+$0x10];
	[tilespmem:v19+s0+$0x0] =	vst.idx.msk $0xffff, v11;
	v11 =	vadd.s32 s13, v3  }
0x27e: {  	v17 =	vadd.s32 s23, v0;
	v19 =	vadd.f32 v21, v6;
	v12 =	vld [tilespmem:s8+$0x20];
	[tilespmem:v18+s22+$0x0] =	vst.idx.msk $0xffff, v8  }
0x27f: {  	s15 =	sadd.s32 $0x2, s15;
	s3 =	smov.u32 s9;
	s13 =	smov.u32 s20;
	[tilespmem:v22+s19+$0x0] =	vst.idx.msk $0xffff, v16;
	v16 =	vadd.s32 s11, v1;
	v18 =	vadd.f32 v23, v5;
	v8 =	vld [tilespmem:s10+$0x30]  }
0x280: {  	v20 =	vld [tilespmem:s9+$0xFFFFFFC0];
	_ =	sdelay $0x1  }
0x281: {  	v21 =	vadd.s32 s18, v0;
	_ =	sdelay $0x1  }
0x282: {  	v15 =	vadd.f32 v15, v7  }
0x283: {  	v7 =	vadd.f32 v20, v7  }
0x284: {  	v41 =	vld [tilespmem:s12+$0xFFFFFFD0];
	[tilespmem:v17+s25+$0x0] =	vst.idx.msk $0xffff, v15  }
0x285: {  	v15 =	vld [tilespmem:s3+$0x10];
	[tilespmem:v21+s25+$0x0] =	vst.idx.msk $0xffff, v7  }
0x286: {  	v7 =	vadd.s32 s7, v1;
	v42 =	vld [tilespmem:s3+$0xFFFFFFD0]  }
0x287: {  	v43 =	vadd.s32 s23, v1  }
0x288: {  	v22 =	vadd.s32 s18, v1;
	v14 =	vadd.f32 v14, v6  }
0x289: {  	[tilespmem:v13+s31+$0x0] =	vst.idx.msk $0xffff, v19;
	v44 =	vadd.f32 v41, v6  }
0x28a: {  	v19 =	vld [tilespmem:s8+$0xFFFFFFE0];
	[tilespmem:v16+s19+$0x0] =	vst.idx.msk $0xffff, v14;
	v45 =	vadd.f32 v15, v6  }
0x28b: {  	v46 =	vadd.s32 s17, v2;
	v16 =	vld [tilespmem:s12+$0x20];
	[tilespmem:v7+s19+$0x0] =	vst.idx.msk $0xffff, v44;
	v6 =	vadd.f32 v42, v6  }
0x28c: {  	[tilespmem:v43+s25+$0x0] =	vst.idx.msk $0xffff, v45;
	v7 =	vadd.s32 s4, v2;
	v13 =	vld [tilespmem:s12+$0xFFFFFFE0]  }
0x28d: {  	v10 =	vadd.f32 v10, v4;
	v47 =	vadd.s32 s11, v2;
	v48 =	vld [tilespmem:s3+$0x20];
	[tilespmem:v22+s25+$0x0] =	vst.idx.msk $0xffff, v6  }
0x28e: {  	v49 =	vadd.s32 s7, v2;
	[tilespmem:v9+s0+$0x0] =	vst.idx.msk $0xffff, v18;
	v6 =	vadd.f32 v12, v5;
	v50 =	vld [tilespmem:s3+$0xFFFFFFE0]  }
0x28f: {  	v52 =	vadd.s32 s23, v2;
	[tilespmem:v11+s22+$0x0] =	vst.idx.msk $0xffff, v10;
	v51 =	vadd.f32 v19, v5  }
0x290: {  	v53 =	vadd.s32 s18, v2;
	v18 =	vld [tilespmem:s10+$0xFFFFFFF0];
	[tilespmem:v46+s31+$0x0] =	vst.idx.msk $0xffff, v6;
	v6 =	vadd.f32 v16, v5  }
0x291: {  	v54 =	vadd.s32 s1, v3;
	[tilespmem:v7+s31+$0x0] =	vst.idx.msk $0xffff, v51;
	v55 =	vld [tilespmem:s8+$0x30];
	v7 =	vadd.f32 v13, v5  }
0x292: {  	v56 =	vadd.s32 s13, v3;
	v57 =	vld [tilespmem:s8+$0xFFFFFFF0];
	[tilespmem:v47+s19+$0x0] =	vst.idx.msk $0xffff, v6;
	v6 =	vadd.f32 v48, v5  }
0x293: {  	v58 =	vadd.s32 s17, v3;
	v59 =	vld [tilespmem:s12+$0x30];
	[tilespmem:v49+s19+$0x0] =	vst.idx.msk $0xffff, v7;
	v5 =	vadd.f32 v50, v5  }
0x294: {  	v7 =	vadd.f32 v8, v4;
	v8 =	vadd.s32 s4, v3;
	v9 =	vld [tilespmem:s12+$0xFFFFFFF0];
	[tilespmem:v52+s25+$0x0] =	vst.idx.msk $0xffff, v6  }
0x295: {  	v60 =	vadd.s32 s11, v3;
	v6 =	vadd.f32 v18, v4;
	v61 =	vld [tilespmem:s3+$0x30];
	[tilespmem:v53+s25+$0x0] =	vst.idx.msk $0xffff, v5  }
0x296: {  	[tilespmem:v54+s0+$0x0] =	vst.idx.msk $0xffff, v7;
	v7 =	vadd.s32 s7, v3;
	v5 =	vadd.f32 v55, v4;
	v15 =	vld [tilespmem:s3+$0xFFFFFFF0]  }
0x297: {  	v62 =	vadd.s32 s23, v3;
	[tilespmem:v56+s0+$0x0] =	vst.idx.msk $0xffff, v6;
	v6 =	vadd.f32 v57, v4  }
0x298: {  	v63 =	vadd.s32 s18, v3;
	[tilespmem:v58+s31+$0x0] =	vst.idx.msk $0xffff, v5;
	v5 =	vadd.f32 v59, v4  }
0x299: {  	[tilespmem:v8+s31+$0x0] =	vst.idx.msk $0xffff, v6;
	v6 =	vadd.f32 v9, v4  }
0x29a: {  	[tilespmem:v60+s19+$0x0] =	vst.idx.msk $0xffff, v5;
	v5 =	vadd.f32 v61, v4  }
0x29b: {  	[tilespmem:v7+s19+$0x0] =	vst.idx.msk $0xffff, v6;
	v4 =	vadd.f32 v15, v4  }
0x29c: {  	[tilespmem:v62+s25+$0x0] =	vst.idx.msk $0xffff, v5  }
0x29d: {  	[tilespmem:v63+s25+$0x0] =	vst.idx.msk $0xffff, v4  }
0x29e: {  	v4 =	vld [tilespmem:s25+$0x81]  }
0x29f: {  	v5 =	vld [tilespmem:s25+$0x0]  }
0x2a0: {  	s23 =	simm.s32 $0x80;
	s25 =	simm.s32 $0x0  }
0x2a1: {  	s0 =	sand.u32 $0x380, s23;
	s1 =	sand.u32 $0x1C00, s25  }
0x2a2: {  	s29 =	simm.s32 $0x81;
	s30 =	sor.u32 s0, s1  }
0x2a3: {  	s31 =	simm.s32 $0x0;
	s1 =	simm.s32 $0x13480;
	s0 =	sand.u32 $0x1FFF, s29;
	[tilespmem:s30+$0x13440] =	vst v4  }
0x2a4: {  	s18 =	sand.u32 $0x1FFE, s31;
	[tilespmem:s1+$0xFFFFFFC0] =	vst v5;
	v4 =	vld [tilespmem:s0+$0x3210]  }
0x2a5: {  	v5 =	vld [tilespmem:s18+$0x3210]  }
0x2a6: {  	p3 =	por $0x1, $0x1  }
.Ltmp18:
0x2a7: {  	_ = 	snop;
	(pc) =	sbr.rel @!p3 .LBB2_35-.Ltmp18, $4  }
0x2a8: {  	s13 =	sadd.s32 $0x13440, s30  }
0x2a9: {  	[tilespmem:s13+$0x10] =	vst v4  }
0x2aa: {  	[tilespmem:s1+$0xFFFFFFD0] =	vst v5;
	v6 =	vld [tilespmem:s0+$0x3220]  }
0x2ab: {  	p1 =	por $0x0, $0x0;
	p2 =	por $0x0, $0x0;
	s3 =	simm.s32 $0x3302;
	v4 =	vld [tilespmem:s18+$0x3220]  }
0x2ac: {  	_ =	sdelay $0x1  }
0x2ad: {  	v5 =	vld [tilespmem:s3+$0x81]  }
0x2ae: {  	v7 =	vld [tilespmem:s3+$0x0];
	[tilespmem:s13+$0x20] =	vst v6  }
0x2af: {  	s30 =	simm.s32 $0x180;
	s4 =	simm.s32 $0x100;
	[tilespmem:s1+$0xFFFFFFE0] =	vst v4;
	v4 =	vld [tilespmem:s0+$0x3230]  }
0x2b0: {  	s4 =	sand.u32 $0x1C00, s4;
	s3 =	sand.u32 $0x380, s30;
	v6 =	vld [tilespmem:s18+$0x3230]  }
0x2b1: {  	s31 =	simm.s32 $0x183;
	s3 =	sor.u32 s3, s4  }
0x2b2: {  	s7 =	simm.s32 $0x102;
	s10 =	simm.s32 $0x13580;
	s8 =	sand.u32 $0x1FFF, s31;
	[tilespmem:s3+$0x13440] =	vst v5  }
0x2b3: {  	s11 =	sand.u32 $0x1FFE, s7;
	[tilespmem:s10+$0xFFFFFFC0] =	vst v7;
	v5 =	vld [tilespmem:s8+$0x3210]  }
0x2b4: {  	v7 =	vld [tilespmem:s11+$0x3210];
	[tilespmem:s13+$0x30] =	vst v4  }
0x2b5: {  	[tilespmem:s1+$0xFFFFFFF0] =	vst v6;
	v8 =	vld [tilespmem:s0+$0x3240]  }
0x2b6: {  	v9 =	vld [tilespmem:s18+$0x3240]  }
0x2b7: {  	p3 =	por $0x1, $0x1;
	s17 =	sadd.s32 $0x13440, s3  }
.Ltmp19:
0x2b8: {  	[tilespmem:s17+$0x10] =	vst v5;
	(pc) =	sbr.rel @!p3 .LBB2_37-.Ltmp19, $4  }
0x2b9: {  	[tilespmem:s10+$0xFFFFFFD0] =	vst v7;
	v6 =	vld [tilespmem:s8+$0x3220]  }
0x2ba: {  	v4 =	vld [tilespmem:s11+$0x3220];
	[tilespmem:s13+$0x40] =	vst v8  }
0x2bb: {  	[tilespmem:s1+$0x0] =	vst v9;
	v7 =	vld [tilespmem:s0+$0x3250]  }
0x2bc: {  	p1 =	por $0x1, $0x1;
	s20 =	simm.s32 $0x5340;
	s3 =	simm.s32 $0x3404;
	v8 =	vld [tilespmem:s18+$0x3250]  }
0x2bd: {  	v5 =	vld [tilespmem:s3+$0x81]  }
0x2be: {  	v9 =	vld [tilespmem:s3+$0x0];
	[tilespmem:s17+$0x20] =	vst v6  }
0x2bf: {  	s3 =	simm.s32 $0x280;
	s4 =	simm.s32 $0x200;
	[tilespmem:s10+$0xFFFFFFE0] =	vst v4;
	v4 =	vld [tilespmem:s8+$0x3230]  }
0x2c0: {  	s4 =	sand.u32 $0x1C00, s4;
	s7 =	sand.u32 $0x380, s3;
	v6 =	vld [tilespmem:s11+$0x3230];
	[tilespmem:s13+$0x50] =	vst v7  }
0x2c1: {  	s19 =	simm.s32 $0x285;
	s7 =	sor.u32 s7, s4;
	[tilespmem:s1+$0x10] =	vst v8;
	v7 =	vld [tilespmem:s0+$0x3260]  }
0x2c2: {  	s9 =	simm.s32 $0x204;
	s23 =	simm.s32 $0x13680;
	s4 =	sand.u32 $0x1FFF, s19;
	[tilespmem:s7+$0x13440] =	vst v5;
	v5 =	vld [tilespmem:s18+$0x3260]  }
0x2c3: {  	s12 =	sand.u32 $0x1FFE, s9;
	[tilespmem:s23+$0xFFFFFFC0] =	vst v9;
	v8 =	vld [tilespmem:s4+$0x3210]  }
0x2c4: {  	v9 =	vld [tilespmem:s12+$0x3210];
	[tilespmem:s17+$0x30] =	vst v4  }
0x2c5: {  	[tilespmem:s10+$0xFFFFFFF0] =	vst v6;
	v10 =	vld [tilespmem:s8+$0x3240]  }
0x2c6: {  	v11 =	vld [tilespmem:s11+$0x3240];
	[tilespmem:s13+$0x60] =	vst v7  }
0x2c7: {  	p3 =	por $0x1, $0x1;
	s7 =	sadd.s32 $0x13440, s7;
	[tilespmem:s1+$0x20] =	vst v5;
	v12 =	vld [tilespmem:s0+$0x3270]  }
.Ltmp20:
0x2c8: {  	[tilespmem:s7+$0x10] =	vst v8;
	v5 =	vld [tilespmem:s18+$0x3270];
	(pc) =	sbr.rel @!p3 .LBB2_39-.Ltmp20, $4  }
0x2c9: {  	[tilespmem:s23+$0xFFFFFFD0] =	vst v9;
	v6 =	vld [tilespmem:s4+$0x3220]  }
0x2ca: {  	v4 =	vld [tilespmem:s12+$0x3220];
	[tilespmem:s17+$0x40] =	vst v10  }
0x2cb: {  	[tilespmem:s10+$0x0] =	vst v11;
	v7 =	vld [tilespmem:s8+$0x3250]  }
0x2cc: {  	p2 =	por $0x1, $0x1;
	s9 =	simm.s32 $0x3506;
	s0 =	simm.s32 $0x4;
	v8 =	vld [tilespmem:s11+$0x3250];
	[tilespmem:s13+$0x70] =	vst v12  }
.LBB2_40:
0x2cd: {  	v9 =	vld [tilespmem:s9+$0x81];
	s0 =	sadd.s32 $0x2, s0;
	[tilespmem:s1+$0x30] =	vst v5;
	s1 =	smov.u32 s10;
	s10 =	smov.u32 s23  }
0x2ce: {  	s3 =	sadd.s32 $0x100, s3;
	v5 =	vld [tilespmem:s9+$0x0];
	p3 =	slt.u32 s0, $0x3E;
	[tilespmem:s7+$0x20] =	vst v6  }
0x2cf: {  	s13 =	sadd.s32 $0xFFFFFF80, s3;
	[tilespmem:s23+$0xFFFFFFE0] =	vst v4;
	v4 =	vld [tilespmem:s4+$0x3230]  }
0x2d0: {  	s15 =	sand.u32 $0x380, s3;
	s13 =	sand.u32 $0x1C00, s13;
	v6 =	vld [tilespmem:s12+$0x3230];
	[tilespmem:s17+$0x50] =	vst v7  }
0x2d1: {  	s19 =	sadd.s32 $0x102, s19;
	s13 =	sor.u32 s15, s13;
	[tilespmem:s1+$0x10] =	vst v8;
	v7 =	vld [tilespmem:s8+$0x3260]  }
0x2d2: {  	s18 =	sand.u32 $0x1FFF, s19;
	s23 =	sadd.s32 $0x100, s23;
	s15 =	sadd.s32 $0xFFFFFF7F, s19;
	[tilespmem:s13+$0x13440] =	vst v9;
	v8 =	vld [tilespmem:s11+$0x3260]  }
0x2d3: {  	s15 =	sand.u32 $0x1FFE, s15;
	[tilespmem:s23+$0xFFFFFFC0] =	vst v5;
	v5 =	vld [tilespmem:s18+$0x3210]  }
0x2d4: {  	v9 =	vld [tilespmem:s15+$0x3210];
	[tilespmem:s7+$0x30] =	vst v4  }
0x2d5: {  	[tilespmem:s10+$0xFFFFFFF0] =	vst v6;
	v10 =	vld [tilespmem:s4+$0x3240]  }
0x2d6: {  	v11 =	vld [tilespmem:s12+$0x3240];
	[tilespmem:s17+$0x60] =	vst v7  }
0x2d7: {  	s13 =	sadd.s32 $0x13440, s13;
	[tilespmem:s1+$0x20] =	vst v8;
	v12 =	vld [tilespmem:s8+$0x3270];
	s8 =	smov.u32 s4;
	s4 =	smov.u32 s18  }
.Ltmp21:
0x2d8: {  	[tilespmem:s13+$0x10] =	vst v5;
	v5 =	vld [tilespmem:s11+$0x3270];
	s11 =	smov.u32 s12;
	s12 =	smov.u32 s15;
	(pc) =	sbr.rel @p3 .LBB2_40-.Ltmp21, $4  }
0x2d9: {  	[tilespmem:s23+$0xFFFFFFD0] =	vst v9;
	v6 =	vld [tilespmem:s4+$0x3220]  }
0x2da: {  	v4 =	vld [tilespmem:s12+$0x3220];
	[tilespmem:s7+$0x40] =	vst v10  }
0x2db: {  	[tilespmem:s10+$0x0] =	vst v11;
	v7 =	vld [tilespmem:s8+$0x3250]  }
0x2dc: {  	s9 =	sadd.s32 $0x102, s9;
	v8 =	vld [tilespmem:s11+$0x3250];
	[tilespmem:s17+$0x70] =	vst v12;
	s17 =	smov.u32 s7;
	s7 =	smov.u32 s13  }
0x2dd: {  	s3 =	smov.u32 s1;
	s1 =	smov.u32 s10;
	s10 =	smov.u32 s23  }
0x2de: {  	s13 =	smov.u32 s17;
	s0 =	smov.u32 s8;
	s18 =	smov.u32 s11  }
.LBB2_42:
0x2df: {  	[tilespmem:s7+$0x20] =	vst v6  }
0x2e0: {  	[tilespmem:s10+$0xFFFFFFE0] =	vst v4;
	v4 =	vld [tilespmem:s4+$0x3230]  }
0x2e1: {  	v63 =	vld [tilespmem:s12+$0x3230];
	_ =	sdelay $0x3  }
0x2e2: {  	[tilespmem:s7+$0x30] =	vst v4  }
0x2e3: {  	[tilespmem:s10+$0xFFFFFFF0] =	vst v63;
	v4 =	vld [tilespmem:s4+$0x3240]  }
0x2e4: {  	v6 =	vld [tilespmem:s12+$0x3240];
	_ =	sdelay $0x3  }
0x2e5: {  	[tilespmem:s7+$0x40] =	vst v4  }
0x2e6: {  	[tilespmem:s10+$0x0] =	vst v6;
	v4 =	vld [tilespmem:s4+$0x3250]  }
0x2e7: {  	v6 =	vld [tilespmem:s12+$0x3250]  }
0x2e8: {  	[tilespmem:s13+$0x50] =	vst @p1 v7  }
0x2e9: {  	[tilespmem:s1+$0x10] =	vst @p1 v8;
	v7 =	vld @p1 [tilespmem:s0+$0x3260]  }
0x2ea: {  	v8 =	vld @p1 [tilespmem:s18+$0x3260]  }
0x2eb: {  	[tilespmem:s7+$0x50] =	vst v4  }
0x2ec: {  	[tilespmem:s10+$0x10] =	vst v6;
	v4 =	vld [tilespmem:s4+$0x3260]  }
0x2ed: {  	v6 =	vld [tilespmem:s12+$0x3260]  }
0x2ee: {  	[tilespmem:s13+$0x60] =	vst @p1 v7  }
0x2ef: {  	[tilespmem:s1+$0x20] =	vst @p1 v8;
	v7 =	vld @p1 [tilespmem:s0+$0x3270]  }
0x2f0: {  	v8 =	vld @p1 [tilespmem:s18+$0x3270]  }
0x2f1: {  	[tilespmem:s7+$0x60] =	vst v4  }
0x2f2: {  	[tilespmem:s10+$0x20] =	vst v6;
	v4 =	vld [tilespmem:s4+$0x3270]  }
0x2f3: {  	v6 =	vld [tilespmem:s12+$0x3270]  }
0x2f4: {  	[tilespmem:s3+$0x30] =	vst @p2 v5  }
.Ltmp22:
0x2f5: {  	s29 =	sshll.u32 s24, $0x12;
	s0 =	smov.u32 @p1 s1;
	[tilespmem:s13+$0x70] =	vst @p1 v7;
	v5 =	vpsel p1, v8, v0;
	(pc) =	sbr.rel @p0 .LBB2_44-.Ltmp22, $4  }
0x2f6: {  	s30 =	sor.u32 s14, s29;
	[tilespmem:s0+$0x30] =	vst @p1 v5  }
0x2f7: {  	s0 =	sshrl.u32 s30, $0x3;
	[tilespmem:s7+$0x70] =	vst v4  }
0x2f8: {  	s31 =	simm.s32 $0x13440;
	s0 =	sadd.s32 s2, s0;
	[tilespmem:s10+$0x30] =	vst v6  }
0x2f9: {  	[hbm4b:s0+s26] =	stream.strided.scatter [tilespmem:s31], [sflag:$0x8], $0x2000, s28, s26, $0x38;
	[tilespmem:$0x15440] =	vst v63  }
0x2fa: {  	s0 =	simm.s32 $0x6  }
0x2fb: {  	_ =	swait.ge [sflag:s0], $0x2000  }
0x2fc: {  	[sflag:s0] =	ssyncset.done $0x0  }
0x2fd: {  	s24 =	simm.s32 $0xA;
	[sflag:s0] =	ssyncadd.s32 $0xFFFFE000  }
0x2fe: {  	s25 =	simm.s32 $0x52C0;
	s1 =	simm.s32 $0x7440;
	_ =	swait.ge [sflag:s24], $0x80  }
0x2ff: {  	s29 =	sshll.u32 s16, $0xE;
	[sflag:s24] =	ssyncset.done $0x0;
	s30 =	rddreg [dreg:$0xa]  }
.Ltmp23:
0x300: {  	[sflag:s24] =	ssyncadd.s32 $0xFFFFFF80;
	s0 =	sadd.s32 s30, s29;
	(pc) =	sbr.rel .LBB2_2-.Ltmp23, $4  }
0x301: {  	[tilespmem:s1], [sflag:$0x2] =	stream.indirect.gather [hbm4b:s6+s21], $0x40, s25, s21, $0xb8;
	[tilespmem:$0x15440] =	vst v63  }
0x302: {  	s0 =	sshrl.u32 s0, $0x3  }
0x303: {  	s31 =	simm.s32 $0x0;
	s16 =	sadd.s32 $0x1, s16;
	s0 =	sadd.s32 s5, s0  }
0x304: {  	[tilespmem:s20], [sflag:$0xB] =	stream.linear.gather [hbm4b:s0+s31], $0x80, $0x38;
	[tilespmem:$0x15440] =	vst v63  }
.LBB2_5:
.Ltmp24:
0x305: {  	(pc) =	sbr.rel .LBB2_12-.Ltmp24, $3  }
0x306: {  	_ =	sdelay $0x1  }
0x307: {  	s4 =	smov.u32 s17  }
0x308: {  	s7 =	smov.u32 s0;
	s13 =	smov.u32 s18;
	s10 =	simm.s32 $0xD480  }
.LBB2_15:
.Ltmp25:
0x309: {  	(pc) =	sbr.rel .LBB2_22-.Ltmp25, $3  }
0x30a: {  	_ =	sdelay $0x1  }
0x30b: {  	s4 =	smov.u32 s18  }
0x30c: {  	s7 =	smov.u32 s0;
	s13 =	smov.u32 s19;
	s10 =	simm.s32 $0xF480  }
.LBB2_25:
.Ltmp26:
0x30d: {  	(pc) =	sbr.rel .LBB2_32-.Ltmp26, $3  }
0x30e: {  	_ =	sdelay $0x1  }
0x30f: {  	s7 =	smov.u32 s13  }
0x310: {  	s4 =	smov.u32 s0;
	s12 =	smov.u32 s19;
	s17 =	simm.s32 $0x11480  }
.LBB2_35:
.Ltmp27:
0x311: {  	(pc) =	sbr.rel .LBB2_42-.Ltmp27, $3  }
0x312: {  	_ =	sdelay $0x1  }
0x313: {  	s7 =	smov.u32 s13;
	s4 =	smov.u32 s0  }
0x314: {  	s12 =	smov.u32 s18;
	s10 =	simm.s32 $0x13480;
	s20 =	simm.s32 $0x5340  }
.LBB2_7:
.Ltmp28:
0x315: {  	(pc) =	sbr.rel .LBB2_12-.Ltmp28, $2  }
0x316: {  	_ =	sdelay $0x2  }
0x317: {  	s4 =	smov.u32 s8;
	s7 =	smov.u32 s11;
	s13 =	smov.u32 s12  }
.LBB2_17:
.Ltmp29:
0x318: {  	(pc) =	sbr.rel .LBB2_22-.Ltmp29, $2  }
0x319: {  	_ =	sdelay $0x2  }
0x31a: {  	s4 =	smov.u32 s8;
	s7 =	smov.u32 s11;
	s13 =	smov.u32 s12  }
.LBB2_27:
.Ltmp30:
0x31b: {  	(pc) =	sbr.rel .LBB2_32-.Ltmp30, $2  }
0x31c: {  	_ =	sdelay $0x2  }
0x31d: {  	s7 =	smov.u32 s18;
	s4 =	smov.u32 s8;
	s12 =	smov.u32 s11  }
.LBB2_37:
.Ltmp31:
0x31e: {  	(pc) =	sbr.rel .LBB2_42-.Ltmp31, $2  }
0x31f: {  	_ =	sdelay $0x2  }
0x320: {  	s7 =	smov.u32 s17;
	s4 =	smov.u32 s8;
	s12 =	smov.u32 s11  }
.LBB2_9:
.Ltmp32:
0x321: {  	(pc) =	sbr.rel .LBB2_12-.Ltmp32, $3  }
0x322: {  	_ =	sdelay $0x1  }
0x323: {  	s3 =	simm.s32 $0xD480;
	s1 =	simm.s32 $0xD580;
	s10 =	simm.s32 $0xD680  }
0x324: {  	s17 =	smov.u32 s8;
	s0 =	smov.u32 s11;
	s18 =	smov.u32 s12  }
.LBB2_19:
.Ltmp33:
0x325: {  	(pc) =	sbr.rel .LBB2_22-.Ltmp33, $3  }
0x326: {  	_ =	sdelay $0x1  }
0x327: {  	s3 =	simm.s32 $0xF480;
	s17 =	simm.s32 $0xF580;
	s10 =	simm.s32 $0xF680  }
0x328: {  	s18 =	smov.u32 s8;
	s0 =	smov.u32 s11;
	s19 =	smov.u32 s12  }
.LBB2_29:
.Ltmp34:
0x329: {  	(pc) =	sbr.rel .LBB2_32-.Ltmp34, $3  }
0x32a: {  	_ =	sdelay $0x1  }
0x32b: {  	s3 =	simm.s32 $0x11480;
	s10 =	simm.s32 $0x11580;
	s17 =	simm.s32 $0x11680  }
0x32c: {  	s13 =	smov.u32 s18;
	s0 =	smov.u32 s8;
	s19 =	smov.u32 s11  }
.LBB2_39:
.Ltmp35:
0x32d: {  	(pc) =	sbr.rel .LBB2_42-.Ltmp35, $3  }
0x32e: {  	_ =	sdelay $0x1  }
0x32f: {  	s3 =	simm.s32 $0x13480;
	s1 =	simm.s32 $0x13580;
	s10 =	simm.s32 $0x13680  }
0x330: {  	s13 =	smov.u32 s17;
	s0 =	smov.u32 s8;
	s18 =	smov.u32 s11  }
.LBB2_45:
0x331: {  	_ =	sfence.sel $0x180000  }
0x332: {  	[bflag:$0x0] =	sbarrier.arrive $0xFFFF  }
0x333: {  	_ =	strace $0x90000047  }
0x334: {  	s0 =	stileid.u32;
	[bflag:$0x2] =	sbarrier.arrive $0xFFFF  }
0x335: {  	p0 =	sne.s32 s0, $0x0;
	s0 =	rddreg [dreg:$0x3]  }
0x336: {  	s0 =	sadd.s32 @!p0 $0x100000, s0  }
0x337: {  	[sflag:s0] =	ssyncadd.tile.s32 @!p0 $0x1;
	_ =	shalt  }
.Lfunc_end2:
_tile_overlayer_lowered:
.L_overlay_start_2:
0x338: {  	(tag) =	ssettag $0x2  }
0x339: {  	s0 =	rddreg [dreg:$0x0];
	s2 =	stileid.u32  }
0x33a: {  	s1 =	rddreg [dreg:$0x1];
	p0 =	sne.s32 s2, $0x0  }
0x33b: {  	s3 =	rddreg [dreg:$0x2];
	[bflag:$0x3] =	sbarrier.arrive $0xFFFF;
	s2 =	simm.s32 @!p0 $0x1C0D  }
0x33c: {  	[timem:s3], [sflag:s2] =	dma.local @!p0 [hbm:s0], s1  }
0x33d: {  	s0 =	simm.s32 @!p0 $0xD  }
0x33e: {  	_ =	swait.ge @!p0 [sflag:s0], s1  }
0x33f: {  	s1 =	ssub.s32 @!p0 $0x0, s1;
	[sflag:s0] =	ssyncset.done @!p0 $0x0  }
0x340: {  	[sflag:s0] =	ssyncadd.s32 @!p0 s1  }
0x341: {  	[bflag:$0x3] =	sbarrier.arrive $0xFFFF  }
0x342: {  	_ =	shalt  }

</sc_bundles>
